<compile_context>
chip_gen: v7x
topology: tpu7x:2x2x1
jax: 0.10.2.dev20260603
libtpu: 0.0.44.dev20260713+nightly
codegen_flags: <defaults>
</compile_context>

<pallas_src>
import functools

import jax
import jax.numpy as jnp
from jax import lax
from jax.experimental import pallas as pl
from jax.experimental.pallas import tpu as pltpu
from jax.experimental.pallas import tpu_sc as plsc

_N = 4096
_K = 30
_CHUNK = 32
_NCHUNK = _N // _CHUNK
_TOPC = 32
_NEG = -1e15
_R = 256
_NW = 32
_ROWS_PER_W = _N // _NW
_CHUNKS_PER_W = _ROWS_PER_W * _TOPC


def _stage1_kernel(x_ref, idx_ref):
    x = x_ref[...]
    cm = jnp.max(x.reshape(_R, _NCHUNK, _CHUNK), axis=2)
    lane = lax.broadcasted_iota(jnp.int32, (_R, _NCHUNK), 1)
    i = pl.program_id(0)
    rowbase = (i * _R + lax.broadcasted_iota(jnp.int32, (_R, 1), 0)) * _NCHUNK
    work = cm
    cols = []
    for _ in range(_TOPC):
        m = jnp.max(work, axis=1, keepdims=True)
        hit = work == m
        cid = jnp.min(jnp.where(hit, lane, jnp.int32(_NCHUNK)), axis=1,
                      keepdims=True)
        cols.append(rowbase + cid)
        work = jnp.where(lane == cid, -jnp.inf, work)
    idx_ref[...] = jnp.concatenate(cols, axis=1)


def _stage3_kernel(x_ref, g_ref, o_ref):
    g = g_ref[...]
    gb = lax.bitcast_convert_type(g, jnp.int32)
    keyg = gb ^ jnp.bitwise_and(jnp.right_shift(gb, 31), jnp.int32(0x7FFFFFFF))
    min32 = jnp.int32(-(2**31))

    def body(i, w):
        bit = jnp.left_shift(jnp.int32(1), jnp.int32(31) - i)
        cand_w = jnp.bitwise_or(w, bit)
        cand_t = jnp.bitwise_xor(cand_w, min32)
        cnt = jnp.sum((keyg >= cand_t).astype(jnp.float32), axis=1,
                      keepdims=True)
        return jnp.where(cnt >= _K, cand_w, w)

    w0 = jnp.zeros((_R, 1), jnp.int32)
    w = lax.fori_loop(0, 32, body, w0)
    kth = jnp.bitwise_xor(w, min32)

    x = x_ref[...]
    bi = lax.bitcast_convert_type(x, jnp.int32)
    key = bi ^ jnp.bitwise_and(jnp.right_shift(bi, 31), jnp.int32(0x7FFFFFFF))
    keep = (key >= kth) & (x > 0.0)
    m = jnp.where(keep, x, _NEG)
    rowmax = jnp.max(m, axis=1, keepdims=True)
    e = jnp.exp(m - rowmax)
    s = jnp.sum(e, axis=1, keepdims=True)
    o_ref[...] = e / s


@functools.lru_cache(maxsize=1)
def _make_sc_gather():
    @functools.partial(
        pl.kernel,
        mesh=plsc.VectorSubcoreMesh(core_axis_name="c", subcore_axis_name="s"),
        compiler_params=pltpu.CompilerParams(use_tc_tiling_on_sc=False),
        out_type=jax.ShapeDtypeStruct((_N * _TOPC, _CHUNK), jnp.float32),
        scratch_types=[
            pltpu.VMEM((_TOPC, 128), jnp.int32),
            pltpu.VMEM((_CHUNKS_PER_W // 2, _CHUNK), jnp.float32),
            pltpu.SemaphoreType.DMA,
        ],
    )
    def _sc_gather(table_hbm, idx_hbm, out_hbm, idx_v, rows_v, sem):
        wid = lax.axis_index("s") * 2 + lax.axis_index("c")
        pltpu.sync_copy(idx_hbm.at[wid], idx_v)
        half_chunks = _CHUNKS_PER_W // 2
        for half in range(2):
            copies = []
            for j in range(16):
                jj = half * 16 + j
                copies.append(
                    pltpu.async_copy(
                        table_hbm.at[idx_v.at[jj]],
                        rows_v.at[pl.ds(j * 128, 128)],
                        sem,
                    )
                )
            for c in copies:
                c.wait()
            pltpu.sync_copy(
                rows_v,
                out_hbm.at[pl.ds(wid * _CHUNKS_PER_W + half * half_chunks,
                                 half_chunks)],
            )

    return _sc_gather


def kernel(new_supports):
    x = new_supports
    idx = pl.pallas_call(
        _stage1_kernel,
        grid=(_N // _R,),
        in_specs=[pl.BlockSpec((_R, _N), lambda i: (i, 0))],
        out_specs=pl.BlockSpec((_R, _TOPC), lambda i: (i, 0)),
        out_shape=jax.ShapeDtypeStruct((_N, _TOPC), jnp.int32),
    )(x)
    table = x.reshape(_N * _NCHUNK, _CHUNK)
    idx_sc = idx.reshape(_NW, _TOPC, 128)
    g = _make_sc_gather()(table, idx_sc)
    g = g.reshape(_N, _TOPC * _CHUNK)
    return pl.pallas_call(
        _stage3_kernel,
        grid=(_N // _R,),
        in_specs=[
            pl.BlockSpec((_R, _N), lambda i: (i, 0)),
            pl.BlockSpec((_R, _TOPC * _CHUNK), lambda i: (i, 0)),
        ],
        out_specs=pl.BlockSpec((_R, _N), lambda i: (i, 0)),
        out_shape=jax.ShapeDtypeStruct((_N, _N), jnp.float32),
    )(x, g)

# --- scband reference (transcript-rebuilt; emitter-appended) ---
"""Pipeline reference for scband-auto-graph-learner-43052752175246 (READ-ONLY COPY).

The authoritative reference and input builder live on the scoring server;
editing this copy changes nothing except your own understanding.
"""

import jax, jax.numpy as jnp
import numpy as np

NUM_NODES = 4096
SPARSE = 30
AGL_DIM = 32


def setup_inputs(seed: int = 0) -> dict:
    key = jax.random.key(seed)
    # learned parameter: dense supports matrix (torch init is ones; use randn so top-k is meaningful)
    new_supports = jax.random.normal(key, (NUM_NODES, NUM_NODES), dtype=jnp.float32)
    return {"new_supports": new_supports}


def graphs_re(A, sparse):
    # keep top-`sparse` entries per row, zero out the rest
    vals = jax.lax.top_k(A, sparse)[0]
    kth = vals[:, -1:]
    return jnp.where(A >= kth, A, 0.0)


def reference(new_supports):
    # eval-mode branch of Auto_graph_learner.forward():
    #   new_supports = graphs_re(new_supports, sparse)
    #   new_supports[new_supports <= 0] = -1e15
    #   new_supports = softmax(new_supports, dim=-1)
    m = graphs_re(new_supports, SPARSE)
    m = jnp.where(m <= 0.0, jnp.float32(-1e15), m)
    out = jax.nn.softmax(m, axis=-1)
    return out

if __name__ == "__main__":
    import jax
    _d = setup_inputs()
    print(jax.jit(kernel)(*tuple(_d.values())))

</pallas_src>

<mosaic_0001>
#map = affine_map<(d0, d1) -> (0, 0)>
#map1 = affine_map<(d0, d1) -> (0, 0, 0)>
module attributes {stable_mosaic.version = 14 : i64} {
  func.func @_sc_gather(%arg0: i32, %arg1: i32, %arg2: memref<524288x32xf32, #tpu.memory_space<hbm>>, %arg3: memref<32x32x128xi32, #tpu.memory_space<hbm>>, %arg4: memref<131072x32xf32, #tpu.memory_space<hbm>>, %arg5: memref<32x128xi32, #tpu.memory_space<vmem>>, %arg6: memref<2048x32xf32, #tpu.memory_space<vmem>>, %arg7: memref<!tpu.dma_semaphore, #tpu.memory_space<semaphore_mem>>) attributes {dimension_semantics = [#tpu.dimension_semantics<core_parallel>, #tpu.dimension_semantics<subcore_parallel>], iteration_bounds = array<i64: 2, 16>, scalar_prefetch = 0 : i64, scratch_operands = 3 : i64, tpu.core_type = #tpu.core_type<sc_vector_subcore>, window_params = [{transform_indices = #map}, {transform_indices = #map1}, {transform_indices = #map}]} {
    %mul3A = arith.constant 2 : i32
    %mul3A_0 = arith.muli %arg1, %mul3A : i32
    %add3A = arith.addi %mul3A_0, %arg0 : i32
    "tpu.region"() ({
      %run_scoped3A = tpu.sem_alloc : memref<!tpu.dma_semaphore, #tpu.memory_space<semaphore_mem>>
      %dma_start3A_647 = arith.constant 0 : i32
      %dma_start3A_648 = arith.constant 0 : i32
      %dma_start3A_649 = tpu.memref_slice %arg3[%add3A, %dma_start3A_647, %dma_start3A_648] : memref<32x32x128xi32, #tpu.memory_space<hbm>> -> memref<1x32x128xi32, #tpu.memory_space<hbm>>
      %dma_start3A_650 = tpu.memref_squeeze %dma_start3A_649 : memref<1x32x128xi32, #tpu.memory_space<hbm>> -> memref<32x128xi32, #tpu.memory_space<hbm>>
      %dma_start3A_651 = arith.constant 0 : i32
      %dma_start3A_652 = arith.constant 0 : i32
      %dma_start3A_653 = tpu.memref_slice %arg3[%add3A, %dma_start3A_651, %dma_start3A_652] : memref<32x32x128xi32, #tpu.memory_space<hbm>> -> memref<1x32x128xi32, #tpu.memory_space<hbm>>
      %dma_start3A_654 = tpu.memref_squeeze %dma_start3A_653 : memref<1x32x128xi32, #tpu.memory_space<hbm>> -> memref<32x128xi32, #tpu.memory_space<hbm>>
      tpu.enqueue_dma source(%dma_start3A_654 : memref<32x128xi32, #tpu.memory_space<hbm>>) target(%arg5 : memref<32x128xi32, #tpu.memory_space<vmem>>) target_semaphore(%run_scoped3A : memref<!tpu.dma_semaphore, #tpu.memory_space<semaphore_mem>>)
      %dma_wait3A_655 = arith.constant 0 : i32
      %dma_wait3A_656 = arith.constant 0 : i32
      %dma_wait3A_657 = tpu.memref_slice %arg3[%add3A, %dma_wait3A_655, %dma_wait3A_656] : memref<32x32x128xi32, #tpu.memory_space<hbm>> -> memref<1x32x128xi32, #tpu.memory_space<hbm>>
      %dma_wait3A_658 = tpu.memref_squeeze %dma_wait3A_657 : memref<1x32x128xi32, #tpu.memory_space<hbm>> -> memref<32x128xi32, #tpu.memory_space<hbm>>
      %dma_wait3A_659 = arith.constant 0 : i32
      %dma_wait3A_660 = arith.constant 0 : i32
      %dma_wait3A_661 = tpu.memref_slice %arg3[%add3A, %dma_wait3A_659, %dma_wait3A_660] : memref<32x32x128xi32, #tpu.memory_space<hbm>> -> memref<1x32x128xi32, #tpu.memory_space<hbm>>
      %dma_wait3A_662 = tpu.memref_squeeze %dma_wait3A_661 : memref<1x32x128xi32, #tpu.memory_space<hbm>> -> memref<32x128xi32, #tpu.memory_space<hbm>>
      tpu.wait_dma2 semaphore(%run_scoped3A : memref<!tpu.dma_semaphore, #tpu.memory_space<semaphore_mem>>) src(%dma_wait3A_662 : memref<32x128xi32, #tpu.memory_space<hbm>>) dst(%arg5 : memref<32x128xi32, #tpu.memory_space<vmem>>)
      tpu.yield
    }) : () -> ()
    %dma_start3A = arith.constant 0 : i32
    %dma_start3A_1 = arith.constant 0 : i32
    %dma_start3A_2 = arith.constant 0 : i32
    %dma_start3A_3 = tpu.memref_slice %arg6[%dma_start3A_1, %dma_start3A_2] : memref<2048x32xf32, #tpu.memory_space<vmem>> -> memref<128x32xf32, #tpu.memory_space<vmem>>
    %dma_start3A_4 = arith.constant 0 : i32
    %dma_start3A_5 = tpu.memref_slice %arg5[%dma_start3A, %dma_start3A_4] : memref<32x128xi32, #tpu.memory_space<vmem>> -> memref<1x128xi32, #tpu.memory_space<vmem>>
    %dma_start3A_6 = tpu.memref_squeeze %dma_start3A_5 : memref<1x128xi32, #tpu.memory_space<vmem>> -> memref<128xi32, #tpu.memory_space<vmem>>
    %dma_start3A_7 = arith.constant 0 : i32
    %dma_start3A_8 = arith.constant 0 : i32
    %dma_start3A_9 = tpu.memref_slice %arg2[%dma_start3A_7, %dma_start3A_8] : memref<524288x32xf32, #tpu.memory_space<hbm>> -> memref<524288x32xf32, #tpu.memory_space<hbm>>
    tpu.enqueue_indirect_dma source(%dma_start3A_9 : memref<524288x32xf32, #tpu.memory_space<hbm>>) target(%dma_start3A_3 : memref<128x32xf32, #tpu.memory_space<vmem>>) offsets(%dma_start3A_6 : memref<128xi32, #tpu.memory_space<vmem>>) semaphore(%arg7 : memref<!tpu.dma_semaphore, #tpu.memory_space<semaphore_mem>>)
    %dma_start3A_10 = arith.constant 1 : i32
    %dma_start3A_11 = arith.constant 128 : i32
    %dma_start3A_12 = arith.constant 0 : i32
    %dma_start3A_13 = tpu.memref_slice %arg6[%dma_start3A_11, %dma_start3A_12] : memref<2048x32xf32, #tpu.memory_space<vmem>> -> memref<128x32xf32, #tpu.memory_space<vmem>>
    %dma_start3A_14 = arith.constant 0 : i32
    %dma_start3A_15 = tpu.memref_slice %arg5[%dma_start3A_10, %dma_start3A_14] : memref<32x128xi32, #tpu.memory_space<vmem>> -> memref<1x128xi32, #tpu.memory_space<vmem>>
    %dma_start3A_16 = tpu.memref_squeeze %dma_start3A_15 : memref<1x128xi32, #tpu.memory_space<vmem>> -> memref<128xi32, #tpu.memory_space<vmem>>
    %dma_start3A_17 = arith.constant 0 : i32
    %dma_start3A_18 = arith.constant 0 : i32
    %dma_start3A_19 = tpu.memref_slice %arg2[%dma_start3A_17, %dma_start3A_18] : memref<524288x32xf32, #tpu.memory_space<hbm>> -> memref<524288x32xf32, #tpu.memory_space<hbm>>
    tpu.enqueue_indirect_dma source(%dma_start3A_19 : memref<524288x32xf32, #tpu.memory_space<hbm>>) target(%dma_start3A_13 : memref<128x32xf32, #tpu.memory_space<vmem>>) offsets(%dma_start3A_16 : memref<128xi32, #tpu.memory_space<vmem>>) semaphore(%arg7 : memref<!tpu.dma_semaphore, #tpu.memory_space<semaphore_mem>>)
    %dma_start3A_20 = arith.constant 2 : i32
    %dma_start3A_21 = arith.constant 256 : i32
    %dma_start3A_22 = arith.constant 0 : i32
    %dma_start3A_23 = tpu.memref_slice %arg6[%dma_start3A_21, %dma_start3A_22] : memref<2048x32xf32, #tpu.memory_space<vmem>> -> memref<128x32xf32, #tpu.memory_space<vmem>>
    %dma_start3A_24 = arith.constant 0 : i32
    %dma_start3A_25 = tpu.memref_slice %arg5[%dma_start3A_20, %dma_start3A_24] : memref<32x128xi32, #tpu.memory_space<vmem>> -> memref<1x128xi32, #tpu.memory_space<vmem>>
    %dma_start3A_26 = tpu.memref_squeeze %dma_start3A_25 : memref<1x128xi32, #tpu.memory_space<vmem>> -> memref<128xi32, #tpu.memory_space<vmem>>
    %dma_start3A_27 = arith.constant 0 : i32
    %dma_start3A_28 = arith.constant 0 : i32
    %dma_start3A_29 = tpu.memref_slice %arg2[%dma_start3A_27, %dma_start3A_28] : memref<524288x32xf32, #tpu.memory_space<hbm>> -> memref<524288x32xf32, #tpu.memory_space<hbm>>
    tpu.enqueue_indirect_dma source(%dma_start3A_29 : memref<524288x32xf32, #tpu.memory_space<hbm>>) target(%dma_start3A_23 : memref<128x32xf32, #tpu.memory_space<vmem>>) offsets(%dma_start3A_26 : memref<128xi32, #tpu.memory_space<vmem>>) semaphore(%arg7 : memref<!tpu.dma_semaphore, #tpu.memory_space<semaphore_mem>>)
    %dma_start3A_30 = arith.constant 3 : i32
    %dma_start3A_31 = arith.constant 384 : i32
    %dma_start3A_32 = arith.constant 0 : i32
    %dma_start3A_33 = tpu.memref_slice %arg6[%dma_start3A_31, %dma_start3A_32] : memref<2048x32xf32, #tpu.memory_space<vmem>> -> memref<128x32xf32, #tpu.memory_space<vmem>>
    %dma_start3A_34 = arith.constant 0 : i32
    %dma_start3A_35 = tpu.memref_slice %arg5[%dma_start3A_30, %dma_start3A_34] : memref<32x128xi32, #tpu.memory_space<vmem>> -> memref<1x128xi32, #tpu.memory_space<vmem>>
    %dma_start3A_36 = tpu.memref_squeeze %dma_start3A_35 : memref<1x128xi32, #tpu.memory_space<vmem>> -> memref<128xi32, #tpu.memory_space<vmem>>
    %dma_start3A_37 = arith.constant 0 : i32
    %dma_start3A_38 = arith.constant 0 : i32
    %dma_start3A_39 = tpu.memref_slice %arg2[%dma_start3A_37, %dma_start3A_38] : memref<524288x32xf32, #tpu.memory_space<hbm>> -> memref<524288x32xf32, #tpu.memory_space<hbm>>
    tpu.enqueue_indirect_dma source(%dma_start3A_39 : memref<524288x32xf32, #tpu.memory_space<hbm>>) target(%dma_start3A_33 : memref<128x32xf32, #tpu.memory_space<vmem>>) offsets(%dma_start3A_36 : memref<128xi32, #tpu.memory_space<vmem>>) semaphore(%arg7 : memref<!tpu.dma_semaphore, #tpu.memory_space<semaphore_mem>>)
    %dma_start3A_40 = arith.constant 4 : i32
    %dma_start3A_41 = arith.constant 512 : i32
    %dma_start3A_42 = arith.constant 0 : i32
    %dma_start3A_43 = tpu.memref_slice %arg6[%dma_start3A_41, %dma_start3A_42] : memref<2048x32xf32, #tpu.memory_space<vmem>> -> memref<128x32xf32, #tpu.memory_space<vmem>>
    %dma_start3A_44 = arith.constant 0 : i32
    %dma_start3A_45 = tpu.memref_slice %arg5[%dma_start3A_40, %dma_start3A_44] : memref<32x128xi32, #tpu.memory_space<vmem>> -> memref<1x128xi32, #tpu.memory_space<vmem>>
    %dma_start3A_46 = tpu.memref_squeeze %dma_start3A_45 : memref<1x128xi32, #tpu.memory_space<vmem>> -> memref<128xi32, #tpu.memory_space<vmem>>
    %dma_start3A_47 = arith.constant 0 : i32
    %dma_start3A_48 = arith.constant 0 : i32
    %dma_start3A_49 = tpu.memref_slice %arg2[%dma_start3A_47, %dma_start3A_48] : memref<524288x32xf32, #tpu.memory_space<hbm>> -> memref<524288x32xf32, #tpu.memory_space<hbm>>
    tpu.enqueue_indirect_dma source(%dma_start3A_49 : memref<524288x32xf32, #tpu.memory_space<hbm>>) target(%dma_start3A_43 : memref<128x32xf32, #tpu.memory_space<vmem>>) offsets(%dma_start3A_46 : memref<128xi32, #tpu.memory_space<vmem>>) semaphore(%arg7 : memref<!tpu.dma_semaphore, #tpu.memory_space<semaphore_mem>>)
    %dma_start3A_50 = arith.constant 5 : i32
    %dma_start3A_51 = arith.constant 640 : i32
    %dma_start3A_52 = arith.constant 0 : i32
    %dma_start3A_53 = tpu.memref_slice %arg6[%dma_start3A_51, %dma_start3A_52] : memref<2048x32xf32, #tpu.memory_space<vmem>> -> memref<128x32xf32, #tpu.memory_space<vmem>>
    %dma_start3A_54 = arith.constant 0 : i32
    %dma_start3A_55 = tpu.memref_slice %arg5[%dma_start3A_50, %dma_start3A_54] : memref<32x128xi32, #tpu.memory_space<vmem>> -> memref<1x128xi32, #tpu.memory_space<vmem>>
    %dma_start3A_56 = tpu.memref_squeeze %dma_start3A_55 : memref<1x128xi32, #tpu.memory_space<vmem>> -> memref<128xi32, #tpu.memory_space<vmem>>
    %dma_start3A_57 = arith.constant 0 : i32
    %dma_start3A_58 = arith.constant 0 : i32
    %dma_start3A_59 = tpu.memref_slice %arg2[%dma_start3A_57, %dma_start3A_58] : memref<524288x32xf32, #tpu.memory_space<hbm>> -> memref<524288x32xf32, #tpu.memory_space<hbm>>
    tpu.enqueue_indirect_dma source(%dma_start3A_59 : memref<524288x32xf32, #tpu.memory_space<hbm>>) target(%dma_start3A_53 : memref<128x32xf32, #tpu.memory_space<vmem>>) offsets(%dma_start3A_56 : memref<128xi32, #tpu.memory_space<vmem>>) semaphore(%arg7 : memref<!tpu.dma_semaphore, #tpu.memory_space<semaphore_mem>>)
    %dma_start3A_60 = arith.constant 6 : i32
    %dma_start3A_61 = arith.constant 768 : i32
    %dma_start3A_62 = arith.constant 0 : i32
    %dma_start3A_63 = tpu.memref_slice %arg6[%dma_start3A_61, %dma_start3A_62] : memref<2048x32xf32, #tpu.memory_space<vmem>> -> memref<128x32xf32, #tpu.memory_space<vmem>>
    %dma_start3A_64 = arith.constant 0 : i32
    %dma_start3A_65 = tpu.memref_slice %arg5[%dma_start3A_60, %dma_start3A_64] : memref<32x128xi32, #tpu.memory_space<vmem>> -> memref<1x128xi32, #tpu.memory_space<vmem>>
    %dma_start3A_66 = tpu.memref_squeeze %dma_start3A_65 : memref<1x128xi32, #tpu.memory_space<vmem>> -> memref<128xi32, #tpu.memory_space<vmem>>
    %dma_start3A_67 = arith.constant 0 : i32
    %dma_start3A_68 = arith.constant 0 : i32
    %dma_start3A_69 = tpu.memref_slice %arg2[%dma_start3A_67, %dma_start3A_68] : memref<524288x32xf32, #tpu.memory_space<hbm>> -> memref<524288x32xf32, #tpu.memory_space<hbm>>
    tpu.enqueue_indirect_dma source(%dma_start3A_69 : memref<524288x32xf32, #tpu.memory_space<hbm>>) target(%dma_start3A_63 : memref<128x32xf32, #tpu.memory_space<vmem>>) offsets(%dma_start3A_66 : memref<128xi32, #tpu.memory_space<vmem>>) semaphore(%arg7 : memref<!tpu.dma_semaphore, #tpu.memory_space<semaphore_mem>>)
    %dma_start3A_70 = arith.constant 7 : i32
    %dma_start3A_71 = arith.constant 896 : i32
    %dma_start3A_72 = arith.constant 0 : i32
    %dma_start3A_73 = tpu.memref_slice %arg6[%dma_start3A_71, %dma_start3A_72] : memref<2048x32xf32, #tpu.memory_space<vmem>> -> memref<128x32xf32, #tpu.memory_space<vmem>>
    %dma_start3A_74 = arith.constant 0 : i32
    %dma_start3A_75 = tpu.memref_slice %arg5[%dma_start3A_70, %dma_start3A_74] : memref<32x128xi32, #tpu.memory_space<vmem>> -> memref<1x128xi32, #tpu.memory_space<vmem>>
    %dma_start3A_76 = tpu.memref_squeeze %dma_start3A_75 : memref<1x128xi32, #tpu.memory_space<vmem>> -> memref<128xi32, #tpu.memory_space<vmem>>
    %dma_start3A_77 = arith.constant 0 : i32
    %dma_start3A_78 = arith.constant 0 : i32
    %dma_start3A_79 = tpu.memref_slice %arg2[%dma_start3A_77, %dma_start3A_78] : memref<524288x32xf32, #tpu.memory_space<hbm>> -> memref<524288x32xf32, #tpu.memory_space<hbm>>
    tpu.enqueue_indirect_dma source(%dma_start3A_79 : memref<524288x32xf32, #tpu.memory_space<hbm>>) target(%dma_start3A_73 : memref<128x32xf32, #tpu.memory_space<vmem>>) offsets(%dma_start3A_76 : memref<128xi32, #tpu.memory_space<vmem>>) semaphore(%arg7 : memref<!tpu.dma_semaphore, #tpu.memory_space<semaphore_mem>>)
    %dma_start3A_80 = arith.constant 8 : i32
    %dma_start3A_81 = arith.constant 1024 : i32
    %dma_start3A_82 = arith.constant 0 : i32
    %dma_start3A_83 = tpu.memref_slice %arg6[%dma_start3A_81, %dma_start3A_82] : memref<2048x32xf32, #tpu.memory_space<vmem>> -> memref<128x32xf32, #tpu.memory_space<vmem>>
    %dma_start3A_84 = arith.constant 0 : i32
    %dma_start3A_85 = tpu.memref_slice %arg5[%dma_start3A_80, %dma_start3A_84] : memref<32x128xi32, #tpu.memory_space<vmem>> -> memref<1x128xi32, #tpu.memory_space<vmem>>
    %dma_start3A_86 = tpu.memref_squeeze %dma_start3A_85 : memref<1x128xi32, #tpu.memory_space<vmem>> -> memref<128xi32, #tpu.memory_space<vmem>>
    %dma_start3A_87 = arith.constant 0 : i32
    %dma_start3A_88 = arith.constant 0 : i32
    %dma_start3A_89 = tpu.memref_slice %arg2[%dma_start3A_87, %dma_start3A_88] : memref<524288x32xf32, #tpu.memory_space<hbm>> -> memref<524288x32xf32, #tpu.memory_space<hbm>>
    tpu.enqueue_indirect_dma source(%dma_start3A_89 : memref<524288x32xf32, #tpu.memory_space<hbm>>) target(%dma_start3A_83 : memref<128x32xf32, #tpu.memory_space<vmem>>) offsets(%dma_start3A_86 : memref<128xi32, #tpu.memory_space<vmem>>) semaphore(%arg7 : memref<!tpu.dma_semaphore, #tpu.memory_space<semaphore_mem>>)
    %dma_start3A_90 = arith.constant 9 : i32
    %dma_start3A_91 = arith.constant 1152 : i32
    %dma_start3A_92 = arith.constant 0 : i32
    %dma_start3A_93 = tpu.memref_slice %arg6[%dma_start3A_91, %dma_start3A_92] : memref<2048x32xf32, #tpu.memory_space<vmem>> -> memref<128x32xf32, #tpu.memory_space<vmem>>
    %dma_start3A_94 = arith.constant 0 : i32
    %dma_start3A_95 = tpu.memref_slice %arg5[%dma_start3A_90, %dma_start3A_94] : memref<32x128xi32, #tpu.memory_space<vmem>> -> memref<1x128xi32, #tpu.memory_space<vmem>>
    %dma_start3A_96 = tpu.memref_squeeze %dma_start3A_95 : memref<1x128xi32, #tpu.memory_space<vmem>> -> memref<128xi32, #tpu.memory_space<vmem>>
    %dma_start3A_97 = arith.constant 0 : i32
    %dma_start3A_98 = arith.constant 0 : i32
    %dma_start3A_99 = tpu.memref_slice %arg2[%dma_start3A_97, %dma_start3A_98] : memref<524288x32xf32, #tpu.memory_space<hbm>> -> memref<524288x32xf32, #tpu.memory_space<hbm>>
    tpu.enqueue_indirect_dma source(%dma_start3A_99 : memref<524288x32xf32, #tpu.memory_space<hbm>>) target(%dma_start3A_93 : memref<128x32xf32, #tpu.memory_space<vmem>>) offsets(%dma_start3A_96 : memref<128xi32, #tpu.memory_space<vmem>>) semaphore(%arg7 : memref<!tpu.dma_semaphore, #tpu.memory_space<semaphore_mem>>)
    %dma_start3A_100 = arith.constant 10 : i32
    %dma_start3A_101 = arith.constant 1280 : i32
    %dma_start3A_102 = arith.constant 0 : i32
    %dma_start3A_103 = tpu.memref_slice %arg6[%dma_start3A_101, %dma_start3A_102] : memref<2048x32xf32, #tpu.memory_space<vmem>> -> memref<128x32xf32, #tpu.memory_space<vmem>>
    %dma_start3A_104 = arith.constant 0 : i32
    %dma_start3A_105 = tpu.memref_slice %arg5[%dma_start3A_100, %dma_start3A_104] : memref<32x128xi32, #tpu.memory_space<vmem>> -> memref<1x128xi32, #tpu.memory_space<vmem>>
    %dma_start3A_106 = tpu.memref_squeeze %dma_start3A_105 : memref<1x128xi32, #tpu.memory_space<vmem>> -> memref<128xi32, #tpu.memory_space<vmem>>
    %dma_start3A_107 = arith.constant 0 : i32
    %dma_start3A_108 = arith.constant 0 : i32
    %dma_start3A_109 = tpu.memref_slice %arg2[%dma_start3A_107, %dma_start3A_108] : memref<524288x32xf32, #tpu.memory_space<hbm>> -> memref<524288x32xf32, #tpu.memory_space<hbm>>
    tpu.enqueue_indirect_dma source(%dma_start3A_109 : memref<524288x32xf32, #tpu.memory_space<hbm>>) target(%dma_start3A_103 : memref<128x32xf32, #tpu.memory_space<vmem>>) offsets(%dma_start3A_106 : memref<128xi32, #tpu.memory_space<vmem>>) semaphore(%arg7 : memref<!tpu.dma_semaphore, #tpu.memory_space<semaphore_mem>>)
    %dma_start3A_110 = arith.constant 11 : i32
    %dma_start3A_111 = arith.constant 1408 : i32
    %dma_start3A_112 = arith.constant 0 : i32
    %dma_start3A_113 = tpu.memref_slice %arg6[%dma_start3A_111, %dma_start3A_112] : memref<2048x32xf32, #tpu.memory_space<vmem>> -> memref<128x32xf32, #tpu.memory_space<vmem>>
    %dma_start3A_114 = arith.constant 0 : i32
    %dma_start3A_115 = tpu.memref_slice %arg5[%dma_start3A_110, %dma_start3A_114] : memref<32x128xi32, #tpu.memory_space<vmem>> -> memref<1x128xi32, #tpu.memory_space<vmem>>
    %dma_start3A_116 = tpu.memref_squeeze %dma_start3A_115 : memref<1x128xi32, #tpu.memory_space<vmem>> -> memref<128xi32, #tpu.memory_space<vmem>>
    %dma_start3A_117 = arith.constant 0 : i32
    %dma_start3A_118 = arith.constant 0 : i32
    %dma_start3A_119 = tpu.memref_slice %arg2[%dma_start3A_117, %dma_start3A_118] : memref<524288x32xf32, #tpu.memory_space<hbm>> -> memref<524288x32xf32, #tpu.memory_space<hbm>>
    tpu.enqueue_indirect_dma source(%dma_start3A_119 : memref<524288x32xf32, #tpu.memory_space<hbm>>) target(%dma_start3A_113 : memref<128x32xf32, #tpu.memory_space<vmem>>) offsets(%dma_start3A_116 : memref<128xi32, #tpu.memory_space<vmem>>) semaphore(%arg7 : memref<!tpu.dma_semaphore, #tpu.memory_space<semaphore_mem>>)
    %dma_start3A_120 = arith.constant 12 : i32
    %dma_start3A_121 = arith.constant 1536 : i32
    %dma_start3A_122 = arith.constant 0 : i32
    %dma_start3A_123 = tpu.memref_slice %arg6[%dma_start3A_121, %dma_start3A_122] : memref<2048x32xf32, #tpu.memory_space<vmem>> -> memref<128x32xf32, #tpu.memory_space<vmem>>
    %dma_start3A_124 = arith.constant 0 : i32
    %dma_start3A_125 = tpu.memref_slice %arg5[%dma_start3A_120, %dma_start3A_124] : memref<32x128xi32, #tpu.memory_space<vmem>> -> memref<1x128xi32, #tpu.memory_space<vmem>>
    %dma_start3A_126 = tpu.memref_squeeze %dma_start3A_125 : memref<1x128xi32, #tpu.memory_space<vmem>> -> memref<128xi32, #tpu.memory_space<vmem>>
    %dma_start3A_127 = arith.constant 0 : i32
    %dma_start3A_128 = arith.constant 0 : i32
    %dma_start3A_129 = tpu.memref_slice %arg2[%dma_start3A_127, %dma_start3A_128] : memref<524288x32xf32, #tpu.memory_space<hbm>> -> memref<524288x32xf32, #tpu.memory_space<hbm>>
    tpu.enqueue_indirect_dma source(%dma_start3A_129 : memref<524288x32xf32, #tpu.memory_space<hbm>>) target(%dma_start3A_123 : memref<128x32xf32, #tpu.memory_space<vmem>>) offsets(%dma_start3A_126 : memref<128xi32, #tpu.memory_space<vmem>>) semaphore(%arg7 : memref<!tpu.dma_semaphore, #tpu.memory_space<semaphore_mem>>)
    %dma_start3A_130 = arith.constant 13 : i32
    %dma_start3A_131 = arith.constant 1664 : i32
    %dma_start3A_132 = arith.constant 0 : i32
    %dma_start3A_133 = tpu.memref_slice %arg6[%dma_start3A_131, %dma_start3A_132] : memref<2048x32xf32, #tpu.memory_space<vmem>> -> memref<128x32xf32, #tpu.memory_space<vmem>>
    %dma_start3A_134 = arith.constant 0 : i32
    %dma_start3A_135 = tpu.memref_slice %arg5[%dma_start3A_130, %dma_start3A_134] : memref<32x128xi32, #tpu.memory_space<vmem>> -> memref<1x128xi32, #tpu.memory_space<vmem>>
    %dma_start3A_136 = tpu.memref_squeeze %dma_start3A_135 : memref<1x128xi32, #tpu.memory_space<vmem>> -> memref<128xi32, #tpu.memory_space<vmem>>
    %dma_start3A_137 = arith.constant 0 : i32
    %dma_start3A_138 = arith.constant 0 : i32
    %dma_start3A_139 = tpu.memref_slice %arg2[%dma_start3A_137, %dma_start3A_138] : memref<524288x32xf32, #tpu.memory_space<hbm>> -> memref<524288x32xf32, #tpu.memory_space<hbm>>
    tpu.enqueue_indirect_dma source(%dma_start3A_139 : memref<524288x32xf32, #tpu.memory_space<hbm>>) target(%dma_start3A_133 : memref<128x32xf32, #tpu.memory_space<vmem>>) offsets(%dma_start3A_136 : memref<128xi32, #tpu.memory_space<vmem>>) semaphore(%arg7 : memref<!tpu.dma_semaphore, #tpu.memory_space<semaphore_mem>>)
    %dma_start3A_140 = arith.constant 14 : i32
    %dma_start3A_141 = arith.constant 1792 : i32
    %dma_start3A_142 = arith.constant 0 : i32
    %dma_start3A_143 = tpu.memref_slice %arg6[%dma_start3A_141, %dma_start3A_142] : memref<2048x32xf32, #tpu.memory_space<vmem>> -> memref<128x32xf32, #tpu.memory_space<vmem>>
    %dma_start3A_144 = arith.constant 0 : i32
    %dma_start3A_145 = tpu.memref_slice %arg5[%dma_start3A_140, %dma_start3A_144] : memref<32x128xi32, #tpu.memory_space<vmem>> -> memref<1x128xi32, #tpu.memory_space<vmem>>
    %dma_start3A_146 = tpu.memref_squeeze %dma_start3A_145 : memref<1x128xi32, #tpu.memory_space<vmem>> -> memref<128xi32, #tpu.memory_space<vmem>>
    %dma_start3A_147 = arith.constant 0 : i32
    %dma_start3A_148 = arith.constant 0 : i32
    %dma_start3A_149 = tpu.memref_slice %arg2[%dma_start3A_147, %dma_start3A_148] : memref<524288x32xf32, #tpu.memory_space<hbm>> -> memref<524288x32xf32, #tpu.memory_space<hbm>>
    tpu.enqueue_indirect_dma source(%dma_start3A_149 : memref<524288x32xf32, #tpu.memory_space<hbm>>) target(%dma_start3A_143 : memref<128x32xf32, #tpu.memory_space<vmem>>) offsets(%dma_start3A_146 : memref<128xi32, #tpu.memory_space<vmem>>) semaphore(%arg7 : memref<!tpu.dma_semaphore, #tpu.memory_space<semaphore_mem>>)
    %dma_start3A_150 = arith.constant 15 : i32
    %dma_start3A_151 = arith.constant 1920 : i32
    %dma_start3A_152 = arith.constant 0 : i32
    %dma_start3A_153 = tpu.memref_slice %arg6[%dma_start3A_151, %dma_start3A_152] : memref<2048x32xf32, #tpu.memory_space<vmem>> -> memref<128x32xf32, #tpu.memory_space<vmem>>
    %dma_start3A_154 = arith.constant 0 : i32
    %dma_start3A_155 = tpu.memref_slice %arg5[%dma_start3A_150, %dma_start3A_154] : memref<32x128xi32, #tpu.memory_space<vmem>> -> memref<1x128xi32, #tpu.memory_space<vmem>>
    %dma_start3A_156 = tpu.memref_squeeze %dma_start3A_155 : memref<1x128xi32, #tpu.memory_space<vmem>> -> memref<128xi32, #tpu.memory_space<vmem>>
    %dma_start3A_157 = arith.constant 0 : i32
    %dma_start3A_158 = arith.constant 0 : i32
    %dma_start3A_159 = tpu.memref_slice %arg2[%dma_start3A_157, %dma_start3A_158] : memref<524288x32xf32, #tpu.memory_space<hbm>> -> memref<524288x32xf32, #tpu.memory_space<hbm>>
    tpu.enqueue_indirect_dma source(%dma_start3A_159 : memref<524288x32xf32, #tpu.memory_space<hbm>>) target(%dma_start3A_153 : memref<128x32xf32, #tpu.memory_space<vmem>>) offsets(%dma_start3A_156 : memref<128xi32, #tpu.memory_space<vmem>>) semaphore(%arg7 : memref<!tpu.dma_semaphore, #tpu.memory_space<semaphore_mem>>)
    %dma_wait3A = arith.constant 0 : i32
    %dma_wait3A_160 = arith.constant 0 : i32
    %dma_wait3A_161 = arith.constant 0 : i32
    %dma_wait3A_162 = tpu.memref_slice %arg6[%dma_wait3A_160, %dma_wait3A_161] : memref<2048x32xf32, #tpu.memory_space<vmem>> -> memref<128x32xf32, #tpu.memory_space<vmem>>
    %dma_wait3A_163 = arith.constant 0 : i32
    %dma_wait3A_164 = tpu.memref_slice %arg5[%dma_wait3A, %dma_wait3A_163] : memref<32x128xi32, #tpu.memory_space<vmem>> -> memref<1x128xi32, #tpu.memory_space<vmem>>
    %dma_wait3A_165 = tpu.memref_squeeze %dma_wait3A_164 : memref<1x128xi32, #tpu.memory_space<vmem>> -> memref<128xi32, #tpu.memory_space<vmem>>
    %dma_wait3A_166 = arith.constant 0 : i32
    %dma_wait3A_167 = arith.constant 0 : i32
    %dma_wait3A_168 = tpu.memref_slice %arg2[%dma_wait3A_166, %dma_wait3A_167] : memref<524288x32xf32, #tpu.memory_space<hbm>> -> memref<524288x32xf32, #tpu.memory_space<hbm>>
    tpu.wait_indirect_dma semaphore(%arg7 : memref<!tpu.dma_semaphore, #tpu.memory_space<semaphore_mem>>) src(%dma_wait3A_168 : memref<524288x32xf32, #tpu.memory_space<hbm>>) dst(%dma_wait3A_162 : memref<128x32xf32, #tpu.memory_space<vmem>>)
    %dma_wait3A_169 = arith.constant 1 : i32
    %dma_wait3A_170 = arith.constant 128 : i32
    %dma_wait3A_171 = arith.constant 0 : i32
    %dma_wait3A_172 = tpu.memref_slice %arg6[%dma_wait3A_170, %dma_wait3A_171] : memref<2048x32xf32, #tpu.memory_space<vmem>> -> memref<128x32xf32, #tpu.memory_space<vmem>>
    %dma_wait3A_173 = arith.constant 0 : i32
    %dma_wait3A_174 = tpu.memref_slice %arg5[%dma_wait3A_169, %dma_wait3A_173] : memref<32x128xi32, #tpu.memory_space<vmem>> -> memref<1x128xi32, #tpu.memory_space<vmem>>
    %dma_wait3A_175 = tpu.memref_squeeze %dma_wait3A_174 : memref<1x128xi32, #tpu.memory_space<vmem>> -> memref<128xi32, #tpu.memory_space<vmem>>
    %dma_wait3A_176 = arith.constant 0 : i32
    %dma_wait3A_177 = arith.constant 0 : i32
    %dma_wait3A_178 = tpu.memref_slice %arg2[%dma_wait3A_176, %dma_wait3A_177] : memref<524288x32xf32, #tpu.memory_space<hbm>> -> memref<524288x32xf32, #tpu.memory_space<hbm>>
    tpu.wait_indirect_dma semaphore(%arg7 : memref<!tpu.dma_semaphore, #tpu.memory_space<semaphore_mem>>) src(%dma_wait3A_178 : memref<524288x32xf32, #tpu.memory_space<hbm>>) dst(%dma_wait3A_172 : memref<128x32xf32, #tpu.memory_space<vmem>>)
    %dma_wait3A_179 = arith.constant 2 : i32
    %dma_wait3A_180 = arith.constant 256 : i32
    %dma_wait3A_181 = arith.constant 0 : i32
    %dma_wait3A_182 = tpu.memref_slice %arg6[%dma_wait3A_180, %dma_wait3A_181] : memref<2048x32xf32, #tpu.memory_space<vmem>> -> memref<128x32xf32, #tpu.memory_space<vmem>>
    %dma_wait3A_183 = arith.constant 0 : i32
    %dma_wait3A_184 = tpu.memref_slice %arg5[%dma_wait3A_179, %dma_wait3A_183] : memref<32x128xi32, #tpu.memory_space<vmem>> -> memref<1x128xi32, #tpu.memory_space<vmem>>
    %dma_wait3A_185 = tpu.memref_squeeze %dma_wait3A_184 : memref<1x128xi32, #tpu.memory_space<vmem>> -> memref<128xi32, #tpu.memory_space<vmem>>
    %dma_wait3A_186 = arith.constant 0 : i32
    %dma_wait3A_187 = arith.constant 0 : i32
    %dma_wait3A_188 = tpu.memref_slice %arg2[%dma_wait3A_186, %dma_wait3A_187] : memref<524288x32xf32, #tpu.memory_space<hbm>> -> memref<524288x32xf32, #tpu.memory_space<hbm>>
    tpu.wait_indirect_dma semaphore(%arg7 : memref<!tpu.dma_semaphore, #tpu.memory_space<semaphore_mem>>) src(%dma_wait3A_188 : memref<524288x32xf32, #tpu.memory_space<hbm>>) dst(%dma_wait3A_182 : memref<128x32xf32, #tpu.memory_space<vmem>>)
    %dma_wait3A_189 = arith.constant 3 : i32
    %dma_wait3A_190 = arith.constant 384 : i32
    %dma_wait3A_191 = arith.constant 0 : i32
    %dma_wait3A_192 = tpu.memref_slice %arg6[%dma_wait3A_190, %dma_wait3A_191] : memref<2048x32xf32, #tpu.memory_space<vmem>> -> memref<128x32xf32, #tpu.memory_space<vmem>>
    %dma_wait3A_193 = arith.constant 0 : i32
    %dma_wait3A_194 = tpu.memref_slice %arg5[%dma_wait3A_189, %dma_wait3A_193] : memref<32x128xi32, #tpu.memory_space<vmem>> -> memref<1x128xi32, #tpu.memory_space<vmem>>
    %dma_wait3A_195 = tpu.memref_squeeze %dma_wait3A_194 : memref<1x128xi32, #tpu.memory_space<vmem>> -> memref<128xi32, #tpu.memory_space<vmem>>
    %dma_wait3A_196 = arith.constant 0 : i32
    %dma_wait3A_197 = arith.constant 0 : i32
    %dma_wait3A_198 = tpu.memref_slice %arg2[%dma_wait3A_196, %dma_wait3A_197] : memref<524288x32xf32, #tpu.memory_space<hbm>> -> memref<524288x32xf32, #tpu.memory_space<hbm>>
    tpu.wait_indirect_dma semaphore(%arg7 : memref<!tpu.dma_semaphore, #tpu.memory_space<semaphore_mem>>) src(%dma_wait3A_198 : memref<524288x32xf32, #tpu.memory_space<hbm>>) dst(%dma_wait3A_192 : memref<128x32xf32, #tpu.memory_space<vmem>>)
    %dma_wait3A_199 = arith.constant 4 : i32
    %dma_wait3A_200 = arith.constant 512 : i32
    %dma_wait3A_201 = arith.constant 0 : i32
    %dma_wait3A_202 = tpu.memref_slice %arg6[%dma_wait3A_200, %dma_wait3A_201] : memref<2048x32xf32, #tpu.memory_space<vmem>> -> memref<128x32xf32, #tpu.memory_space<vmem>>
    %dma_wait3A_203 = arith.constant 0 : i32
    %dma_wait3A_204 = tpu.memref_slice %arg5[%dma_wait3A_199, %dma_wait3A_203] : memref<32x128xi32, #tpu.memory_space<vmem>> -> memref<1x128xi32, #tpu.memory_space<vmem>>
    %dma_wait3A_205 = tpu.memref_squeeze %dma_wait3A_204 : memref<1x128xi32, #tpu.memory_space<vmem>> -> memref<128xi32, #tpu.memory_space<vmem>>
    %dma_wait3A_206 = arith.constant 0 : i32
    %dma_wait3A_207 = arith.constant 0 : i32
    %dma_wait3A_208 = tpu.memref_slice %arg2[%dma_wait3A_206, %dma_wait3A_207] : memref<524288x32xf32, #tpu.memory_space<hbm>> -> memref<524288x32xf32, #tpu.memory_space<hbm>>
    tpu.wait_indirect_dma semaphore(%arg7 : memref<!tpu.dma_semaphore, #tpu.memory_space<semaphore_mem>>) src(%dma_wait3A_208 : memref<524288x32xf32, #tpu.memory_space<hbm>>) dst(%dma_wait3A_202 : memref<128x32xf32, #tpu.memory_space<vmem>>)
    %dma_wait3A_209 = arith.constant 5 : i32
    %dma_wait3A_210 = arith.constant 640 : i32
    %dma_wait3A_211 = arith.constant 0 : i32
    %dma_wait3A_212 = tpu.memref_slice %arg6[%dma_wait3A_210, %dma_wait3A_211] : memref<2048x32xf32, #tpu.memory_space<vmem>> -> memref<128x32xf32, #tpu.memory_space<vmem>>
    %dma_wait3A_213 = arith.constant 0 : i32
    %dma_wait3A_214 = tpu.memref_slice %arg5[%dma_wait3A_209, %dma_wait3A_213] : memref<32x128xi32, #tpu.memory_space<vmem>> -> memref<1x128xi32, #tpu.memory_space<vmem>>
    %dma_wait3A_215 = tpu.memref_squeeze %dma_wait3A_214 : memref<1x128xi32, #tpu.memory_space<vmem>> -> memref<128xi32, #tpu.memory_space<vmem>>
    %dma_wait3A_216 = arith.constant 0 : i32
    %dma_wait3A_217 = arith.constant 0 : i32
    %dma_wait3A_218 = tpu.memref_slice %arg2[%dma_wait3A_216, %dma_wait3A_217] : memref<524288x32xf32, #tpu.memory_space<hbm>> -> memref<524288x32xf32, #tpu.memory_space<hbm>>
    tpu.wait_indirect_dma semaphore(%arg7 : memref<!tpu.dma_semaphore, #tpu.memory_space<semaphore_mem>>) src(%dma_wait3A_218 : memref<524288x32xf32, #tpu.memory_space<hbm>>) dst(%dma_wait3A_212 : memref<128x32xf32, #tpu.memory_space<vmem>>)
    %dma_wait3A_219 = arith.constant 6 : i32
    %dma_wait3A_220 = arith.constant 768 : i32
    %dma_wait3A_221 = arith.constant 0 : i32
    %dma_wait3A_222 = tpu.memref_slice %arg6[%dma_wait3A_220, %dma_wait3A_221] : memref<2048x32xf32, #tpu.memory_space<vmem>> -> memref<128x32xf32, #tpu.memory_space<vmem>>
    %dma_wait3A_223 = arith.constant 0 : i32
    %dma_wait3A_224 = tpu.memref_slice %arg5[%dma_wait3A_219, %dma_wait3A_223] : memref<32x128xi32, #tpu.memory_space<vmem>> -> memref<1x128xi32, #tpu.memory_space<vmem>>
    %dma_wait3A_225 = tpu.memref_squeeze %dma_wait3A_224 : memref<1x128xi32, #tpu.memory_space<vmem>> -> memref<128xi32, #tpu.memory_space<vmem>>
    %dma_wait3A_226 = arith.constant 0 : i32
    %dma_wait3A_227 = arith.constant 0 : i32
    %dma_wait3A_228 = tpu.memref_slice %arg2[%dma_wait3A_226, %dma_wait3A_227] : memref<524288x32xf32, #tpu.memory_space<hbm>> -> memref<524288x32xf32, #tpu.memory_space<hbm>>
    tpu.wait_indirect_dma semaphore(%arg7 : memref<!tpu.dma_semaphore, #tpu.memory_space<semaphore_mem>>) src(%dma_wait3A_228 : memref<524288x32xf32, #tpu.memory_space<hbm>>) dst(%dma_wait3A_222 : memref<128x32xf32, #tpu.memory_space<vmem>>)
    %dma_wait3A_229 = arith.constant 7 : i32
    %dma_wait3A_230 = arith.constant 896 : i32
    %dma_wait3A_231 = arith.constant 0 : i32
    %dma_wait3A_232 = tpu.memref_slice %arg6[%dma_wait3A_230, %dma_wait3A_231] : memref<2048x32xf32, #tpu.memory_space<vmem>> -> memref<128x32xf32, #tpu.memory_space<vmem>>
    %dma_wait3A_233 = arith.constant 0 : i32
    %dma_wait3A_234 = tpu.memref_slice %arg5[%dma_wait3A_229, %dma_wait3A_233] : memref<32x128xi32, #tpu.memory_space<vmem>> -> memref<1x128xi32, #tpu.memory_space<vmem>>
    %dma_wait3A_235 = tpu.memref_squeeze %dma_wait3A_234 : memref<1x128xi32, #tpu.memory_space<vmem>> -> memref<128xi32, #tpu.memory_space<vmem>>
    %dma_wait3A_236 = arith.constant 0 : i32
    %dma_wait3A_237 = arith.constant 0 : i32
    %dma_wait3A_238 = tpu.memref_slice %arg2[%dma_wait3A_236, %dma_wait3A_237] : memref<524288x32xf32, #tpu.memory_space<hbm>> -> memref<524288x32xf32, #tpu.memory_space<hbm>>
    tpu.wait_indirect_dma semaphore(%arg7 : memref<!tpu.dma_semaphore, #tpu.memory_space<semaphore_mem>>) src(%dma_wait3A_238 : memref<524288x32xf32, #tpu.memory_space<hbm>>) dst(%dma_wait3A_232 : memref<128x32xf32, #tpu.memory_space<vmem>>)
    %dma_wait3A_239 = arith.constant 8 : i32
    %dma_wait3A_240 = arith.constant 1024 : i32
    %dma_wait3A_241 = arith.constant 0 : i32
    %dma_wait3A_242 = tpu.memref_slice %arg6[%dma_wait3A_240, %dma_wait3A_241] : memref<2048x32xf32, #tpu.memory_space<vmem>> -> memref<128x32xf32, #tpu.memory_space<vmem>>
    %dma_wait3A_243 = arith.constant 0 : i32
    %dma_wait3A_244 = tpu.memref_slice %arg5[%dma_wait3A_239, %dma_wait3A_243] : memref<32x128xi32, #tpu.memory_space<vmem>> -> memref<1x128xi32, #tpu.memory_space<vmem>>
    %dma_wait3A_245 = tpu.memref_squeeze %dma_wait3A_244 : memref<1x128xi32, #tpu.memory_space<vmem>> -> memref<128xi32, #tpu.memory_space<vmem>>
    %dma_wait3A_246 = arith.constant 0 : i32
    %dma_wait3A_247 = arith.constant 0 : i32
    %dma_wait3A_248 = tpu.memref_slice %arg2[%dma_wait3A_246, %dma_wait3A_247] : memref<524288x32xf32, #tpu.memory_space<hbm>> -> memref<524288x32xf32, #tpu.memory_space<hbm>>
    tpu.wait_indirect_dma semaphore(%arg7 : memref<!tpu.dma_semaphore, #tpu.memory_space<semaphore_mem>>) src(%dma_wait3A_248 : memref<524288x32xf32, #tpu.memory_space<hbm>>) dst(%dma_wait3A_242 : memref<128x32xf32, #tpu.memory_space<vmem>>)
    %dma_wait3A_249 = arith.constant 9 : i32
    %dma_wait3A_250 = arith.constant 1152 : i32
    %dma_wait3A_251 = arith.constant 0 : i32
    %dma_wait3A_252 = tpu.memref_slice %arg6[%dma_wait3A_250, %dma_wait3A_251] : memref<2048x32xf32, #tpu.memory_space<vmem>> -> memref<128x32xf32, #tpu.memory_space<vmem>>
    %dma_wait3A_253 = arith.constant 0 : i32
    %dma_wait3A_254 = tpu.memref_slice %arg5[%dma_wait3A_249, %dma_wait3A_253] : memref<32x128xi32, #tpu.memory_space<vmem>> -> memref<1x128xi32, #tpu.memory_space<vmem>>
    %dma_wait3A_255 = tpu.memref_squeeze %dma_wait3A_254 : memref<1x128xi32, #tpu.memory_space<vmem>> -> memref<128xi32, #tpu.memory_space<vmem>>
    %dma_wait3A_256 = arith.constant 0 : i32
    %dma_wait3A_257 = arith.constant 0 : i32
    %dma_wait3A_258 = tpu.memref_slice %arg2[%dma_wait3A_256, %dma_wait3A_257] : memref<524288x32xf32, #tpu.memory_space<hbm>> -> memref<524288x32xf32, #tpu.memory_space<hbm>>
    tpu.wait_indirect_dma semaphore(%arg7 : memref<!tpu.dma_semaphore, #tpu.memory_space<semaphore_mem>>) src(%dma_wait3A_258 : memref<524288x32xf32, #tpu.memory_space<hbm>>) dst(%dma_wait3A_252 : memref<128x32xf32, #tpu.memory_space<vmem>>)
    %dma_wait3A_259 = arith.constant 10 : i32
    %dma_wait3A_260 = arith.constant 1280 : i32
    %dma_wait3A_261 = arith.constant 0 : i32
    %dma_wait3A_262 = tpu.memref_slice %arg6[%dma_wait3A_260, %dma_wait3A_261] : memref<2048x32xf32, #tpu.memory_space<vmem>> -> memref<128x32xf32, #tpu.memory_space<vmem>>
    %dma_wait3A_263 = arith.constant 0 : i32
    %dma_wait3A_264 = tpu.memref_slice %arg5[%dma_wait3A_259, %dma_wait3A_263] : memref<32x128xi32, #tpu.memory_space<vmem>> -> memref<1x128xi32, #tpu.memory_space<vmem>>
    %dma_wait3A_265 = tpu.memref_squeeze %dma_wait3A_264 : memref<1x128xi32, #tpu.memory_space<vmem>> -> memref<128xi32, #tpu.memory_space<vmem>>
    %dma_wait3A_266 = arith.constant 0 : i32
    %dma_wait3A_267 = arith.constant 0 : i32
    %dma_wait3A_268 = tpu.memref_slice %arg2[%dma_wait3A_266, %dma_wait3A_267] : memref<524288x32xf32, #tpu.memory_space<hbm>> -> memref<524288x32xf32, #tpu.memory_space<hbm>>
    tpu.wait_indirect_dma semaphore(%arg7 : memref<!tpu.dma_semaphore, #tpu.memory_space<semaphore_mem>>) src(%dma_wait3A_268 : memref<524288x32xf32, #tpu.memory_space<hbm>>) dst(%dma_wait3A_262 : memref<128x32xf32, #tpu.memory_space<vmem>>)
    %dma_wait3A_269 = arith.constant 11 : i32
    %dma_wait3A_270 = arith.constant 1408 : i32
    %dma_wait3A_271 = arith.constant 0 : i32
    %dma_wait3A_272 = tpu.memref_slice %arg6[%dma_wait3A_270, %dma_wait3A_271] : memref<2048x32xf32, #tpu.memory_space<vmem>> -> memref<128x32xf32, #tpu.memory_space<vmem>>
    %dma_wait3A_273 = arith.constant 0 : i32
    %dma_wait3A_274 = tpu.memref_slice %arg5[%dma_wait3A_269, %dma_wait3A_273] : memref<32x128xi32, #tpu.memory_space<vmem>> -> memref<1x128xi32, #tpu.memory_space<vmem>>
    %dma_wait3A_275 = tpu.memref_squeeze %dma_wait3A_274 : memref<1x128xi32, #tpu.memory_space<vmem>> -> memref<128xi32, #tpu.memory_space<vmem>>
    %dma_wait3A_276 = arith.constant 0 : i32
    %dma_wait3A_277 = arith.constant 0 : i32
    %dma_wait3A_278 = tpu.memref_slice %arg2[%dma_wait3A_276, %dma_wait3A_277] : memref<524288x32xf32, #tpu.memory_space<hbm>> -> memref<524288x32xf32, #tpu.memory_space<hbm>>
    tpu.wait_indirect_dma semaphore(%arg7 : memref<!tpu.dma_semaphore, #tpu.memory_space<semaphore_mem>>) src(%dma_wait3A_278 : memref<524288x32xf32, #tpu.memory_space<hbm>>) dst(%dma_wait3A_272 : memref<128x32xf32, #tpu.memory_space<vmem>>)
    %dma_wait3A_279 = arith.constant 12 : i32
    %dma_wait3A_280 = arith.constant 1536 : i32
    %dma_wait3A_281 = arith.constant 0 : i32
    %dma_wait3A_282 = tpu.memref_slice %arg6[%dma_wait3A_280, %dma_wait3A_281] : memref<2048x32xf32, #tpu.memory_space<vmem>> -> memref<128x32xf32, #tpu.memory_space<vmem>>
    %dma_wait3A_283 = arith.constant 0 : i32
    %dma_wait3A_284 = tpu.memref_slice %arg5[%dma_wait3A_279, %dma_wait3A_283] : memref<32x128xi32, #tpu.memory_space<vmem>> -> memref<1x128xi32, #tpu.memory_space<vmem>>
    %dma_wait3A_285 = tpu.memref_squeeze %dma_wait3A_284 : memref<1x128xi32, #tpu.memory_space<vmem>> -> memref<128xi32, #tpu.memory_space<vmem>>
    %dma_wait3A_286 = arith.constant 0 : i32
    %dma_wait3A_287 = arith.constant 0 : i32
    %dma_wait3A_288 = tpu.memref_slice %arg2[%dma_wait3A_286, %dma_wait3A_287] : memref<524288x32xf32, #tpu.memory_space<hbm>> -> memref<524288x32xf32, #tpu.memory_space<hbm>>
    tpu.wait_indirect_dma semaphore(%arg7 : memref<!tpu.dma_semaphore, #tpu.memory_space<semaphore_mem>>) src(%dma_wait3A_288 : memref<524288x32xf32, #tpu.memory_space<hbm>>) dst(%dma_wait3A_282 : memref<128x32xf32, #tpu.memory_space<vmem>>)
    %dma_wait3A_289 = arith.constant 13 : i32
    %dma_wait3A_290 = arith.constant 1664 : i32
    %dma_wait3A_291 = arith.constant 0 : i32
    %dma_wait3A_292 = tpu.memref_slice %arg6[%dma_wait3A_290, %dma_wait3A_291] : memref<2048x32xf32, #tpu.memory_space<vmem>> -> memref<128x32xf32, #tpu.memory_space<vmem>>
    %dma_wait3A_293 = arith.constant 0 : i32
    %dma_wait3A_294 = tpu.memref_slice %arg5[%dma_wait3A_289, %dma_wait3A_293] : memref<32x128xi32, #tpu.memory_space<vmem>> -> memref<1x128xi32, #tpu.memory_space<vmem>>
    %dma_wait3A_295 = tpu.memref_squeeze %dma_wait3A_294 : memref<1x128xi32, #tpu.memory_space<vmem>> -> memref<128xi32, #tpu.memory_space<vmem>>
    %dma_wait3A_296 = arith.constant 0 : i32
    %dma_wait3A_297 = arith.constant 0 : i32
    %dma_wait3A_298 = tpu.memref_slice %arg2[%dma_wait3A_296, %dma_wait3A_297] : memref<524288x32xf32, #tpu.memory_space<hbm>> -> memref<524288x32xf32, #tpu.memory_space<hbm>>
    tpu.wait_indirect_dma semaphore(%arg7 : memref<!tpu.dma_semaphore, #tpu.memory_space<semaphore_mem>>) src(%dma_wait3A_298 : memref<524288x32xf32, #tpu.memory_space<hbm>>) dst(%dma_wait3A_292 : memref<128x32xf32, #tpu.memory_space<vmem>>)
    %dma_wait3A_299 = arith.constant 14 : i32
    %dma_wait3A_300 = arith.constant 1792 : i32
    %dma_wait3A_301 = arith.constant 0 : i32
    %dma_wait3A_302 = tpu.memref_slice %arg6[%dma_wait3A_300, %dma_wait3A_301] : memref<2048x32xf32, #tpu.memory_space<vmem>> -> memref<128x32xf32, #tpu.memory_space<vmem>>
    %dma_wait3A_303 = arith.constant 0 : i32
    %dma_wait3A_304 = tpu.memref_slice %arg5[%dma_wait3A_299, %dma_wait3A_303] : memref<32x128xi32, #tpu.memory_space<vmem>> -> memref<1x128xi32, #tpu.memory_space<vmem>>
    %dma_wait3A_305 = tpu.memref_squeeze %dma_wait3A_304 : memref<1x128xi32, #tpu.memory_space<vmem>> -> memref<128xi32, #tpu.memory_space<vmem>>
    %dma_wait3A_306 = arith.constant 0 : i32
    %dma_wait3A_307 = arith.constant 0 : i32
    %dma_wait3A_308 = tpu.memref_slice %arg2[%dma_wait3A_306, %dma_wait3A_307] : memref<524288x32xf32, #tpu.memory_space<hbm>> -> memref<524288x32xf32, #tpu.memory_space<hbm>>
    tpu.wait_indirect_dma semaphore(%arg7 : memref<!tpu.dma_semaphore, #tpu.memory_space<semaphore_mem>>) src(%dma_wait3A_308 : memref<524288x32xf32, #tpu.memory_space<hbm>>) dst(%dma_wait3A_302 : memref<128x32xf32, #tpu.memory_space<vmem>>)
    %dma_wait3A_309 = arith.constant 15 : i32
    %dma_wait3A_310 = arith.constant 1920 : i32
    %dma_wait3A_311 = arith.constant 0 : i32
    %dma_wait3A_312 = tpu.memref_slice %arg6[%dma_wait3A_310, %dma_wait3A_311] : memref<2048x32xf32, #tpu.memory_space<vmem>> -> memref<128x32xf32, #tpu.memory_space<vmem>>
    %dma_wait3A_313 = arith.constant 0 : i32
    %dma_wait3A_314 = tpu.memref_slice %arg5[%dma_wait3A_309, %dma_wait3A_313] : memref<32x128xi32, #tpu.memory_space<vmem>> -> memref<1x128xi32, #tpu.memory_space<vmem>>
    %dma_wait3A_315 = tpu.memref_squeeze %dma_wait3A_314 : memref<1x128xi32, #tpu.memory_space<vmem>> -> memref<128xi32, #tpu.memory_space<vmem>>
    %dma_wait3A_316 = arith.constant 0 : i32
    %dma_wait3A_317 = arith.constant 0 : i32
    %dma_wait3A_318 = tpu.memref_slice %arg2[%dma_wait3A_316, %dma_wait3A_317] : memref<524288x32xf32, #tpu.memory_space<hbm>> -> memref<524288x32xf32, #tpu.memory_space<hbm>>
    tpu.wait_indirect_dma semaphore(%arg7 : memref<!tpu.dma_semaphore, #tpu.memory_space<semaphore_mem>>) src(%dma_wait3A_318 : memref<524288x32xf32, #tpu.memory_space<hbm>>) dst(%dma_wait3A_312 : memref<128x32xf32, #tpu.memory_space<vmem>>)
    %mul3A_319 = arith.constant 4096 : i32
    %mul3A_320 = arith.muli %add3A, %mul3A_319 : i32
    %add3A_321 = arith.constant 0 : i32
    %add3A_322 = arith.addi %mul3A_320, %add3A_321 : i32
    "tpu.region"() ({
      %run_scoped3A = tpu.sem_alloc : memref<!tpu.dma_semaphore, #tpu.memory_space<semaphore_mem>>
      %dma_start3A_647 = arith.constant 0 : i32
      %dma_start3A_648 = tpu.memref_slice %arg4[%add3A_322, %dma_start3A_647] : memref<131072x32xf32, #tpu.memory_space<hbm>> -> memref<2048x32xf32, #tpu.memory_space<hbm>>
      %dma_start3A_649 = arith.constant 0 : i32
      %dma_start3A_650 = tpu.memref_slice %arg4[%add3A_322, %dma_start3A_649] : memref<131072x32xf32, #tpu.memory_space<hbm>> -> memref<2048x32xf32, #tpu.memory_space<hbm>>
      tpu.enqueue_dma source(%arg6 : memref<2048x32xf32, #tpu.memory_space<vmem>>) target(%dma_start3A_650 : memref<2048x32xf32, #tpu.memory_space<hbm>>) target_semaphore(%run_scoped3A : memref<!tpu.dma_semaphore, #tpu.memory_space<semaphore_mem>>)
      %dma_wait3A_651 = arith.constant 0 : i32
      %dma_wait3A_652 = tpu.memref_slice %arg4[%add3A_322, %dma_wait3A_651] : memref<131072x32xf32, #tpu.memory_space<hbm>> -> memref<2048x32xf32, #tpu.memory_space<hbm>>
      %dma_wait3A_653 = arith.constant 0 : i32
      %dma_wait3A_654 = tpu.memref_slice %arg4[%add3A_322, %dma_wait3A_653] : memref<131072x32xf32, #tpu.memory_space<hbm>> -> memref<2048x32xf32, #tpu.memory_space<hbm>>
      tpu.wait_dma2 semaphore(%run_scoped3A : memref<!tpu.dma_semaphore, #tpu.memory_space<semaphore_mem>>) src(%arg6 : memref<2048x32xf32, #tpu.memory_space<vmem>>) dst(%dma_wait3A_654 : memref<2048x32xf32, #tpu.memory_space<hbm>>)
      tpu.yield
    }) : () -> ()
    %dma_start3A_323 = arith.constant 16 : i32
    %dma_start3A_324 = arith.constant 0 : i32
    %dma_start3A_325 = arith.constant 0 : i32
    %dma_start3A_326 = tpu.memref_slice %arg6[%dma_start3A_324, %dma_start3A_325] : memref<2048x32xf32, #tpu.memory_space<vmem>> -> memref<128x32xf32, #tpu.memory_space<vmem>>
    %dma_start3A_327 = arith.constant 0 : i32
    %dma_start3A_328 = tpu.memref_slice %arg5[%dma_start3A_323, %dma_start3A_327] : memref<32x128xi32, #tpu.memory_space<vmem>> -> memref<1x128xi32, #tpu.memory_space<vmem>>
    %dma_start3A_329 = tpu.memref_squeeze %dma_start3A_328 : memref<1x128xi32, #tpu.memory_space<vmem>> -> memref<128xi32, #tpu.memory_space<vmem>>
    %dma_start3A_330 = arith.constant 0 : i32
    %dma_start3A_331 = arith.constant 0 : i32
    %dma_start3A_332 = tpu.memref_slice %arg2[%dma_start3A_330, %dma_start3A_331] : memref<524288x32xf32, #tpu.memory_space<hbm>> -> memref<524288x32xf32, #tpu.memory_space<hbm>>
    tpu.enqueue_indirect_dma source(%dma_start3A_332 : memref<524288x32xf32, #tpu.memory_space<hbm>>) target(%dma_start3A_326 : memref<128x32xf32, #tpu.memory_space<vmem>>) offsets(%dma_start3A_329 : memref<128xi32, #tpu.memory_space<vmem>>) semaphore(%arg7 : memref<!tpu.dma_semaphore, #tpu.memory_space<semaphore_mem>>)
    %dma_start3A_333 = arith.constant 17 : i32
    %dma_start3A_334 = arith.constant 128 : i32
    %dma_start3A_335 = arith.constant 0 : i32
    %dma_start3A_336 = tpu.memref_slice %arg6[%dma_start3A_334, %dma_start3A_335] : memref<2048x32xf32, #tpu.memory_space<vmem>> -> memref<128x32xf32, #tpu.memory_space<vmem>>
    %dma_start3A_337 = arith.constant 0 : i32
    %dma_start3A_338 = tpu.memref_slice %arg5[%dma_start3A_333, %dma_start3A_337] : memref<32x128xi32, #tpu.memory_space<vmem>> -> memref<1x128xi32, #tpu.memory_space<vmem>>
    %dma_start3A_339 = tpu.memref_squeeze %dma_start3A_338 : memref<1x128xi32, #tpu.memory_space<vmem>> -> memref<128xi32, #tpu.memory_space<vmem>>
    %dma_start3A_340 = arith.constant 0 : i32
    %dma_start3A_341 = arith.constant 0 : i32
    %dma_start3A_342 = tpu.memref_slice %arg2[%dma_start3A_340, %dma_start3A_341] : memref<524288x32xf32, #tpu.memory_space<hbm>> -> memref<524288x32xf32, #tpu.memory_space<hbm>>
    tpu.enqueue_indirect_dma source(%dma_start3A_342 : memref<524288x32xf32, #tpu.memory_space<hbm>>) target(%dma_start3A_336 : memref<128x32xf32, #tpu.memory_space<vmem>>) offsets(%dma_start3A_339 : memref<128xi32, #tpu.memory_space<vmem>>) semaphore(%arg7 : memref<!tpu.dma_semaphore, #tpu.memory_space<semaphore_mem>>)
    %dma_start3A_343 = arith.constant 18 : i32
    %dma_start3A_344 = arith.constant 256 : i32
    %dma_start3A_345 = arith.constant 0 : i32
    %dma_start3A_346 = tpu.memref_slice %arg6[%dma_start3A_344, %dma_start3A_345] : memref<2048x32xf32, #tpu.memory_space<vmem>> -> memref<128x32xf32, #tpu.memory_space<vmem>>
    %dma_start3A_347 = arith.constant 0 : i32
    %dma_start3A_348 = tpu.memref_slice %arg5[%dma_start3A_343, %dma_start3A_347] : memref<32x128xi32, #tpu.memory_space<vmem>> -> memref<1x128xi32, #tpu.memory_space<vmem>>
    %dma_start3A_349 = tpu.memref_squeeze %dma_start3A_348 : memref<1x128xi32, #tpu.memory_space<vmem>> -> memref<128xi32, #tpu.memory_space<vmem>>
    %dma_start3A_350 = arith.constant 0 : i32
    %dma_start3A_351 = arith.constant 0 : i32
    %dma_start3A_352 = tpu.memref_slice %arg2[%dma_start3A_350, %dma_start3A_351] : memref<524288x32xf32, #tpu.memory_space<hbm>> -> memref<524288x32xf32, #tpu.memory_space<hbm>>
    tpu.enqueue_indirect_dma source(%dma_start3A_352 : memref<524288x32xf32, #tpu.memory_space<hbm>>) target(%dma_start3A_346 : memref<128x32xf32, #tpu.memory_space<vmem>>) offsets(%dma_start3A_349 : memref<128xi32, #tpu.memory_space<vmem>>) semaphore(%arg7 : memref<!tpu.dma_semaphore, #tpu.memory_space<semaphore_mem>>)
    %dma_start3A_353 = arith.constant 19 : i32
    %dma_start3A_354 = arith.constant 384 : i32
    %dma_start3A_355 = arith.constant 0 : i32
    %dma_start3A_356 = tpu.memref_slice %arg6[%dma_start3A_354, %dma_start3A_355] : memref<2048x32xf32, #tpu.memory_space<vmem>> -> memref<128x32xf32, #tpu.memory_space<vmem>>
    %dma_start3A_357 = arith.constant 0 : i32
    %dma_start3A_358 = tpu.memref_slice %arg5[%dma_start3A_353, %dma_start3A_357] : memref<32x128xi32, #tpu.memory_space<vmem>> -> memref<1x128xi32, #tpu.memory_space<vmem>>
    %dma_start3A_359 = tpu.memref_squeeze %dma_start3A_358 : memref<1x128xi32, #tpu.memory_space<vmem>> -> memref<128xi32, #tpu.memory_space<vmem>>
    %dma_start3A_360 = arith.constant 0 : i32
    %dma_start3A_361 = arith.constant 0 : i32
    %dma_start3A_362 = tpu.memref_slice %arg2[%dma_start3A_360, %dma_start3A_361] : memref<524288x32xf32, #tpu.memory_space<hbm>> -> memref<524288x32xf32, #tpu.memory_space<hbm>>
    tpu.enqueue_indirect_dma source(%dma_start3A_362 : memref<524288x32xf32, #tpu.memory_space<hbm>>) target(%dma_start3A_356 : memref<128x32xf32, #tpu.memory_space<vmem>>) offsets(%dma_start3A_359 : memref<128xi32, #tpu.memory_space<vmem>>) semaphore(%arg7 : memref<!tpu.dma_semaphore, #tpu.memory_space<semaphore_mem>>)
    %dma_start3A_363 = arith.constant 20 : i32
    %dma_start3A_364 = arith.constant 512 : i32
    %dma_start3A_365 = arith.constant 0 : i32
    %dma_start3A_366 = tpu.memref_slice %arg6[%dma_start3A_364, %dma_start3A_365] : memref<2048x32xf32, #tpu.memory_space<vmem>> -> memref<128x32xf32, #tpu.memory_space<vmem>>
    %dma_start3A_367 = arith.constant 0 : i32
    %dma_start3A_368 = tpu.memref_slice %arg5[%dma_start3A_363, %dma_start3A_367] : memref<32x128xi32, #tpu.memory_space<vmem>> -> memref<1x128xi32, #tpu.memory_space<vmem>>
    %dma_start3A_369 = tpu.memref_squeeze %dma_start3A_368 : memref<1x128xi32, #tpu.memory_space<vmem>> -> memref<128xi32, #tpu.memory_space<vmem>>
    %dma_start3A_370 = arith.constant 0 : i32
    %dma_start3A_371 = arith.constant 0 : i32
    %dma_start3A_372 = tpu.memref_slice %arg2[%dma_start3A_370, %dma_start3A_371] : memref<524288x32xf32, #tpu.memory_space<hbm>> -> memref<524288x32xf32, #tpu.memory_space<hbm>>
    tpu.enqueue_indirect_dma source(%dma_start3A_372 : memref<524288x32xf32, #tpu.memory_space<hbm>>) target(%dma_start3A_366 : memref<128x32xf32, #tpu.memory_space<vmem>>) offsets(%dma_start3A_369 : memref<128xi32, #tpu.memory_space<vmem>>) semaphore(%arg7 : memref<!tpu.dma_semaphore, #tpu.memory_space<semaphore_mem>>)
    %dma_start3A_373 = arith.constant 21 : i32
    %dma_start3A_374 = arith.constant 640 : i32
    %dma_start3A_375 = arith.constant 0 : i32
    %dma_start3A_376 = tpu.memref_slice %arg6[%dma_start3A_374, %dma_start3A_375] : memref<2048x32xf32, #tpu.memory_space<vmem>> -> memref<128x32xf32, #tpu.memory_space<vmem>>
    %dma_start3A_377 = arith.constant 0 : i32
    %dma_start3A_378 = tpu.memref_slice %arg5[%dma_start3A_373, %dma_start3A_377] : memref<32x128xi32, #tpu.memory_space<vmem>> -> memref<1x128xi32, #tpu.memory_space<vmem>>
    %dma_start3A_379 = tpu.memref_squeeze %dma_start3A_378 : memref<1x128xi32, #tpu.memory_space<vmem>> -> memref<128xi32, #tpu.memory_space<vmem>>
    %dma_start3A_380 = arith.constant 0 : i32
    %dma_start3A_381 = arith.constant 0 : i32
    %dma_start3A_382 = tpu.memref_slice %arg2[%dma_start3A_380, %dma_start3A_381] : memref<524288x32xf32, #tpu.memory_space<hbm>> -> memref<524288x32xf32, #tpu.memory_space<hbm>>
    tpu.enqueue_indirect_dma source(%dma_start3A_382 : memref<524288x32xf32, #tpu.memory_space<hbm>>) target(%dma_start3A_376 : memref<128x32xf32, #tpu.memory_space<vmem>>) offsets(%dma_start3A_379 : memref<128xi32, #tpu.memory_space<vmem>>) semaphore(%arg7 : memref<!tpu.dma_semaphore, #tpu.memory_space<semaphore_mem>>)
    %dma_start3A_383 = arith.constant 22 : i32
    %dma_start3A_384 = arith.constant 768 : i32
    %dma_start3A_385 = arith.constant 0 : i32
    %dma_start3A_386 = tpu.memref_slice %arg6[%dma_start3A_384, %dma_start3A_385] : memref<2048x32xf32, #tpu.memory_space<vmem>> -> memref<128x32xf32, #tpu.memory_space<vmem>>
    %dma_start3A_387 = arith.constant 0 : i32
    %dma_start3A_388 = tpu.memref_slice %arg5[%dma_start3A_383, %dma_start3A_387] : memref<32x128xi32, #tpu.memory_space<vmem>> -> memref<1x128xi32, #tpu.memory_space<vmem>>
    %dma_start3A_389 = tpu.memref_squeeze %dma_start3A_388 : memref<1x128xi32, #tpu.memory_space<vmem>> -> memref<128xi32, #tpu.memory_space<vmem>>
    %dma_start3A_390 = arith.constant 0 : i32
    %dma_start3A_391 = arith.constant 0 : i32
    %dma_start3A_392 = tpu.memref_slice %arg2[%dma_start3A_390, %dma_start3A_391] : memref<524288x32xf32, #tpu.memory_space<hbm>> -> memref<524288x32xf32, #tpu.memory_space<hbm>>
    tpu.enqueue_indirect_dma source(%dma_start3A_392 : memref<524288x32xf32, #tpu.memory_space<hbm>>) target(%dma_start3A_386 : memref<128x32xf32, #tpu.memory_space<vmem>>) offsets(%dma_start3A_389 : memref<128xi32, #tpu.memory_space<vmem>>) semaphore(%arg7 : memref<!tpu.dma_semaphore, #tpu.memory_space<semaphore_mem>>)
    %dma_start3A_393 = arith.constant 23 : i32
    %dma_start3A_394 = arith.constant 896 : i32
    %dma_start3A_395 = arith.constant 0 : i32
    %dma_start3A_396 = tpu.memref_slice %arg6[%dma_start3A_394, %dma_start3A_395] : memref<2048x32xf32, #tpu.memory_space<vmem>> -> memref<128x32xf32, #tpu.memory_space<vmem>>
    %dma_start3A_397 = arith.constant 0 : i32
    %dma_start3A_398 = tpu.memref_slice %arg5[%dma_start3A_393, %dma_start3A_397] : memref<32x128xi32, #tpu.memory_space<vmem>> -> memref<1x128xi32, #tpu.memory_space<vmem>>
    %dma_start3A_399 = tpu.memref_squeeze %dma_start3A_398 : memref<1x128xi32, #tpu.memory_space<vmem>> -> memref<128xi32, #tpu.memory_space<vmem>>
    %dma_start3A_400 = arith.constant 0 : i32
    %dma_start3A_401 = arith.constant 0 : i32
    %dma_start3A_402 = tpu.memref_slice %arg2[%dma_start3A_400, %dma_start3A_401] : memref<524288x32xf32, #tpu.memory_space<hbm>> -> memref<524288x32xf32, #tpu.memory_space<hbm>>
    tpu.enqueue_indirect_dma source(%dma_start3A_402 : memref<524288x32xf32, #tpu.memory_space<hbm>>) target(%dma_start3A_396 : memref<128x32xf32, #tpu.memory_space<vmem>>) offsets(%dma_start3A_399 : memref<128xi32, #tpu.memory_space<vmem>>) semaphore(%arg7 : memref<!tpu.dma_semaphore, #tpu.memory_space<semaphore_mem>>)
    %dma_start3A_403 = arith.constant 24 : i32
    %dma_start3A_404 = arith.constant 1024 : i32
    %dma_start3A_405 = arith.constant 0 : i32
    %dma_start3A_406 = tpu.memref_slice %arg6[%dma_start3A_404, %dma_start3A_405] : memref<2048x32xf32, #tpu.memory_space<vmem>> -> memref<128x32xf32, #tpu.memory_space<vmem>>
    %dma_start3A_407 = arith.constant 0 : i32
    %dma_start3A_408 = tpu.memref_slice %arg5[%dma_start3A_403, %dma_start3A_407] : memref<32x128xi32, #tpu.memory_space<vmem>> -> memref<1x128xi32, #tpu.memory_space<vmem>>
    %dma_start3A_409 = tpu.memref_squeeze %dma_start3A_408 : memref<1x128xi32, #tpu.memory_space<vmem>> -> memref<128xi32, #tpu.memory_space<vmem>>
    %dma_start3A_410 = arith.constant 0 : i32
    %dma_start3A_411 = arith.constant 0 : i32
    %dma_start3A_412 = tpu.memref_slice %arg2[%dma_start3A_410, %dma_start3A_411] : memref<524288x32xf32, #tpu.memory_space<hbm>> -> memref<524288x32xf32, #tpu.memory_space<hbm>>
    tpu.enqueue_indirect_dma source(%dma_start3A_412 : memref<524288x32xf32, #tpu.memory_space<hbm>>) target(%dma_start3A_406 : memref<128x32xf32, #tpu.memory_space<vmem>>) offsets(%dma_start3A_409 : memref<128xi32, #tpu.memory_space<vmem>>) semaphore(%arg7 : memref<!tpu.dma_semaphore, #tpu.memory_space<semaphore_mem>>)
    %dma_start3A_413 = arith.constant 25 : i32
    %dma_start3A_414 = arith.constant 1152 : i32
    %dma_start3A_415 = arith.constant 0 : i32
    %dma_start3A_416 = tpu.memref_slice %arg6[%dma_start3A_414, %dma_start3A_415] : memref<2048x32xf32, #tpu.memory_space<vmem>> -> memref<128x32xf32, #tpu.memory_space<vmem>>
    %dma_start3A_417 = arith.constant 0 : i32
    %dma_start3A_418 = tpu.memref_slice %arg5[%dma_start3A_413, %dma_start3A_417] : memref<32x128xi32, #tpu.memory_space<vmem>> -> memref<1x128xi32, #tpu.memory_space<vmem>>
    %dma_start3A_419 = tpu.memref_squeeze %dma_start3A_418 : memref<1x128xi32, #tpu.memory_space<vmem>> -> memref<128xi32, #tpu.memory_space<vmem>>
    %dma_start3A_420 = arith.constant 0 : i32
    %dma_start3A_421 = arith.constant 0 : i32
    %dma_start3A_422 = tpu.memref_slice %arg2[%dma_start3A_420, %dma_start3A_421] : memref<524288x32xf32, #tpu.memory_space<hbm>> -> memref<524288x32xf32, #tpu.memory_space<hbm>>
    tpu.enqueue_indirect_dma source(%dma_start3A_422 : memref<524288x32xf32, #tpu.memory_space<hbm>>) target(%dma_start3A_416 : memref<128x32xf32, #tpu.memory_space<vmem>>) offsets(%dma_start3A_419 : memref<128xi32, #tpu.memory_space<vmem>>) semaphore(%arg7 : memref<!tpu.dma_semaphore, #tpu.memory_space<semaphore_mem>>)
    %dma_start3A_423 = arith.constant 26 : i32
    %dma_start3A_424 = arith.constant 1280 : i32
    %dma_start3A_425 = arith.constant 0 : i32
    %dma_start3A_426 = tpu.memref_slice %arg6[%dma_start3A_424, %dma_start3A_425] : memref<2048x32xf32, #tpu.memory_space<vmem>> -> memref<128x32xf32, #tpu.memory_space<vmem>>
    %dma_start3A_427 = arith.constant 0 : i32
    %dma_start3A_428 = tpu.memref_slice %arg5[%dma_start3A_423, %dma_start3A_427] : memref<32x128xi32, #tpu.memory_space<vmem>> -> memref<1x128xi32, #tpu.memory_space<vmem>>
    %dma_start3A_429 = tpu.memref_squeeze %dma_start3A_428 : memref<1x128xi32, #tpu.memory_space<vmem>> -> memref<128xi32, #tpu.memory_space<vmem>>
    %dma_start3A_430 = arith.constant 0 : i32
    %dma_start3A_431 = arith.constant 0 : i32
    %dma_start3A_432 = tpu.memref_slice %arg2[%dma_start3A_430, %dma_start3A_431] : memref<524288x32xf32, #tpu.memory_space<hbm>> -> memref<524288x32xf32, #tpu.memory_space<hbm>>
    tpu.enqueue_indirect_dma source(%dma_start3A_432 : memref<524288x32xf32, #tpu.memory_space<hbm>>) target(%dma_start3A_426 : memref<128x32xf32, #tpu.memory_space<vmem>>) offsets(%dma_start3A_429 : memref<128xi32, #tpu.memory_space<vmem>>) semaphore(%arg7 : memref<!tpu.dma_semaphore, #tpu.memory_space<semaphore_mem>>)
    %dma_start3A_433 = arith.constant 27 : i32
    %dma_start3A_434 = arith.constant 1408 : i32
    %dma_start3A_435 = arith.constant 0 : i32
    %dma_start3A_436 = tpu.memref_slice %arg6[%dma_start3A_434, %dma_start3A_435] : memref<2048x32xf32, #tpu.memory_space<vmem>> -> memref<128x32xf32, #tpu.memory_space<vmem>>
    %dma_start3A_437 = arith.constant 0 : i32
    %dma_start3A_438 = tpu.memref_slice %arg5[%dma_start3A_433, %dma_start3A_437] : memref<32x128xi32, #tpu.memory_space<vmem>> -> memref<1x128xi32, #tpu.memory_space<vmem>>
    %dma_start3A_439 = tpu.memref_squeeze %dma_start3A_438 : memref<1x128xi32, #tpu.memory_space<vmem>> -> memref<128xi32, #tpu.memory_space<vmem>>
    %dma_start3A_440 = arith.constant 0 : i32
    %dma_start3A_441 = arith.constant 0 : i32
    %dma_start3A_442 = tpu.memref_slice %arg2[%dma_start3A_440, %dma_start3A_441] : memref<524288x32xf32, #tpu.memory_space<hbm>> -> memref<524288x32xf32, #tpu.memory_space<hbm>>
    tpu.enqueue_indirect_dma source(%dma_start3A_442 : memref<524288x32xf32, #tpu.memory_space<hbm>>) target(%dma_start3A_436 : memref<128x32xf32, #tpu.memory_space<vmem>>) offsets(%dma_start3A_439 : memref<128xi32, #tpu.memory_space<vmem>>) semaphore(%arg7 : memref<!tpu.dma_semaphore, #tpu.memory_space<semaphore_mem>>)
    %dma_start3A_443 = arith.constant 28 : i32
    %dma_start3A_444 = arith.constant 1536 : i32
    %dma_start3A_445 = arith.constant 0 : i32
    %dma_start3A_446 = tpu.memref_slice %arg6[%dma_start3A_444, %dma_start3A_445] : memref<2048x32xf32, #tpu.memory_space<vmem>> -> memref<128x32xf32, #tpu.memory_space<vmem>>
    %dma_start3A_447 = arith.constant 0 : i32
    %dma_start3A_448 = tpu.memref_slice %arg5[%dma_start3A_443, %dma_start3A_447] : memref<32x128xi32, #tpu.memory_space<vmem>> -> memref<1x128xi32, #tpu.memory_space<vmem>>
    %dma_start3A_449 = tpu.memref_squeeze %dma_start3A_448 : memref<1x128xi32, #tpu.memory_space<vmem>> -> memref<128xi32, #tpu.memory_space<vmem>>
    %dma_start3A_450 = arith.constant 0 : i32
    %dma_start3A_451 = arith.constant 0 : i32
    %dma_start3A_452 = tpu.memref_slice %arg2[%dma_start3A_450, %dma_start3A_451] : memref<524288x32xf32, #tpu.memory_space<hbm>> -> memref<524288x32xf32, #tpu.memory_space<hbm>>
    tpu.enqueue_indirect_dma source(%dma_start3A_452 : memref<524288x32xf32, #tpu.memory_space<hbm>>) target(%dma_start3A_446 : memref<128x32xf32, #tpu.memory_space<vmem>>) offsets(%dma_start3A_449 : memref<128xi32, #tpu.memory_space<vmem>>) semaphore(%arg7 : memref<!tpu.dma_semaphore, #tpu.memory_space<semaphore_mem>>)
    %dma_start3A_453 = arith.constant 29 : i32
    %dma_start3A_454 = arith.constant 1664 : i32
    %dma_start3A_455 = arith.constant 0 : i32
    %dma_start3A_456 = tpu.memref_slice %arg6[%dma_start3A_454, %dma_start3A_455] : memref<2048x32xf32, #tpu.memory_space<vmem>> -> memref<128x32xf32, #tpu.memory_space<vmem>>
    %dma_start3A_457 = arith.constant 0 : i32
    %dma_start3A_458 = tpu.memref_slice %arg5[%dma_start3A_453, %dma_start3A_457] : memref<32x128xi32, #tpu.memory_space<vmem>> -> memref<1x128xi32, #tpu.memory_space<vmem>>
    %dma_start3A_459 = tpu.memref_squeeze %dma_start3A_458 : memref<1x128xi32, #tpu.memory_space<vmem>> -> memref<128xi32, #tpu.memory_space<vmem>>
    %dma_start3A_460 = arith.constant 0 : i32
    %dma_start3A_461 = arith.constant 0 : i32
    %dma_start3A_462 = tpu.memref_slice %arg2[%dma_start3A_460, %dma_start3A_461] : memref<524288x32xf32, #tpu.memory_space<hbm>> -> memref<524288x32xf32, #tpu.memory_space<hbm>>
    tpu.enqueue_indirect_dma source(%dma_start3A_462 : memref<524288x32xf32, #tpu.memory_space<hbm>>) target(%dma_start3A_456 : memref<128x32xf32, #tpu.memory_space<vmem>>) offsets(%dma_start3A_459 : memref<128xi32, #tpu.memory_space<vmem>>) semaphore(%arg7 : memref<!tpu.dma_semaphore, #tpu.memory_space<semaphore_mem>>)
    %dma_start3A_463 = arith.constant 30 : i32
    %dma_start3A_464 = arith.constant 1792 : i32
    %dma_start3A_465 = arith.constant 0 : i32
    %dma_start3A_466 = tpu.memref_slice %arg6[%dma_start3A_464, %dma_start3A_465] : memref<2048x32xf32, #tpu.memory_space<vmem>> -> memref<128x32xf32, #tpu.memory_space<vmem>>
    %dma_start3A_467 = arith.constant 0 : i32
    %dma_start3A_468 = tpu.memref_slice %arg5[%dma_start3A_463, %dma_start3A_467] : memref<32x128xi32, #tpu.memory_space<vmem>> -> memref<1x128xi32, #tpu.memory_space<vmem>>
    %dma_start3A_469 = tpu.memref_squeeze %dma_start3A_468 : memref<1x128xi32, #tpu.memory_space<vmem>> -> memref<128xi32, #tpu.memory_space<vmem>>
    %dma_start3A_470 = arith.constant 0 : i32
    %dma_start3A_471 = arith.constant 0 : i32
    %dma_start3A_472 = tpu.memref_slice %arg2[%dma_start3A_470, %dma_start3A_471] : memref<524288x32xf32, #tpu.memory_space<hbm>> -> memref<524288x32xf32, #tpu.memory_space<hbm>>
    tpu.enqueue_indirect_dma source(%dma_start3A_472 : memref<524288x32xf32, #tpu.memory_space<hbm>>) target(%dma_start3A_466 : memref<128x32xf32, #tpu.memory_space<vmem>>) offsets(%dma_start3A_469 : memref<128xi32, #tpu.memory_space<vmem>>) semaphore(%arg7 : memref<!tpu.dma_semaphore, #tpu.memory_space<semaphore_mem>>)
    %dma_start3A_473 = arith.constant 31 : i32
    %dma_start3A_474 = arith.constant 1920 : i32
    %dma_start3A_475 = arith.constant 0 : i32
    %dma_start3A_476 = tpu.memref_slice %arg6[%dma_start3A_474, %dma_start3A_475] : memref<2048x32xf32, #tpu.memory_space<vmem>> -> memref<128x32xf32, #tpu.memory_space<vmem>>
    %dma_start3A_477 = arith.constant 0 : i32
    %dma_start3A_478 = tpu.memref_slice %arg5[%dma_start3A_473, %dma_start3A_477] : memref<32x128xi32, #tpu.memory_space<vmem>> -> memref<1x128xi32, #tpu.memory_space<vmem>>
    %dma_start3A_479 = tpu.memref_squeeze %dma_start3A_478 : memref<1x128xi32, #tpu.memory_space<vmem>> -> memref<128xi32, #tpu.memory_space<vmem>>
    %dma_start3A_480 = arith.constant 0 : i32
    %dma_start3A_481 = arith.constant 0 : i32
    %dma_start3A_482 = tpu.memref_slice %arg2[%dma_start3A_480, %dma_start3A_481] : memref<524288x32xf32, #tpu.memory_space<hbm>> -> memref<524288x32xf32, #tpu.memory_space<hbm>>
    tpu.enqueue_indirect_dma source(%dma_start3A_482 : memref<524288x32xf32, #tpu.memory_space<hbm>>) target(%dma_start3A_476 : memref<128x32xf32, #tpu.memory_space<vmem>>) offsets(%dma_start3A_479 : memref<128xi32, #tpu.memory_space<vmem>>) semaphore(%arg7 : memref<!tpu.dma_semaphore, #tpu.memory_space<semaphore_mem>>)
    %dma_wait3A_483 = arith.constant 16 : i32
    %dma_wait3A_484 = arith.constant 0 : i32
    %dma_wait3A_485 = arith.constant 0 : i32
    %dma_wait3A_486 = tpu.memref_slice %arg6[%dma_wait3A_484, %dma_wait3A_485] : memref<2048x32xf32, #tpu.memory_space<vmem>> -> memref<128x32xf32, #tpu.memory_space<vmem>>
    %dma_wait3A_487 = arith.constant 0 : i32
    %dma_wait3A_488 = tpu.memref_slice %arg5[%dma_wait3A_483, %dma_wait3A_487] : memref<32x128xi32, #tpu.memory_space<vmem>> -> memref<1x128xi32, #tpu.memory_space<vmem>>
    %dma_wait3A_489 = tpu.memref_squeeze %dma_wait3A_488 : memref<1x128xi32, #tpu.memory_space<vmem>> -> memref<128xi32, #tpu.memory_space<vmem>>
    %dma_wait3A_490 = arith.constant 0 : i32
    %dma_wait3A_491 = arith.constant 0 : i32
    %dma_wait3A_492 = tpu.memref_slice %arg2[%dma_wait3A_490, %dma_wait3A_491] : memref<524288x32xf32, #tpu.memory_space<hbm>> -> memref<524288x32xf32, #tpu.memory_space<hbm>>
    tpu.wait_indirect_dma semaphore(%arg7 : memref<!tpu.dma_semaphore, #tpu.memory_space<semaphore_mem>>) src(%dma_wait3A_492 : memref<524288x32xf32, #tpu.memory_space<hbm>>) dst(%dma_wait3A_486 : memref<128x32xf32, #tpu.memory_space<vmem>>)
    %dma_wait3A_493 = arith.constant 17 : i32
    %dma_wait3A_494 = arith.constant 128 : i32
    %dma_wait3A_495 = arith.constant 0 : i32
    %dma_wait3A_496 = tpu.memref_slice %arg6[%dma_wait3A_494, %dma_wait3A_495] : memref<2048x32xf32, #tpu.memory_space<vmem>> -> memref<128x32xf32, #tpu.memory_space<vmem>>
    %dma_wait3A_497 = arith.constant 0 : i32
    %dma_wait3A_498 = tpu.memref_slice %arg5[%dma_wait3A_493, %dma_wait3A_497] : memref<32x128xi32, #tpu.memory_space<vmem>> -> memref<1x128xi32, #tpu.memory_space<vmem>>
    %dma_wait3A_499 = tpu.memref_squeeze %dma_wait3A_498 : memref<1x128xi32, #tpu.memory_space<vmem>> -> memref<128xi32, #tpu.memory_space<vmem>>
    %dma_wait3A_500 = arith.constant 0 : i32
    %dma_wait3A_501 = arith.constant 0 : i32
    %dma_wait3A_502 = tpu.memref_slice %arg2[%dma_wait3A_500, %dma_wait3A_501] : memref<524288x32xf32, #tpu.memory_space<hbm>> -> memref<524288x32xf32, #tpu.memory_space<hbm>>
    tpu.wait_indirect_dma semaphore(%arg7 : memref<!tpu.dma_semaphore, #tpu.memory_space<semaphore_mem>>) src(%dma_wait3A_502 : memref<524288x32xf32, #tpu.memory_space<hbm>>) dst(%dma_wait3A_496 : memref<128x32xf32, #tpu.memory_space<vmem>>)
    %dma_wait3A_503 = arith.constant 18 : i32
    %dma_wait3A_504 = arith.constant 256 : i32
    %dma_wait3A_505 = arith.constant 0 : i32
    %dma_wait3A_506 = tpu.memref_slice %arg6[%dma_wait3A_504, %dma_wait3A_505] : memref<2048x32xf32, #tpu.memory_space<vmem>> -> memref<128x32xf32, #tpu.memory_space<vmem>>
    %dma_wait3A_507 = arith.constant 0 : i32
    %dma_wait3A_508 = tpu.memref_slice %arg5[%dma_wait3A_503, %dma_wait3A_507] : memref<32x128xi32, #tpu.memory_space<vmem>> -> memref<1x128xi32, #tpu.memory_space<vmem>>
    %dma_wait3A_509 = tpu.memref_squeeze %dma_wait3A_508 : memref<1x128xi32, #tpu.memory_space<vmem>> -> memref<128xi32, #tpu.memory_space<vmem>>
    %dma_wait3A_510 = arith.constant 0 : i32
    %dma_wait3A_511 = arith.constant 0 : i32
    %dma_wait3A_512 = tpu.memref_slice %arg2[%dma_wait3A_510, %dma_wait3A_511] : memref<524288x32xf32, #tpu.memory_space<hbm>> -> memref<524288x32xf32, #tpu.memory_space<hbm>>
    tpu.wait_indirect_dma semaphore(%arg7 : memref<!tpu.dma_semaphore, #tpu.memory_space<semaphore_mem>>) src(%dma_wait3A_512 : memref<524288x32xf32, #tpu.memory_space<hbm>>) dst(%dma_wait3A_506 : memref<128x32xf32, #tpu.memory_space<vmem>>)
    %dma_wait3A_513 = arith.constant 19 : i32
    %dma_wait3A_514 = arith.constant 384 : i32
    %dma_wait3A_515 = arith.constant 0 : i32
    %dma_wait3A_516 = tpu.memref_slice %arg6[%dma_wait3A_514, %dma_wait3A_515] : memref<2048x32xf32, #tpu.memory_space<vmem>> -> memref<128x32xf32, #tpu.memory_space<vmem>>
    %dma_wait3A_517 = arith.constant 0 : i32
    %dma_wait3A_518 = tpu.memref_slice %arg5[%dma_wait3A_513, %dma_wait3A_517] : memref<32x128xi32, #tpu.memory_space<vmem>> -> memref<1x128xi32, #tpu.memory_space<vmem>>
    %dma_wait3A_519 = tpu.memref_squeeze %dma_wait3A_518 : memref<1x128xi32, #tpu.memory_space<vmem>> -> memref<128xi32, #tpu.memory_space<vmem>>
    %dma_wait3A_520 = arith.constant 0 : i32
    %dma_wait3A_521 = arith.constant 0 : i32
    %dma_wait3A_522 = tpu.memref_slice %arg2[%dma_wait3A_520, %dma_wait3A_521] : memref<524288x32xf32, #tpu.memory_space<hbm>> -> memref<524288x32xf32, #tpu.memory_space<hbm>>
    tpu.wait_indirect_dma semaphore(%arg7 : memref<!tpu.dma_semaphore, #tpu.memory_space<semaphore_mem>>) src(%dma_wait3A_522 : memref<524288x32xf32, #tpu.memory_space<hbm>>) dst(%dma_wait3A_516 : memref<128x32xf32, #tpu.memory_space<vmem>>)
    %dma_wait3A_523 = arith.constant 20 : i32
    %dma_wait3A_524 = arith.constant 512 : i32
    %dma_wait3A_525 = arith.constant 0 : i32
    %dma_wait3A_526 = tpu.memref_slice %arg6[%dma_wait3A_524, %dma_wait3A_525] : memref<2048x32xf32, #tpu.memory_space<vmem>> -> memref<128x32xf32, #tpu.memory_space<vmem>>
    %dma_wait3A_527 = arith.constant 0 : i32
    %dma_wait3A_528 = tpu.memref_slice %arg5[%dma_wait3A_523, %dma_wait3A_527] : memref<32x128xi32, #tpu.memory_space<vmem>> -> memref<1x128xi32, #tpu.memory_space<vmem>>
    %dma_wait3A_529 = tpu.memref_squeeze %dma_wait3A_528 : memref<1x128xi32, #tpu.memory_space<vmem>> -> memref<128xi32, #tpu.memory_space<vmem>>
    %dma_wait3A_530 = arith.constant 0 : i32
    %dma_wait3A_531 = arith.constant 0 : i32
    %dma_wait3A_532 = tpu.memref_slice %arg2[%dma_wait3A_530, %dma_wait3A_531] : memref<524288x32xf32, #tpu.memory_space<hbm>> -> memref<524288x32xf32, #tpu.memory_space<hbm>>
    tpu.wait_indirect_dma semaphore(%arg7 : memref<!tpu.dma_semaphore, #tpu.memory_space<semaphore_mem>>) src(%dma_wait3A_532 : memref<524288x32xf32, #tpu.memory_space<hbm>>) dst(%dma_wait3A_526 : memref<128x32xf32, #tpu.memory_space<vmem>>)
    %dma_wait3A_533 = arith.constant 21 : i32
    %dma_wait3A_534 = arith.constant 640 : i32
    %dma_wait3A_535 = arith.constant 0 : i32
    %dma_wait3A_536 = tpu.memref_slice %arg6[%dma_wait3A_534, %dma_wait3A_535] : memref<2048x32xf32, #tpu.memory_space<vmem>> -> memref<128x32xf32, #tpu.memory_space<vmem>>
    %dma_wait3A_537 = arith.constant 0 : i32
    %dma_wait3A_538 = tpu.memref_slice %arg5[%dma_wait3A_533, %dma_wait3A_537] : memref<32x128xi32, #tpu.memory_space<vmem>> -> memref<1x128xi32, #tpu.memory_space<vmem>>
    %dma_wait3A_539 = tpu.memref_squeeze %dma_wait3A_538 : memref<1x128xi32, #tpu.memory_space<vmem>> -> memref<128xi32, #tpu.memory_space<vmem>>
    %dma_wait3A_540 = arith.constant 0 : i32
    %dma_wait3A_541 = arith.constant 0 : i32
    %dma_wait3A_542 = tpu.memref_slice %arg2[%dma_wait3A_540, %dma_wait3A_541] : memref<524288x32xf32, #tpu.memory_space<hbm>> -> memref<524288x32xf32, #tpu.memory_space<hbm>>
    tpu.wait_indirect_dma semaphore(%arg7 : memref<!tpu.dma_semaphore, #tpu.memory_space<semaphore_mem>>) src(%dma_wait3A_542 : memref<524288x32xf32, #tpu.memory_space<hbm>>) dst(%dma_wait3A_536 : memref<128x32xf32, #tpu.memory_space<vmem>>)
    %dma_wait3A_543 = arith.constant 22 : i32
    %dma_wait3A_544 = arith.constant 768 : i32
    %dma_wait3A_545 = arith.constant 0 : i32
    %dma_wait3A_546 = tpu.memref_slice %arg6[%dma_wait3A_544, %dma_wait3A_545] : memref<2048x32xf32, #tpu.memory_space<vmem>> -> memref<128x32xf32, #tpu.memory_space<vmem>>
    %dma_wait3A_547 = arith.constant 0 : i32
    %dma_wait3A_548 = tpu.memref_slice %arg5[%dma_wait3A_543, %dma_wait3A_547] : memref<32x128xi32, #tpu.memory_space<vmem>> -> memref<1x128xi32, #tpu.memory_space<vmem>>
    %dma_wait3A_549 = tpu.memref_squeeze %dma_wait3A_548 : memref<1x128xi32, #tpu.memory_space<vmem>> -> memref<128xi32, #tpu.memory_space<vmem>>
    %dma_wait3A_550 = arith.constant 0 : i32
    %dma_wait3A_551 = arith.constant 0 : i32
    %dma_wait3A_552 = tpu.memref_slice %arg2[%dma_wait3A_550, %dma_wait3A_551] : memref<524288x32xf32, #tpu.memory_space<hbm>> -> memref<524288x32xf32, #tpu.memory_space<hbm>>
    tpu.wait_indirect_dma semaphore(%arg7 : memref<!tpu.dma_semaphore, #tpu.memory_space<semaphore_mem>>) src(%dma_wait3A_552 : memref<524288x32xf32, #tpu.memory_space<hbm>>) dst(%dma_wait3A_546 : memref<128x32xf32, #tpu.memory_space<vmem>>)
    %dma_wait3A_553 = arith.constant 23 : i32
    %dma_wait3A_554 = arith.constant 896 : i32
    %dma_wait3A_555 = arith.constant 0 : i32
    %dma_wait3A_556 = tpu.memref_slice %arg6[%dma_wait3A_554, %dma_wait3A_555] : memref<2048x32xf32, #tpu.memory_space<vmem>> -> memref<128x32xf32, #tpu.memory_space<vmem>>
    %dma_wait3A_557 = arith.constant 0 : i32
    %dma_wait3A_558 = tpu.memref_slice %arg5[%dma_wait3A_553, %dma_wait3A_557] : memref<32x128xi32, #tpu.memory_space<vmem>> -> memref<1x128xi32, #tpu.memory_space<vmem>>
    %dma_wait3A_559 = tpu.memref_squeeze %dma_wait3A_558 : memref<1x128xi32, #tpu.memory_space<vmem>> -> memref<128xi32, #tpu.memory_space<vmem>>
    %dma_wait3A_560 = arith.constant 0 : i32
    %dma_wait3A_561 = arith.constant 0 : i32
    %dma_wait3A_562 = tpu.memref_slice %arg2[%dma_wait3A_560, %dma_wait3A_561] : memref<524288x32xf32, #tpu.memory_space<hbm>> -> memref<524288x32xf32, #tpu.memory_space<hbm>>
    tpu.wait_indirect_dma semaphore(%arg7 : memref<!tpu.dma_semaphore, #tpu.memory_space<semaphore_mem>>) src(%dma_wait3A_562 : memref<524288x32xf32, #tpu.memory_space<hbm>>) dst(%dma_wait3A_556 : memref<128x32xf32, #tpu.memory_space<vmem>>)
    %dma_wait3A_563 = arith.constant 24 : i32
    %dma_wait3A_564 = arith.constant 1024 : i32
    %dma_wait3A_565 = arith.constant 0 : i32
    %dma_wait3A_566 = tpu.memref_slice %arg6[%dma_wait3A_564, %dma_wait3A_565] : memref<2048x32xf32, #tpu.memory_space<vmem>> -> memref<128x32xf32, #tpu.memory_space<vmem>>
    %dma_wait3A_567 = arith.constant 0 : i32
    %dma_wait3A_568 = tpu.memref_slice %arg5[%dma_wait3A_563, %dma_wait3A_567] : memref<32x128xi32, #tpu.memory_space<vmem>> -> memref<1x128xi32, #tpu.memory_space<vmem>>
    %dma_wait3A_569 = tpu.memref_squeeze %dma_wait3A_568 : memref<1x128xi32, #tpu.memory_space<vmem>> -> memref<128xi32, #tpu.memory_space<vmem>>
    %dma_wait3A_570 = arith.constant 0 : i32
    %dma_wait3A_571 = arith.constant 0 : i32
    %dma_wait3A_572 = tpu.memref_slice %arg2[%dma_wait3A_570, %dma_wait3A_571] : memref<524288x32xf32, #tpu.memory_space<hbm>> -> memref<524288x32xf32, #tpu.memory_space<hbm>>
    tpu.wait_indirect_dma semaphore(%arg7 : memref<!tpu.dma_semaphore, #tpu.memory_space<semaphore_mem>>) src(%dma_wait3A_572 : memref<524288x32xf32, #tpu.memory_space<hbm>>) dst(%dma_wait3A_566 : memref<128x32xf32, #tpu.memory_space<vmem>>)
    %dma_wait3A_573 = arith.constant 25 : i32
    %dma_wait3A_574 = arith.constant 1152 : i32
    %dma_wait3A_575 = arith.constant 0 : i32
    %dma_wait3A_576 = tpu.memref_slice %arg6[%dma_wait3A_574, %dma_wait3A_575] : memref<2048x32xf32, #tpu.memory_space<vmem>> -> memref<128x32xf32, #tpu.memory_space<vmem>>
    %dma_wait3A_577 = arith.constant 0 : i32
    %dma_wait3A_578 = tpu.memref_slice %arg5[%dma_wait3A_573, %dma_wait3A_577] : memref<32x128xi32, #tpu.memory_space<vmem>> -> memref<1x128xi32, #tpu.memory_space<vmem>>
    %dma_wait3A_579 = tpu.memref_squeeze %dma_wait3A_578 : memref<1x128xi32, #tpu.memory_space<vmem>> -> memref<128xi32, #tpu.memory_space<vmem>>
    %dma_wait3A_580 = arith.constant 0 : i32
    %dma_wait3A_581 = arith.constant 0 : i32
    %dma_wait3A_582 = tpu.memref_slice %arg2[%dma_wait3A_580, %dma_wait3A_581] : memref<524288x32xf32, #tpu.memory_space<hbm>> -> memref<524288x32xf32, #tpu.memory_space<hbm>>
    tpu.wait_indirect_dma semaphore(%arg7 : memref<!tpu.dma_semaphore, #tpu.memory_space<semaphore_mem>>) src(%dma_wait3A_582 : memref<524288x32xf32, #tpu.memory_space<hbm>>) dst(%dma_wait3A_576 : memref<128x32xf32, #tpu.memory_space<vmem>>)
    %dma_wait3A_583 = arith.constant 26 : i32
    %dma_wait3A_584 = arith.constant 1280 : i32
    %dma_wait3A_585 = arith.constant 0 : i32
    %dma_wait3A_586 = tpu.memref_slice %arg6[%dma_wait3A_584, %dma_wait3A_585] : memref<2048x32xf32, #tpu.memory_space<vmem>> -> memref<128x32xf32, #tpu.memory_space<vmem>>
    %dma_wait3A_587 = arith.constant 0 : i32
    %dma_wait3A_588 = tpu.memref_slice %arg5[%dma_wait3A_583, %dma_wait3A_587] : memref<32x128xi32, #tpu.memory_space<vmem>> -> memref<1x128xi32, #tpu.memory_space<vmem>>
    %dma_wait3A_589 = tpu.memref_squeeze %dma_wait3A_588 : memref<1x128xi32, #tpu.memory_space<vmem>> -> memref<128xi32, #tpu.memory_space<vmem>>
    %dma_wait3A_590 = arith.constant 0 : i32
    %dma_wait3A_591 = arith.constant 0 : i32
    %dma_wait3A_592 = tpu.memref_slice %arg2[%dma_wait3A_590, %dma_wait3A_591] : memref<524288x32xf32, #tpu.memory_space<hbm>> -> memref<524288x32xf32, #tpu.memory_space<hbm>>
    tpu.wait_indirect_dma semaphore(%arg7 : memref<!tpu.dma_semaphore, #tpu.memory_space<semaphore_mem>>) src(%dma_wait3A_592 : memref<524288x32xf32, #tpu.memory_space<hbm>>) dst(%dma_wait3A_586 : memref<128x32xf32, #tpu.memory_space<vmem>>)
    %dma_wait3A_593 = arith.constant 27 : i32
    %dma_wait3A_594 = arith.constant 1408 : i32
    %dma_wait3A_595 = arith.constant 0 : i32
    %dma_wait3A_596 = tpu.memref_slice %arg6[%dma_wait3A_594, %dma_wait3A_595] : memref<2048x32xf32, #tpu.memory_space<vmem>> -> memref<128x32xf32, #tpu.memory_space<vmem>>
    %dma_wait3A_597 = arith.constant 0 : i32
    %dma_wait3A_598 = tpu.memref_slice %arg5[%dma_wait3A_593, %dma_wait3A_597] : memref<32x128xi32, #tpu.memory_space<vmem>> -> memref<1x128xi32, #tpu.memory_space<vmem>>
    %dma_wait3A_599 = tpu.memref_squeeze %dma_wait3A_598 : memref<1x128xi32, #tpu.memory_space<vmem>> -> memref<128xi32, #tpu.memory_space<vmem>>
    %dma_wait3A_600 = arith.constant 0 : i32
    %dma_wait3A_601 = arith.constant 0 : i32
    %dma_wait3A_602 = tpu.memref_slice %arg2[%dma_wait3A_600, %dma_wait3A_601] : memref<524288x32xf32, #tpu.memory_space<hbm>> -> memref<524288x32xf32, #tpu.memory_space<hbm>>
    tpu.wait_indirect_dma semaphore(%arg7 : memref<!tpu.dma_semaphore, #tpu.memory_space<semaphore_mem>>) src(%dma_wait3A_602 : memref<524288x32xf32, #tpu.memory_space<hbm>>) dst(%dma_wait3A_596 : memref<128x32xf32, #tpu.memory_space<vmem>>)
    %dma_wait3A_603 = arith.constant 28 : i32
    %dma_wait3A_604 = arith.constant 1536 : i32
    %dma_wait3A_605 = arith.constant 0 : i32
    %dma_wait3A_606 = tpu.memref_slice %arg6[%dma_wait3A_604, %dma_wait3A_605] : memref<2048x32xf32, #tpu.memory_space<vmem>> -> memref<128x32xf32, #tpu.memory_space<vmem>>
    %dma_wait3A_607 = arith.constant 0 : i32
    %dma_wait3A_608 = tpu.memref_slice %arg5[%dma_wait3A_603, %dma_wait3A_607] : memref<32x128xi32, #tpu.memory_space<vmem>> -> memref<1x128xi32, #tpu.memory_space<vmem>>
    %dma_wait3A_609 = tpu.memref_squeeze %dma_wait3A_608 : memref<1x128xi32, #tpu.memory_space<vmem>> -> memref<128xi32, #tpu.memory_space<vmem>>
    %dma_wait3A_610 = arith.constant 0 : i32
    %dma_wait3A_611 = arith.constant 0 : i32
    %dma_wait3A_612 = tpu.memref_slice %arg2[%dma_wait3A_610, %dma_wait3A_611] : memref<524288x32xf32, #tpu.memory_space<hbm>> -> memref<524288x32xf32, #tpu.memory_space<hbm>>
    tpu.wait_indirect_dma semaphore(%arg7 : memref<!tpu.dma_semaphore, #tpu.memory_space<semaphore_mem>>) src(%dma_wait3A_612 : memref<524288x32xf32, #tpu.memory_space<hbm>>) dst(%dma_wait3A_606 : memref<128x32xf32, #tpu.memory_space<vmem>>)
    %dma_wait3A_613 = arith.constant 29 : i32
    %dma_wait3A_614 = arith.constant 1664 : i32
    %dma_wait3A_615 = arith.constant 0 : i32
    %dma_wait3A_616 = tpu.memref_slice %arg6[%dma_wait3A_614, %dma_wait3A_615] : memref<2048x32xf32, #tpu.memory_space<vmem>> -> memref<128x32xf32, #tpu.memory_space<vmem>>
    %dma_wait3A_617 = arith.constant 0 : i32
    %dma_wait3A_618 = tpu.memref_slice %arg5[%dma_wait3A_613, %dma_wait3A_617] : memref<32x128xi32, #tpu.memory_space<vmem>> -> memref<1x128xi32, #tpu.memory_space<vmem>>
    %dma_wait3A_619 = tpu.memref_squeeze %dma_wait3A_618 : memref<1x128xi32, #tpu.memory_space<vmem>> -> memref<128xi32, #tpu.memory_space<vmem>>
    %dma_wait3A_620 = arith.constant 0 : i32
    %dma_wait3A_621 = arith.constant 0 : i32
    %dma_wait3A_622 = tpu.memref_slice %arg2[%dma_wait3A_620, %dma_wait3A_621] : memref<524288x32xf32, #tpu.memory_space<hbm>> -> memref<524288x32xf32, #tpu.memory_space<hbm>>
    tpu.wait_indirect_dma semaphore(%arg7 : memref<!tpu.dma_semaphore, #tpu.memory_space<semaphore_mem>>) src(%dma_wait3A_622 : memref<524288x32xf32, #tpu.memory_space<hbm>>) dst(%dma_wait3A_616 : memref<128x32xf32, #tpu.memory_space<vmem>>)
    %dma_wait3A_623 = arith.constant 30 : i32
    %dma_wait3A_624 = arith.constant 1792 : i32
    %dma_wait3A_625 = arith.constant 0 : i32
    %dma_wait3A_626 = tpu.memref_slice %arg6[%dma_wait3A_624, %dma_wait3A_625] : memref<2048x32xf32, #tpu.memory_space<vmem>> -> memref<128x32xf32, #tpu.memory_space<vmem>>
    %dma_wait3A_627 = arith.constant 0 : i32
    %dma_wait3A_628 = tpu.memref_slice %arg5[%dma_wait3A_623, %dma_wait3A_627] : memref<32x128xi32, #tpu.memory_space<vmem>> -> memref<1x128xi32, #tpu.memory_space<vmem>>
    %dma_wait3A_629 = tpu.memref_squeeze %dma_wait3A_628 : memref<1x128xi32, #tpu.memory_space<vmem>> -> memref<128xi32, #tpu.memory_space<vmem>>
    %dma_wait3A_630 = arith.constant 0 : i32
    %dma_wait3A_631 = arith.constant 0 : i32
    %dma_wait3A_632 = tpu.memref_slice %arg2[%dma_wait3A_630, %dma_wait3A_631] : memref<524288x32xf32, #tpu.memory_space<hbm>> -> memref<524288x32xf32, #tpu.memory_space<hbm>>
    tpu.wait_indirect_dma semaphore(%arg7 : memref<!tpu.dma_semaphore, #tpu.memory_space<semaphore_mem>>) src(%dma_wait3A_632 : memref<524288x32xf32, #tpu.memory_space<hbm>>) dst(%dma_wait3A_626 : memref<128x32xf32, #tpu.memory_space<vmem>>)
    %dma_wait3A_633 = arith.constant 31 : i32
    %dma_wait3A_634 = arith.constant 1920 : i32
    %dma_wait3A_635 = arith.constant 0 : i32
    %dma_wait3A_636 = tpu.memref_slice %arg6[%dma_wait3A_634, %dma_wait3A_635] : memref<2048x32xf32, #tpu.memory_space<vmem>> -> memref<128x32xf32, #tpu.memory_space<vmem>>
    %dma_wait3A_637 = arith.constant 0 : i32
    %dma_wait3A_638 = tpu.memref_slice %arg5[%dma_wait3A_633, %dma_wait3A_637] : memref<32x128xi32, #tpu.memory_space<vmem>> -> memref<1x128xi32, #tpu.memory_space<vmem>>
    %dma_wait3A_639 = tpu.memref_squeeze %dma_wait3A_638 : memref<1x128xi32, #tpu.memory_space<vmem>> -> memref<128xi32, #tpu.memory_space<vmem>>
    %dma_wait3A_640 = arith.constant 0 : i32
    %dma_wait3A_641 = arith.constant 0 : i32
    %dma_wait3A_642 = tpu.memref_slice %arg2[%dma_wait3A_640, %dma_wait3A_641] : memref<524288x32xf32, #tpu.memory_space<hbm>> -> memref<524288x32xf32, #tpu.memory_space<hbm>>
    tpu.wait_indirect_dma semaphore(%arg7 : memref<!tpu.dma_semaphore, #tpu.memory_space<semaphore_mem>>) src(%dma_wait3A_642 : memref<524288x32xf32, #tpu.memory_space<hbm>>) dst(%dma_wait3A_636 : memref<128x32xf32, #tpu.memory_space<vmem>>)
    %mul3A_643 = arith.constant 4096 : i32
    %mul3A_644 = arith.muli %add3A, %mul3A_643 : i32
    %add3A_645 = arith.constant 2048 : i32
    %add3A_646 = arith.addi %mul3A_644, %add3A_645 : i32
    "tpu.region"() ({
      %run_scoped3A = tpu.sem_alloc : memref<!tpu.dma_semaphore, #tpu.memory_space<semaphore_mem>>
      %dma_start3A_647 = arith.constant 0 : i32
      %dma_start3A_648 = tpu.memref_slice %arg4[%add3A_646, %dma_start3A_647] : memref<131072x32xf32, #tpu.memory_space<hbm>> -> memref<2048x32xf32, #tpu.memory_space<hbm>>
      %dma_start3A_649 = arith.constant 0 : i32
      %dma_start3A_650 = tpu.memref_slice %arg4[%add3A_646, %dma_start3A_649] : memref<131072x32xf32, #tpu.memory_space<hbm>> -> memref<2048x32xf32, #tpu.memory_space<hbm>>
      tpu.enqueue_dma source(%arg6 : memref<2048x32xf32, #tpu.memory_space<vmem>>) target(%dma_start3A_650 : memref<2048x32xf32, #tpu.memory_space<hbm>>) target_semaphore(%run_scoped3A : memref<!tpu.dma_semaphore, #tpu.memory_space<semaphore_mem>>)
      %dma_wait3A_651 = arith.constant 0 : i32
      %dma_wait3A_652 = tpu.memref_slice %arg4[%add3A_646, %dma_wait3A_651] : memref<131072x32xf32, #tpu.memory_space<hbm>> -> memref<2048x32xf32, #tpu.memory_space<hbm>>
      %dma_wait3A_653 = arith.constant 0 : i32
      %dma_wait3A_654 = tpu.memref_slice %arg4[%add3A_646, %dma_wait3A_653] : memref<131072x32xf32, #tpu.memory_space<hbm>> -> memref<2048x32xf32, #tpu.memory_space<hbm>>
      tpu.wait_dma2 semaphore(%run_scoped3A : memref<!tpu.dma_semaphore, #tpu.memory_space<semaphore_mem>>) src(%arg6 : memref<2048x32xf32, #tpu.memory_space<vmem>>) dst(%dma_wait3A_654 : memref<2048x32xf32, #tpu.memory_space<hbm>>)
      tpu.yield
    }) : () -> ()
    return
  }
}

module attributes {stable_mosaic.version = 14 : i64} {
  func.func @_stage1_kernel(%arg0: i32, %arg1: memref<256x4096xf32, #tpu.memory_space<vmem>>, %arg2: memref<256x32xi32, #tpu.memory_space<vmem>>) attributes {dimension_semantics = [#tpu.dimension_semantics<arbitrary>], iteration_bounds = array<i64: 16>, scalar_prefetch = 0 : i64, scratch_operands = 0 : i64, tpu.core_type = #tpu.core_type<tc>, window_params = [{transform_indices = @transform_0, window_bounds = array<i64: 256, 4096>}, {transform_indices = @transform_1, window_bounds = array<i64: 256, 32>}]} {
    %get3A = arith.constant 0 : index
    %get3A_0 = arith.constant 0 : index
    %get3A_1 = vector.load %arg1[%get3A, %get3A_0] : memref<256x4096xf32, #tpu.memory_space<vmem>>, vector<256x4096xf32>
    %reshape3A = vector.shape_cast %get3A_1 : vector<256x4096xf32> to vector<256x128x32xf32>
    %reduce_max3A = arith.constant dense<0xFF800000> : vector<256x128xf32>
    %reduce_max3A_2 = vector.multi_reduction <maximumf>, %reshape3A, %reduce_max3A [2] : vector<256x128x32xf32> to vector<256x128xf32>
    %iota3A = tpu.iota {dimensions = array<i32: 1>} : vector<256x128xi32>
    %mul3A = arith.constant 256 : i32
    %mul3A_3 = arith.muli %arg0, %mul3A : i32
    %iota3A_4 = tpu.iota {dimensions = array<i32: 0>} : vector<256x1xi32>
    %add3A = vector.broadcast %mul3A_3 : i32 to vector<256x1xi32>
    %add3A_5 = arith.addi %add3A, %iota3A_4 : vector<256x1xi32>
    %mul3A_6 = arith.constant 128 : i32
    %mul3A_7 = vector.broadcast %mul3A_6 : i32 to vector<256x1xi32>
    %mul3A_8 = arith.muli %add3A_5, %mul3A_7 : vector<256x1xi32>
    %reduce_max3A_9 = arith.constant dense<0xFF800000> : vector<256xf32>
    %reduce_max3A_10 = vector.multi_reduction <maximumf>, %reduce_max3A_2, %reduce_max3A_9 [1] : vector<256x128xf32> to vector<256xf32>
    %broadcast_in_dim3A = vector.shape_cast %reduce_max3A_10 : vector<256xf32> to vector<256x1xf32>
    %eq3A = vector.broadcast %broadcast_in_dim3A : vector<256x1xf32> to vector<256x128xf32>
    %eq3A_11 = arith.cmpf oeq, %reduce_max3A_2, %eq3A : vector<256x128xf32>
    %jit3A = arith.constant 128 : i32
    %broadcast_in_dim3A_12 = vector.broadcast %jit3A : i32 to vector<256x128xi32>
    %select_n3A = arith.select %eq3A_11, %iota3A, %broadcast_in_dim3A_12 : vector<256x128xi1>, vector<256x128xi32>
    %reduce_min3A = arith.constant dense<2147483647> : vector<256xi32>
    %reduce_min3A_13 = vector.multi_reduction <minsi>, %select_n3A, %reduce_min3A [1] : vector<256x128xi32> to vector<256xi32>
    %broadcast_in_dim3A_14 = vector.shape_cast %reduce_min3A_13 : vector<256xi32> to vector<256x1xi32>
    %add3A_15 = arith.addi %mul3A_8, %broadcast_in_dim3A_14 : vector<256x1xi32>
    %eq3A_16 = vector.broadcast %broadcast_in_dim3A_14 : vector<256x1xi32> to vector<256x128xi32>
    %eq3A_17 = arith.cmpi eq, %iota3A, %eq3A_16 : vector<256x128xi32>
    %jit3A_18 = arith.constant 0xFF800000 : f32
    %broadcast_in_dim3A_19 = vector.broadcast %jit3A_18 : f32 to vector<256x128xf32>
    %select_n3A_20 = arith.select %eq3A_17, %broadcast_in_dim3A_19, %reduce_max3A_2 : vector<256x128xi1>, vector<256x128xf32>
    %reduce_max3A_21 = arith.constant dense<0xFF800000> : vector<256xf32>
    %reduce_max3A_22 = vector.multi_reduction <maximumf>, %select_n3A_20, %reduce_max3A_21 [1] : vector<256x128xf32> to vector<256xf32>
    %broadcast_in_dim3A_23 = vector.shape_cast %reduce_max3A_22 : vector<256xf32> to vector<256x1xf32>
    %eq3A_24 = vector.broadcast %broadcast_in_dim3A_23 : vector<256x1xf32> to vector<256x128xf32>
    %eq3A_25 = arith.cmpf oeq, %select_n3A_20, %eq3A_24 : vector<256x128xf32>
    %jit3A_26 = arith.constant 128 : i32
    %broadcast_in_dim3A_27 = vector.broadcast %jit3A_26 : i32 to vector<256x128xi32>
    %select_n3A_28 = arith.select %eq3A_25, %iota3A, %broadcast_in_dim3A_27 : vector<256x128xi1>, vector<256x128xi32>
    %reduce_min3A_29 = arith.constant dense<2147483647> : vector<256xi32>
    %reduce_min3A_30 = vector.multi_reduction <minsi>, %select_n3A_28, %reduce_min3A_29 [1] : vector<256x128xi32> to vector<256xi32>
    %broadcast_in_dim3A_31 = vector.shape_cast %reduce_min3A_30 : vector<256xi32> to vector<256x1xi32>
    %add3A_32 = arith.addi %mul3A_8, %broadcast_in_dim3A_31 : vector<256x1xi32>
    %eq3A_33 = vector.broadcast %broadcast_in_dim3A_31 : vector<256x1xi32> to vector<256x128xi32>
    %eq3A_34 = arith.cmpi eq, %iota3A, %eq3A_33 : vector<256x128xi32>
    %jit3A_35 = arith.constant 0xFF800000 : f32
    %broadcast_in_dim3A_36 = vector.broadcast %jit3A_35 : f32 to vector<256x128xf32>
    %select_n3A_37 = arith.select %eq3A_34, %broadcast_in_dim3A_36, %select_n3A_20 : vector<256x128xi1>, vector<256x128xf32>
    %reduce_max3A_38 = arith.constant dense<0xFF800000> : vector<256xf32>
    %reduce_max3A_39 = vector.multi_reduction <maximumf>, %select_n3A_37, %reduce_max3A_38 [1] : vector<256x128xf32> to vector<256xf32>
    %broadcast_in_dim3A_40 = vector.shape_cast %reduce_max3A_39 : vector<256xf32> to vector<256x1xf32>
    %eq3A_41 = vector.broadcast %broadcast_in_dim3A_40 : vector<256x1xf32> to vector<256x128xf32>
    %eq3A_42 = arith.cmpf oeq, %select_n3A_37, %eq3A_41 : vector<256x128xf32>
    %jit3A_43 = arith.constant 128 : i32
    %broadcast_in_dim3A_44 = vector.broadcast %jit3A_43 : i32 to vector<256x128xi32>
    %select_n3A_45 = arith.select %eq3A_42, %iota3A, %broadcast_in_dim3A_44 : vector<256x128xi1>, vector<256x128xi32>
    %reduce_min3A_46 = arith.constant dense<2147483647> : vector<256xi32>
    %reduce_min3A_47 = vector.multi_reduction <minsi>, %select_n3A_45, %reduce_min3A_46 [1] : vector<256x128xi32> to vector<256xi32>
    %broadcast_in_dim3A_48 = vector.shape_cast %reduce_min3A_47 : vector<256xi32> to vector<256x1xi32>
    %add3A_49 = arith.addi %mul3A_8, %broadcast_in_dim3A_48 : vector<256x1xi32>
    %eq3A_50 = vector.broadcast %broadcast_in_dim3A_48 : vector<256x1xi32> to vector<256x128xi32>
    %eq3A_51 = arith.cmpi eq, %iota3A, %eq3A_50 : vector<256x128xi32>
    %jit3A_52 = arith.constant 0xFF800000 : f32
    %broadcast_in_dim3A_53 = vector.broadcast %jit3A_52 : f32 to vector<256x128xf32>
    %select_n3A_54 = arith.select %eq3A_51, %broadcast_in_dim3A_53, %select_n3A_37 : vector<256x128xi1>, vector<256x128xf32>
    %reduce_max3A_55 = arith.constant dense<0xFF800000> : vector<256xf32>
    %reduce_max3A_56 = vector.multi_reduction <maximumf>, %select_n3A_54, %reduce_max3A_55 [1] : vector<256x128xf32> to vector<256xf32>
    %broadcast_in_dim3A_57 = vector.shape_cast %reduce_max3A_56 : vector<256xf32> to vector<256x1xf32>
    %eq3A_58 = vector.broadcast %broadcast_in_dim3A_57 : vector<256x1xf32> to vector<256x128xf32>
    %eq3A_59 = arith.cmpf oeq, %select_n3A_54, %eq3A_58 : vector<256x128xf32>
    %jit3A_60 = arith.constant 128 : i32
    %broadcast_in_dim3A_61 = vector.broadcast %jit3A_60 : i32 to vector<256x128xi32>
    %select_n3A_62 = arith.select %eq3A_59, %iota3A, %broadcast_in_dim3A_61 : vector<256x128xi1>, vector<256x128xi32>
    %reduce_min3A_63 = arith.constant dense<2147483647> : vector<256xi32>
    %reduce_min3A_64 = vector.multi_reduction <minsi>, %select_n3A_62, %reduce_min3A_63 [1] : vector<256x128xi32> to vector<256xi32>
    %broadcast_in_dim3A_65 = vector.shape_cast %reduce_min3A_64 : vector<256xi32> to vector<256x1xi32>
    %add3A_66 = arith.addi %mul3A_8, %broadcast_in_dim3A_65 : vector<256x1xi32>
    %eq3A_67 = vector.broadcast %broadcast_in_dim3A_65 : vector<256x1xi32> to vector<256x128xi32>
    %eq3A_68 = arith.cmpi eq, %iota3A, %eq3A_67 : vector<256x128xi32>
    %jit3A_69 = arith.constant 0xFF800000 : f32
    %broadcast_in_dim3A_70 = vector.broadcast %jit3A_69 : f32 to vector<256x128xf32>
    %select_n3A_71 = arith.select %eq3A_68, %broadcast_in_dim3A_70, %select_n3A_54 : vector<256x128xi1>, vector<256x128xf32>
    %reduce_max3A_72 = arith.constant dense<0xFF800000> : vector<256xf32>
    %reduce_max3A_73 = vector.multi_reduction <maximumf>, %select_n3A_71, %reduce_max3A_72 [1] : vector<256x128xf32> to vector<256xf32>
    %broadcast_in_dim3A_74 = vector.shape_cast %reduce_max3A_73 : vector<256xf32> to vector<256x1xf32>
    %eq3A_75 = vector.broadcast %broadcast_in_dim3A_74 : vector<256x1xf32> to vector<256x128xf32>
    %eq3A_76 = arith.cmpf oeq, %select_n3A_71, %eq3A_75 : vector<256x128xf32>
    %jit3A_77 = arith.constant 128 : i32
    %broadcast_in_dim3A_78 = vector.broadcast %jit3A_77 : i32 to vector<256x128xi32>
    %select_n3A_79 = arith.select %eq3A_76, %iota3A, %broadcast_in_dim3A_78 : vector<256x128xi1>, vector<256x128xi32>
    %reduce_min3A_80 = arith.constant dense<2147483647> : vector<256xi32>
    %reduce_min3A_81 = vector.multi_reduction <minsi>, %select_n3A_79, %reduce_min3A_80 [1] : vector<256x128xi32> to vector<256xi32>
    %broadcast_in_dim3A_82 = vector.shape_cast %reduce_min3A_81 : vector<256xi32> to vector<256x1xi32>
    %add3A_83 = arith.addi %mul3A_8, %broadcast_in_dim3A_82 : vector<256x1xi32>
    %eq3A_84 = vector.broadcast %broadcast_in_dim3A_82 : vector<256x1xi32> to vector<256x128xi32>
    %eq3A_85 = arith.cmpi eq, %iota3A, %eq3A_84 : vector<256x128xi32>
    %jit3A_86 = arith.constant 0xFF800000 : f32
    %broadcast_in_dim3A_87 = vector.broadcast %jit3A_86 : f32 to vector<256x128xf32>
    %select_n3A_88 = arith.select %eq3A_85, %broadcast_in_dim3A_87, %select_n3A_71 : vector<256x128xi1>, vector<256x128xf32>
    %reduce_max3A_89 = arith.constant dense<0xFF800000> : vector<256xf32>
    %reduce_max3A_90 = vector.multi_reduction <maximumf>, %select_n3A_88, %reduce_max3A_89 [1] : vector<256x128xf32> to vector<256xf32>
    %broadcast_in_dim3A_91 = vector.shape_cast %reduce_max3A_90 : vector<256xf32> to vector<256x1xf32>
    %eq3A_92 = vector.broadcast %broadcast_in_dim3A_91 : vector<256x1xf32> to vector<256x128xf32>
    %eq3A_93 = arith.cmpf oeq, %select_n3A_88, %eq3A_92 : vector<256x128xf32>
    %jit3A_94 = arith.constant 128 : i32
    %broadcast_in_dim3A_95 = vector.broadcast %jit3A_94 : i32 to vector<256x128xi32>
    %select_n3A_96 = arith.select %eq3A_93, %iota3A, %broadcast_in_dim3A_95 : vector<256x128xi1>, vector<256x128xi32>
    %reduce_min3A_97 = arith.constant dense<2147483647> : vector<256xi32>
    %reduce_min3A_98 = vector.multi_reduction <minsi>, %select_n3A_96, %reduce_min3A_97 [1] : vector<256x128xi32> to vector<256xi32>
    %broadcast_in_dim3A_99 = vector.shape_cast %reduce_min3A_98 : vector<256xi32> to vector<256x1xi32>
    %add3A_100 = arith.addi %mul3A_8, %broadcast_in_dim3A_99 : vector<256x1xi32>
    %eq3A_101 = vector.broadcast %broadcast_in_dim3A_99 : vector<256x1xi32> to vector<256x128xi32>
    %eq3A_102 = arith.cmpi eq, %iota3A, %eq3A_101 : vector<256x128xi32>
    %jit3A_103 = arith.constant 0xFF800000 : f32
    %broadcast_in_dim3A_104 = vector.broadcast %jit3A_103 : f32 to vector<256x128xf32>
    %select_n3A_105 = arith.select %eq3A_102, %broadcast_in_dim3A_104, %select_n3A_88 : vector<256x128xi1>, vector<256x128xf32>
    %reduce_max3A_106 = arith.constant dense<0xFF800000> : vector<256xf32>
    %reduce_max3A_107 = vector.multi_reduction <maximumf>, %select_n3A_105, %reduce_max3A_106 [1] : vector<256x128xf32> to vector<256xf32>
    %broadcast_in_dim3A_108 = vector.shape_cast %reduce_max3A_107 : vector<256xf32> to vector<256x1xf32>
    %eq3A_109 = vector.broadcast %broadcast_in_dim3A_108 : vector<256x1xf32> to vector<256x128xf32>
    %eq3A_110 = arith.cmpf oeq, %select_n3A_105, %eq3A_109 : vector<256x128xf32>
    %jit3A_111 = arith.constant 128 : i32
    %broadcast_in_dim3A_112 = vector.broadcast %jit3A_111 : i32 to vector<256x128xi32>
    %select_n3A_113 = arith.select %eq3A_110, %iota3A, %broadcast_in_dim3A_112 : vector<256x128xi1>, vector<256x128xi32>
    %reduce_min3A_114 = arith.constant dense<2147483647> : vector<256xi32>
    %reduce_min3A_115 = vector.multi_reduction <minsi>, %select_n3A_113, %reduce_min3A_114 [1] : vector<256x128xi32> to vector<256xi32>
    %broadcast_in_dim3A_116 = vector.shape_cast %reduce_min3A_115 : vector<256xi32> to vector<256x1xi32>
    %add3A_117 = arith.addi %mul3A_8, %broadcast_in_dim3A_116 : vector<256x1xi32>
    %eq3A_118 = vector.broadcast %broadcast_in_dim3A_116 : vector<256x1xi32> to vector<256x128xi32>
    %eq3A_119 = arith.cmpi eq, %iota3A, %eq3A_118 : vector<256x128xi32>
    %jit3A_120 = arith.constant 0xFF800000 : f32
    %broadcast_in_dim3A_121 = vector.broadcast %jit3A_120 : f32 to vector<256x128xf32>
    %select_n3A_122 = arith.select %eq3A_119, %broadcast_in_dim3A_121, %select_n3A_105 : vector<256x128xi1>, vector<256x128xf32>
    %reduce_max3A_123 = arith.constant dense<0xFF800000> : vector<256xf32>
    %reduce_max3A_124 = vector.multi_reduction <maximumf>, %select_n3A_122, %reduce_max3A_123 [1] : vector<256x128xf32> to vector<256xf32>
    %broadcast_in_dim3A_125 = vector.shape_cast %reduce_max3A_124 : vector<256xf32> to vector<256x1xf32>
    %eq3A_126 = vector.broadcast %broadcast_in_dim3A_125 : vector<256x1xf32> to vector<256x128xf32>
    %eq3A_127 = arith.cmpf oeq, %select_n3A_122, %eq3A_126 : vector<256x128xf32>
    %jit3A_128 = arith.constant 128 : i32
    %broadcast_in_dim3A_129 = vector.broadcast %jit3A_128 : i32 to vector<256x128xi32>
    %select_n3A_130 = arith.select %eq3A_127, %iota3A, %broadcast_in_dim3A_129 : vector<256x128xi1>, vector<256x128xi32>
    %reduce_min3A_131 = arith.constant dense<2147483647> : vector<256xi32>
    %reduce_min3A_132 = vector.multi_reduction <minsi>, %select_n3A_130, %reduce_min3A_131 [1] : vector<256x128xi32> to vector<256xi32>
    %broadcast_in_dim3A_133 = vector.shape_cast %reduce_min3A_132 : vector<256xi32> to vector<256x1xi32>
    %add3A_134 = arith.addi %mul3A_8, %broadcast_in_dim3A_133 : vector<256x1xi32>
    %eq3A_135 = vector.broadcast %broadcast_in_dim3A_133 : vector<256x1xi32> to vector<256x128xi32>
    %eq3A_136 = arith.cmpi eq, %iota3A, %eq3A_135 : vector<256x128xi32>
    %jit3A_137 = arith.constant 0xFF800000 : f32
    %broadcast_in_dim3A_138 = vector.broadcast %jit3A_137 : f32 to vector<256x128xf32>
    %select_n3A_139 = arith.select %eq3A_136, %broadcast_in_dim3A_138, %select_n3A_122 : vector<256x128xi1>, vector<256x128xf32>
    %reduce_max3A_140 = arith.constant dense<0xFF800000> : vector<256xf32>
    %reduce_max3A_141 = vector.multi_reduction <maximumf>, %select_n3A_139, %reduce_max3A_140 [1] : vector<256x128xf32> to vector<256xf32>
    %broadcast_in_dim3A_142 = vector.shape_cast %reduce_max3A_141 : vector<256xf32> to vector<256x1xf32>
    %eq3A_143 = vector.broadcast %broadcast_in_dim3A_142 : vector<256x1xf32> to vector<256x128xf32>
    %eq3A_144 = arith.cmpf oeq, %select_n3A_139, %eq3A_143 : vector<256x128xf32>
    %jit3A_145 = arith.constant 128 : i32
    %broadcast_in_dim3A_146 = vector.broadcast %jit3A_145 : i32 to vector<256x128xi32>
    %select_n3A_147 = arith.select %eq3A_144, %iota3A, %broadcast_in_dim3A_146 : vector<256x128xi1>, vector<256x128xi32>
    %reduce_min3A_148 = arith.constant dense<2147483647> : vector<256xi32>
    %reduce_min3A_149 = vector.multi_reduction <minsi>, %select_n3A_147, %reduce_min3A_148 [1] : vector<256x128xi32> to vector<256xi32>
    %broadcast_in_dim3A_150 = vector.shape_cast %reduce_min3A_149 : vector<256xi32> to vector<256x1xi32>
    %add3A_151 = arith.addi %mul3A_8, %broadcast_in_dim3A_150 : vector<256x1xi32>
    %eq3A_152 = vector.broadcast %broadcast_in_dim3A_150 : vector<256x1xi32> to vector<256x128xi32>
    %eq3A_153 = arith.cmpi eq, %iota3A, %eq3A_152 : vector<256x128xi32>
    %jit3A_154 = arith.constant 0xFF800000 : f32
    %broadcast_in_dim3A_155 = vector.broadcast %jit3A_154 : f32 to vector<256x128xf32>
    %select_n3A_156 = arith.select %eq3A_153, %broadcast_in_dim3A_155, %select_n3A_139 : vector<256x128xi1>, vector<256x128xf32>
    %reduce_max3A_157 = arith.constant dense<0xFF800000> : vector<256xf32>
    %reduce_max3A_158 = vector.multi_reduction <maximumf>, %select_n3A_156, %reduce_max3A_157 [1] : vector<256x128xf32> to vector<256xf32>
    %broadcast_in_dim3A_159 = vector.shape_cast %reduce_max3A_158 : vector<256xf32> to vector<256x1xf32>
    %eq3A_160 = vector.broadcast %broadcast_in_dim3A_159 : vector<256x1xf32> to vector<256x128xf32>
    %eq3A_161 = arith.cmpf oeq, %select_n3A_156, %eq3A_160 : vector<256x128xf32>
    %jit3A_162 = arith.constant 128 : i32
    %broadcast_in_dim3A_163 = vector.broadcast %jit3A_162 : i32 to vector<256x128xi32>
    %select_n3A_164 = arith.select %eq3A_161, %iota3A, %broadcast_in_dim3A_163 : vector<256x128xi1>, vector<256x128xi32>
    %reduce_min3A_165 = arith.constant dense<2147483647> : vector<256xi32>
    %reduce_min3A_166 = vector.multi_reduction <minsi>, %select_n3A_164, %reduce_min3A_165 [1] : vector<256x128xi32> to vector<256xi32>
    %broadcast_in_dim3A_167 = vector.shape_cast %reduce_min3A_166 : vector<256xi32> to vector<256x1xi32>
    %add3A_168 = arith.addi %mul3A_8, %broadcast_in_dim3A_167 : vector<256x1xi32>
    %eq3A_169 = vector.broadcast %broadcast_in_dim3A_167 : vector<256x1xi32> to vector<256x128xi32>
    %eq3A_170 = arith.cmpi eq, %iota3A, %eq3A_169 : vector<256x128xi32>
    %jit3A_171 = arith.constant 0xFF800000 : f32
    %broadcast_in_dim3A_172 = vector.broadcast %jit3A_171 : f32 to vector<256x128xf32>
    %select_n3A_173 = arith.select %eq3A_170, %broadcast_in_dim3A_172, %select_n3A_156 : vector<256x128xi1>, vector<256x128xf32>
    %reduce_max3A_174 = arith.constant dense<0xFF800000> : vector<256xf32>
    %reduce_max3A_175 = vector.multi_reduction <maximumf>, %select_n3A_173, %reduce_max3A_174 [1] : vector<256x128xf32> to vector<256xf32>
    %broadcast_in_dim3A_176 = vector.shape_cast %reduce_max3A_175 : vector<256xf32> to vector<256x1xf32>
    %eq3A_177 = vector.broadcast %broadcast_in_dim3A_176 : vector<256x1xf32> to vector<256x128xf32>
    %eq3A_178 = arith.cmpf oeq, %select_n3A_173, %eq3A_177 : vector<256x128xf32>
    %jit3A_179 = arith.constant 128 : i32
    %broadcast_in_dim3A_180 = vector.broadcast %jit3A_179 : i32 to vector<256x128xi32>
    %select_n3A_181 = arith.select %eq3A_178, %iota3A, %broadcast_in_dim3A_180 : vector<256x128xi1>, vector<256x128xi32>
    %reduce_min3A_182 = arith.constant dense<2147483647> : vector<256xi32>
    %reduce_min3A_183 = vector.multi_reduction <minsi>, %select_n3A_181, %reduce_min3A_182 [1] : vector<256x128xi32> to vector<256xi32>
    %broadcast_in_dim3A_184 = vector.shape_cast %reduce_min3A_183 : vector<256xi32> to vector<256x1xi32>
    %add3A_185 = arith.addi %mul3A_8, %broadcast_in_dim3A_184 : vector<256x1xi32>
    %eq3A_186 = vector.broadcast %broadcast_in_dim3A_184 : vector<256x1xi32> to vector<256x128xi32>
    %eq3A_187 = arith.cmpi eq, %iota3A, %eq3A_186 : vector<256x128xi32>
    %jit3A_188 = arith.constant 0xFF800000 : f32
    %broadcast_in_dim3A_189 = vector.broadcast %jit3A_188 : f32 to vector<256x128xf32>
    %select_n3A_190 = arith.select %eq3A_187, %broadcast_in_dim3A_189, %select_n3A_173 : vector<256x128xi1>, vector<256x128xf32>
    %reduce_max3A_191 = arith.constant dense<0xFF800000> : vector<256xf32>
    %reduce_max3A_192 = vector.multi_reduction <maximumf>, %select_n3A_190, %reduce_max3A_191 [1] : vector<256x128xf32> to vector<256xf32>
    %broadcast_in_dim3A_193 = vector.shape_cast %reduce_max3A_192 : vector<256xf32> to vector<256x1xf32>
    %eq3A_194 = vector.broadcast %broadcast_in_dim3A_193 : vector<256x1xf32> to vector<256x128xf32>
    %eq3A_195 = arith.cmpf oeq, %select_n3A_190, %eq3A_194 : vector<256x128xf32>
    %jit3A_196 = arith.constant 128 : i32
    %broadcast_in_dim3A_197 = vector.broadcast %jit3A_196 : i32 to vector<256x128xi32>
    %select_n3A_198 = arith.select %eq3A_195, %iota3A, %broadcast_in_dim3A_197 : vector<256x128xi1>, vector<256x128xi32>
    %reduce_min3A_199 = arith.constant dense<2147483647> : vector<256xi32>
    %reduce_min3A_200 = vector.multi_reduction <minsi>, %select_n3A_198, %reduce_min3A_199 [1] : vector<256x128xi32> to vector<256xi32>
    %broadcast_in_dim3A_201 = vector.shape_cast %reduce_min3A_200 : vector<256xi32> to vector<256x1xi32>
    %add3A_202 = arith.addi %mul3A_8, %broadcast_in_dim3A_201 : vector<256x1xi32>
    %eq3A_203 = vector.broadcast %broadcast_in_dim3A_201 : vector<256x1xi32> to vector<256x128xi32>
    %eq3A_204 = arith.cmpi eq, %iota3A, %eq3A_203 : vector<256x128xi32>
    %jit3A_205 = arith.constant 0xFF800000 : f32
    %broadcast_in_dim3A_206 = vector.broadcast %jit3A_205 : f32 to vector<256x128xf32>
    %select_n3A_207 = arith.select %eq3A_204, %broadcast_in_dim3A_206, %select_n3A_190 : vector<256x128xi1>, vector<256x128xf32>
    %reduce_max3A_208 = arith.constant dense<0xFF800000> : vector<256xf32>
    %reduce_max3A_209 = vector.multi_reduction <maximumf>, %select_n3A_207, %reduce_max3A_208 [1] : vector<256x128xf32> to vector<256xf32>
    %broadcast_in_dim3A_210 = vector.shape_cast %reduce_max3A_209 : vector<256xf32> to vector<256x1xf32>
    %eq3A_211 = vector.broadcast %broadcast_in_dim3A_210 : vector<256x1xf32> to vector<256x128xf32>
    %eq3A_212 = arith.cmpf oeq, %select_n3A_207, %eq3A_211 : vector<256x128xf32>
    %jit3A_213 = arith.constant 128 : i32
    %broadcast_in_dim3A_214 = vector.broadcast %jit3A_213 : i32 to vector<256x128xi32>
    %select_n3A_215 = arith.select %eq3A_212, %iota3A, %broadcast_in_dim3A_214 : vector<256x128xi1>, vector<256x128xi32>
    %reduce_min3A_216 = arith.constant dense<2147483647> : vector<256xi32>
    %reduce_min3A_217 = vector.multi_reduction <minsi>, %select_n3A_215, %reduce_min3A_216 [1] : vector<256x128xi32> to vector<256xi32>
    %broadcast_in_dim3A_218 = vector.shape_cast %reduce_min3A_217 : vector<256xi32> to vector<256x1xi32>
    %add3A_219 = arith.addi %mul3A_8, %broadcast_in_dim3A_218 : vector<256x1xi32>
    %eq3A_220 = vector.broadcast %broadcast_in_dim3A_218 : vector<256x1xi32> to vector<256x128xi32>
    %eq3A_221 = arith.cmpi eq, %iota3A, %eq3A_220 : vector<256x128xi32>
    %jit3A_222 = arith.constant 0xFF800000 : f32
    %broadcast_in_dim3A_223 = vector.broadcast %jit3A_222 : f32 to vector<256x128xf32>
    %select_n3A_224 = arith.select %eq3A_221, %broadcast_in_dim3A_223, %select_n3A_207 : vector<256x128xi1>, vector<256x128xf32>
    %reduce_max3A_225 = arith.constant dense<0xFF800000> : vector<256xf32>
    %reduce_max3A_226 = vector.multi_reduction <maximumf>, %select_n3A_224, %reduce_max3A_225 [1] : vector<256x128xf32> to vector<256xf32>
    %broadcast_in_dim3A_227 = vector.shape_cast %reduce_max3A_226 : vector<256xf32> to vector<256x1xf32>
    %eq3A_228 = vector.broadcast %broadcast_in_dim3A_227 : vector<256x1xf32> to vector<256x128xf32>
    %eq3A_229 = arith.cmpf oeq, %select_n3A_224, %eq3A_228 : vector<256x128xf32>
    %jit3A_230 = arith.constant 128 : i32
    %broadcast_in_dim3A_231 = vector.broadcast %jit3A_230 : i32 to vector<256x128xi32>
    %select_n3A_232 = arith.select %eq3A_229, %iota3A, %broadcast_in_dim3A_231 : vector<256x128xi1>, vector<256x128xi32>
    %reduce_min3A_233 = arith.constant dense<2147483647> : vector<256xi32>
    %reduce_min3A_234 = vector.multi_reduction <minsi>, %select_n3A_232, %reduce_min3A_233 [1] : vector<256x128xi32> to vector<256xi32>
    %broadcast_in_dim3A_235 = vector.shape_cast %reduce_min3A_234 : vector<256xi32> to vector<256x1xi32>
    %add3A_236 = arith.addi %mul3A_8, %broadcast_in_dim3A_235 : vector<256x1xi32>
    %eq3A_237 = vector.broadcast %broadcast_in_dim3A_235 : vector<256x1xi32> to vector<256x128xi32>
    %eq3A_238 = arith.cmpi eq, %iota3A, %eq3A_237 : vector<256x128xi32>
    %jit3A_239 = arith.constant 0xFF800000 : f32
    %broadcast_in_dim3A_240 = vector.broadcast %jit3A_239 : f32 to vector<256x128xf32>
    %select_n3A_241 = arith.select %eq3A_238, %broadcast_in_dim3A_240, %select_n3A_224 : vector<256x128xi1>, vector<256x128xf32>
    %reduce_max3A_242 = arith.constant dense<0xFF800000> : vector<256xf32>
    %reduce_max3A_243 = vector.multi_reduction <maximumf>, %select_n3A_241, %reduce_max3A_242 [1] : vector<256x128xf32> to vector<256xf32>
    %broadcast_in_dim3A_244 = vector.shape_cast %reduce_max3A_243 : vector<256xf32> to vector<256x1xf32>
    %eq3A_245 = vector.broadcast %broadcast_in_dim3A_244 : vector<256x1xf32> to vector<256x128xf32>
    %eq3A_246 = arith.cmpf oeq, %select_n3A_241, %eq3A_245 : vector<256x128xf32>
    %jit3A_247 = arith.constant 128 : i32
    %broadcast_in_dim3A_248 = vector.broadcast %jit3A_247 : i32 to vector<256x128xi32>
    %select_n3A_249 = arith.select %eq3A_246, %iota3A, %broadcast_in_dim3A_248 : vector<256x128xi1>, vector<256x128xi32>
    %reduce_min3A_250 = arith.constant dense<2147483647> : vector<256xi32>
    %reduce_min3A_251 = vector.multi_reduction <minsi>, %select_n3A_249, %reduce_min3A_250 [1] : vector<256x128xi32> to vector<256xi32>
    %broadcast_in_dim3A_252 = vector.shape_cast %reduce_min3A_251 : vector<256xi32> to vector<256x1xi32>
    %add3A_253 = arith.addi %mul3A_8, %broadcast_in_dim3A_252 : vector<256x1xi32>
    %eq3A_254 = vector.broadcast %broadcast_in_dim3A_252 : vector<256x1xi32> to vector<256x128xi32>
    %eq3A_255 = arith.cmpi eq, %iota3A, %eq3A_254 : vector<256x128xi32>
    %jit3A_256 = arith.constant 0xFF800000 : f32
    %broadcast_in_dim3A_257 = vector.broadcast %jit3A_256 : f32 to vector<256x128xf32>
    %select_n3A_258 = arith.select %eq3A_255, %broadcast_in_dim3A_257, %select_n3A_241 : vector<256x128xi1>, vector<256x128xf32>
    %reduce_max3A_259 = arith.constant dense<0xFF800000> : vector<256xf32>
    %reduce_max3A_260 = vector.multi_reduction <maximumf>, %select_n3A_258, %reduce_max3A_259 [1] : vector<256x128xf32> to vector<256xf32>
    %broadcast_in_dim3A_261 = vector.shape_cast %reduce_max3A_260 : vector<256xf32> to vector<256x1xf32>
    %eq3A_262 = vector.broadcast %broadcast_in_dim3A_261 : vector<256x1xf32> to vector<256x128xf32>
    %eq3A_263 = arith.cmpf oeq, %select_n3A_258, %eq3A_262 : vector<256x128xf32>
    %jit3A_264 = arith.constant 128 : i32
    %broadcast_in_dim3A_265 = vector.broadcast %jit3A_264 : i32 to vector<256x128xi32>
    %select_n3A_266 = arith.select %eq3A_263, %iota3A, %broadcast_in_dim3A_265 : vector<256x128xi1>, vector<256x128xi32>
    %reduce_min3A_267 = arith.constant dense<2147483647> : vector<256xi32>
    %reduce_min3A_268 = vector.multi_reduction <minsi>, %select_n3A_266, %reduce_min3A_267 [1] : vector<256x128xi32> to vector<256xi32>
    %broadcast_in_dim3A_269 = vector.shape_cast %reduce_min3A_268 : vector<256xi32> to vector<256x1xi32>
    %add3A_270 = arith.addi %mul3A_8, %broadcast_in_dim3A_269 : vector<256x1xi32>
    %eq3A_271 = vector.broadcast %broadcast_in_dim3A_269 : vector<256x1xi32> to vector<256x128xi32>
    %eq3A_272 = arith.cmpi eq, %iota3A, %eq3A_271 : vector<256x128xi32>
    %jit3A_273 = arith.constant 0xFF800000 : f32
    %broadcast_in_dim3A_274 = vector.broadcast %jit3A_273 : f32 to vector<256x128xf32>
    %select_n3A_275 = arith.select %eq3A_272, %broadcast_in_dim3A_274, %select_n3A_258 : vector<256x128xi1>, vector<256x128xf32>
    %reduce_max3A_276 = arith.constant dense<0xFF800000> : vector<256xf32>
    %reduce_max3A_277 = vector.multi_reduction <maximumf>, %select_n3A_275, %reduce_max3A_276 [1] : vector<256x128xf32> to vector<256xf32>
    %broadcast_in_dim3A_278 = vector.shape_cast %reduce_max3A_277 : vector<256xf32> to vector<256x1xf32>
    %eq3A_279 = vector.broadcast %broadcast_in_dim3A_278 : vector<256x1xf32> to vector<256x128xf32>
    %eq3A_280 = arith.cmpf oeq, %select_n3A_275, %eq3A_279 : vector<256x128xf32>
    %jit3A_281 = arith.constant 128 : i32
    %broadcast_in_dim3A_282 = vector.broadcast %jit3A_281 : i32 to vector<256x128xi32>
    %select_n3A_283 = arith.select %eq3A_280, %iota3A, %broadcast_in_dim3A_282 : vector<256x128xi1>, vector<256x128xi32>
    %reduce_min3A_284 = arith.constant dense<2147483647> : vector<256xi32>
    %reduce_min3A_285 = vector.multi_reduction <minsi>, %select_n3A_283, %reduce_min3A_284 [1] : vector<256x128xi32> to vector<256xi32>
    %broadcast_in_dim3A_286 = vector.shape_cast %reduce_min3A_285 : vector<256xi32> to vector<256x1xi32>
    %add3A_287 = arith.addi %mul3A_8, %broadcast_in_dim3A_286 : vector<256x1xi32>
    %eq3A_288 = vector.broadcast %broadcast_in_dim3A_286 : vector<256x1xi32> to vector<256x128xi32>
    %eq3A_289 = arith.cmpi eq, %iota3A, %eq3A_288 : vector<256x128xi32>
    %jit3A_290 = arith.constant 0xFF800000 : f32
    %broadcast_in_dim3A_291 = vector.broadcast %jit3A_290 : f32 to vector<256x128xf32>
    %select_n3A_292 = arith.select %eq3A_289, %broadcast_in_dim3A_291, %select_n3A_275 : vector<256x128xi1>, vector<256x128xf32>
    %reduce_max3A_293 = arith.constant dense<0xFF800000> : vector<256xf32>
    %reduce_max3A_294 = vector.multi_reduction <maximumf>, %select_n3A_292, %reduce_max3A_293 [1] : vector<256x128xf32> to vector<256xf32>
    %broadcast_in_dim3A_295 = vector.shape_cast %reduce_max3A_294 : vector<256xf32> to vector<256x1xf32>
    %eq3A_296 = vector.broadcast %broadcast_in_dim3A_295 : vector<256x1xf32> to vector<256x128xf32>
    %eq3A_297 = arith.cmpf oeq, %select_n3A_292, %eq3A_296 : vector<256x128xf32>
    %jit3A_298 = arith.constant 128 : i32
    %broadcast_in_dim3A_299 = vector.broadcast %jit3A_298 : i32 to vector<256x128xi32>
    %select_n3A_300 = arith.select %eq3A_297, %iota3A, %broadcast_in_dim3A_299 : vector<256x128xi1>, vector<256x128xi32>
    %reduce_min3A_301 = arith.constant dense<2147483647> : vector<256xi32>
    %reduce_min3A_302 = vector.multi_reduction <minsi>, %select_n3A_300, %reduce_min3A_301 [1] : vector<256x128xi32> to vector<256xi32>
    %broadcast_in_dim3A_303 = vector.shape_cast %reduce_min3A_302 : vector<256xi32> to vector<256x1xi32>
    %add3A_304 = arith.addi %mul3A_8, %broadcast_in_dim3A_303 : vector<256x1xi32>
    %eq3A_305 = vector.broadcast %broadcast_in_dim3A_303 : vector<256x1xi32> to vector<256x128xi32>
    %eq3A_306 = arith.cmpi eq, %iota3A, %eq3A_305 : vector<256x128xi32>
    %jit3A_307 = arith.constant 0xFF800000 : f32
    %broadcast_in_dim3A_308 = vector.broadcast %jit3A_307 : f32 to vector<256x128xf32>
    %select_n3A_309 = arith.select %eq3A_306, %broadcast_in_dim3A_308, %select_n3A_292 : vector<256x128xi1>, vector<256x128xf32>
    %reduce_max3A_310 = arith.constant dense<0xFF800000> : vector<256xf32>
    %reduce_max3A_311 = vector.multi_reduction <maximumf>, %select_n3A_309, %reduce_max3A_310 [1] : vector<256x128xf32> to vector<256xf32>
    %broadcast_in_dim3A_312 = vector.shape_cast %reduce_max3A_311 : vector<256xf32> to vector<256x1xf32>
    %eq3A_313 = vector.broadcast %broadcast_in_dim3A_312 : vector<256x1xf32> to vector<256x128xf32>
    %eq3A_314 = arith.cmpf oeq, %select_n3A_309, %eq3A_313 : vector<256x128xf32>
    %jit3A_315 = arith.constant 128 : i32
    %broadcast_in_dim3A_316 = vector.broadcast %jit3A_315 : i32 to vector<256x128xi32>
    %select_n3A_317 = arith.select %eq3A_314, %iota3A, %broadcast_in_dim3A_316 : vector<256x128xi1>, vector<256x128xi32>
    %reduce_min3A_318 = arith.constant dense<2147483647> : vector<256xi32>
    %reduce_min3A_319 = vector.multi_reduction <minsi>, %select_n3A_317, %reduce_min3A_318 [1] : vector<256x128xi32> to vector<256xi32>
    %broadcast_in_dim3A_320 = vector.shape_cast %reduce_min3A_319 : vector<256xi32> to vector<256x1xi32>
    %add3A_321 = arith.addi %mul3A_8, %broadcast_in_dim3A_320 : vector<256x1xi32>
    %eq3A_322 = vector.broadcast %broadcast_in_dim3A_320 : vector<256x1xi32> to vector<256x128xi32>
    %eq3A_323 = arith.cmpi eq, %iota3A, %eq3A_322 : vector<256x128xi32>
    %jit3A_324 = arith.constant 0xFF800000 : f32
    %broadcast_in_dim3A_325 = vector.broadcast %jit3A_324 : f32 to vector<256x128xf32>
    %select_n3A_326 = arith.select %eq3A_323, %broadcast_in_dim3A_325, %select_n3A_309 : vector<256x128xi1>, vector<256x128xf32>
    %reduce_max3A_327 = arith.constant dense<0xFF800000> : vector<256xf32>
    %reduce_max3A_328 = vector.multi_reduction <maximumf>, %select_n3A_326, %reduce_max3A_327 [1] : vector<256x128xf32> to vector<256xf32>
    %broadcast_in_dim3A_329 = vector.shape_cast %reduce_max3A_328 : vector<256xf32> to vector<256x1xf32>
    %eq3A_330 = vector.broadcast %broadcast_in_dim3A_329 : vector<256x1xf32> to vector<256x128xf32>
    %eq3A_331 = arith.cmpf oeq, %select_n3A_326, %eq3A_330 : vector<256x128xf32>
    %jit3A_332 = arith.constant 128 : i32
    %broadcast_in_dim3A_333 = vector.broadcast %jit3A_332 : i32 to vector<256x128xi32>
    %select_n3A_334 = arith.select %eq3A_331, %iota3A, %broadcast_in_dim3A_333 : vector<256x128xi1>, vector<256x128xi32>
    %reduce_min3A_335 = arith.constant dense<2147483647> : vector<256xi32>
    %reduce_min3A_336 = vector.multi_reduction <minsi>, %select_n3A_334, %reduce_min3A_335 [1] : vector<256x128xi32> to vector<256xi32>
    %broadcast_in_dim3A_337 = vector.shape_cast %reduce_min3A_336 : vector<256xi32> to vector<256x1xi32>
    %add3A_338 = arith.addi %mul3A_8, %broadcast_in_dim3A_337 : vector<256x1xi32>
    %eq3A_339 = vector.broadcast %broadcast_in_dim3A_337 : vector<256x1xi32> to vector<256x128xi32>
    %eq3A_340 = arith.cmpi eq, %iota3A, %eq3A_339 : vector<256x128xi32>
    %jit3A_341 = arith.constant 0xFF800000 : f32
    %broadcast_in_dim3A_342 = vector.broadcast %jit3A_341 : f32 to vector<256x128xf32>
    %select_n3A_343 = arith.select %eq3A_340, %broadcast_in_dim3A_342, %select_n3A_326 : vector<256x128xi1>, vector<256x128xf32>
    %reduce_max3A_344 = arith.constant dense<0xFF800000> : vector<256xf32>
    %reduce_max3A_345 = vector.multi_reduction <maximumf>, %select_n3A_343, %reduce_max3A_344 [1] : vector<256x128xf32> to vector<256xf32>
    %broadcast_in_dim3A_346 = vector.shape_cast %reduce_max3A_345 : vector<256xf32> to vector<256x1xf32>
    %eq3A_347 = vector.broadcast %broadcast_in_dim3A_346 : vector<256x1xf32> to vector<256x128xf32>
    %eq3A_348 = arith.cmpf oeq, %select_n3A_343, %eq3A_347 : vector<256x128xf32>
    %jit3A_349 = arith.constant 128 : i32
    %broadcast_in_dim3A_350 = vector.broadcast %jit3A_349 : i32 to vector<256x128xi32>
    %select_n3A_351 = arith.select %eq3A_348, %iota3A, %broadcast_in_dim3A_350 : vector<256x128xi1>, vector<256x128xi32>
    %reduce_min3A_352 = arith.constant dense<2147483647> : vector<256xi32>
    %reduce_min3A_353 = vector.multi_reduction <minsi>, %select_n3A_351, %reduce_min3A_352 [1] : vector<256x128xi32> to vector<256xi32>
    %broadcast_in_dim3A_354 = vector.shape_cast %reduce_min3A_353 : vector<256xi32> to vector<256x1xi32>
    %add3A_355 = arith.addi %mul3A_8, %broadcast_in_dim3A_354 : vector<256x1xi32>
    %eq3A_356 = vector.broadcast %broadcast_in_dim3A_354 : vector<256x1xi32> to vector<256x128xi32>
    %eq3A_357 = arith.cmpi eq, %iota3A, %eq3A_356 : vector<256x128xi32>
    %jit3A_358 = arith.constant 0xFF800000 : f32
    %broadcast_in_dim3A_359 = vector.broadcast %jit3A_358 : f32 to vector<256x128xf32>
    %select_n3A_360 = arith.select %eq3A_357, %broadcast_in_dim3A_359, %select_n3A_343 : vector<256x128xi1>, vector<256x128xf32>
    %reduce_max3A_361 = arith.constant dense<0xFF800000> : vector<256xf32>
    %reduce_max3A_362 = vector.multi_reduction <maximumf>, %select_n3A_360, %reduce_max3A_361 [1] : vector<256x128xf32> to vector<256xf32>
    %broadcast_in_dim3A_363 = vector.shape_cast %reduce_max3A_362 : vector<256xf32> to vector<256x1xf32>
    %eq3A_364 = vector.broadcast %broadcast_in_dim3A_363 : vector<256x1xf32> to vector<256x128xf32>
    %eq3A_365 = arith.cmpf oeq, %select_n3A_360, %eq3A_364 : vector<256x128xf32>
    %jit3A_366 = arith.constant 128 : i32
    %broadcast_in_dim3A_367 = vector.broadcast %jit3A_366 : i32 to vector<256x128xi32>
    %select_n3A_368 = arith.select %eq3A_365, %iota3A, %broadcast_in_dim3A_367 : vector<256x128xi1>, vector<256x128xi32>
    %reduce_min3A_369 = arith.constant dense<2147483647> : vector<256xi32>
    %reduce_min3A_370 = vector.multi_reduction <minsi>, %select_n3A_368, %reduce_min3A_369 [1] : vector<256x128xi32> to vector<256xi32>
    %broadcast_in_dim3A_371 = vector.shape_cast %reduce_min3A_370 : vector<256xi32> to vector<256x1xi32>
    %add3A_372 = arith.addi %mul3A_8, %broadcast_in_dim3A_371 : vector<256x1xi32>
    %eq3A_373 = vector.broadcast %broadcast_in_dim3A_371 : vector<256x1xi32> to vector<256x128xi32>
    %eq3A_374 = arith.cmpi eq, %iota3A, %eq3A_373 : vector<256x128xi32>
    %jit3A_375 = arith.constant 0xFF800000 : f32
    %broadcast_in_dim3A_376 = vector.broadcast %jit3A_375 : f32 to vector<256x128xf32>
    %select_n3A_377 = arith.select %eq3A_374, %broadcast_in_dim3A_376, %select_n3A_360 : vector<256x128xi1>, vector<256x128xf32>
    %reduce_max3A_378 = arith.constant dense<0xFF800000> : vector<256xf32>
    %reduce_max3A_379 = vector.multi_reduction <maximumf>, %select_n3A_377, %reduce_max3A_378 [1] : vector<256x128xf32> to vector<256xf32>
    %broadcast_in_dim3A_380 = vector.shape_cast %reduce_max3A_379 : vector<256xf32> to vector<256x1xf32>
    %eq3A_381 = vector.broadcast %broadcast_in_dim3A_380 : vector<256x1xf32> to vector<256x128xf32>
    %eq3A_382 = arith.cmpf oeq, %select_n3A_377, %eq3A_381 : vector<256x128xf32>
    %jit3A_383 = arith.constant 128 : i32
    %broadcast_in_dim3A_384 = vector.broadcast %jit3A_383 : i32 to vector<256x128xi32>
    %select_n3A_385 = arith.select %eq3A_382, %iota3A, %broadcast_in_dim3A_384 : vector<256x128xi1>, vector<256x128xi32>
    %reduce_min3A_386 = arith.constant dense<2147483647> : vector<256xi32>
    %reduce_min3A_387 = vector.multi_reduction <minsi>, %select_n3A_385, %reduce_min3A_386 [1] : vector<256x128xi32> to vector<256xi32>
    %broadcast_in_dim3A_388 = vector.shape_cast %reduce_min3A_387 : vector<256xi32> to vector<256x1xi32>
    %add3A_389 = arith.addi %mul3A_8, %broadcast_in_dim3A_388 : vector<256x1xi32>
    %eq3A_390 = vector.broadcast %broadcast_in_dim3A_388 : vector<256x1xi32> to vector<256x128xi32>
    %eq3A_391 = arith.cmpi eq, %iota3A, %eq3A_390 : vector<256x128xi32>
    %jit3A_392 = arith.constant 0xFF800000 : f32
    %broadcast_in_dim3A_393 = vector.broadcast %jit3A_392 : f32 to vector<256x128xf32>
    %select_n3A_394 = arith.select %eq3A_391, %broadcast_in_dim3A_393, %select_n3A_377 : vector<256x128xi1>, vector<256x128xf32>
    %reduce_max3A_395 = arith.constant dense<0xFF800000> : vector<256xf32>
    %reduce_max3A_396 = vector.multi_reduction <maximumf>, %select_n3A_394, %reduce_max3A_395 [1] : vector<256x128xf32> to vector<256xf32>
    %broadcast_in_dim3A_397 = vector.shape_cast %reduce_max3A_396 : vector<256xf32> to vector<256x1xf32>
    %eq3A_398 = vector.broadcast %broadcast_in_dim3A_397 : vector<256x1xf32> to vector<256x128xf32>
    %eq3A_399 = arith.cmpf oeq, %select_n3A_394, %eq3A_398 : vector<256x128xf32>
    %jit3A_400 = arith.constant 128 : i32
    %broadcast_in_dim3A_401 = vector.broadcast %jit3A_400 : i32 to vector<256x128xi32>
    %select_n3A_402 = arith.select %eq3A_399, %iota3A, %broadcast_in_dim3A_401 : vector<256x128xi1>, vector<256x128xi32>
    %reduce_min3A_403 = arith.constant dense<2147483647> : vector<256xi32>
    %reduce_min3A_404 = vector.multi_reduction <minsi>, %select_n3A_402, %reduce_min3A_403 [1] : vector<256x128xi32> to vector<256xi32>
    %broadcast_in_dim3A_405 = vector.shape_cast %reduce_min3A_404 : vector<256xi32> to vector<256x1xi32>
    %add3A_406 = arith.addi %mul3A_8, %broadcast_in_dim3A_405 : vector<256x1xi32>
    %eq3A_407 = vector.broadcast %broadcast_in_dim3A_405 : vector<256x1xi32> to vector<256x128xi32>
    %eq3A_408 = arith.cmpi eq, %iota3A, %eq3A_407 : vector<256x128xi32>
    %jit3A_409 = arith.constant 0xFF800000 : f32
    %broadcast_in_dim3A_410 = vector.broadcast %jit3A_409 : f32 to vector<256x128xf32>
    %select_n3A_411 = arith.select %eq3A_408, %broadcast_in_dim3A_410, %select_n3A_394 : vector<256x128xi1>, vector<256x128xf32>
    %reduce_max3A_412 = arith.constant dense<0xFF800000> : vector<256xf32>
    %reduce_max3A_413 = vector.multi_reduction <maximumf>, %select_n3A_411, %reduce_max3A_412 [1] : vector<256x128xf32> to vector<256xf32>
    %broadcast_in_dim3A_414 = vector.shape_cast %reduce_max3A_413 : vector<256xf32> to vector<256x1xf32>
    %eq3A_415 = vector.broadcast %broadcast_in_dim3A_414 : vector<256x1xf32> to vector<256x128xf32>
    %eq3A_416 = arith.cmpf oeq, %select_n3A_411, %eq3A_415 : vector<256x128xf32>
    %jit3A_417 = arith.constant 128 : i32
    %broadcast_in_dim3A_418 = vector.broadcast %jit3A_417 : i32 to vector<256x128xi32>
    %select_n3A_419 = arith.select %eq3A_416, %iota3A, %broadcast_in_dim3A_418 : vector<256x128xi1>, vector<256x128xi32>
    %reduce_min3A_420 = arith.constant dense<2147483647> : vector<256xi32>
    %reduce_min3A_421 = vector.multi_reduction <minsi>, %select_n3A_419, %reduce_min3A_420 [1] : vector<256x128xi32> to vector<256xi32>
    %broadcast_in_dim3A_422 = vector.shape_cast %reduce_min3A_421 : vector<256xi32> to vector<256x1xi32>
    %add3A_423 = arith.addi %mul3A_8, %broadcast_in_dim3A_422 : vector<256x1xi32>
    %eq3A_424 = vector.broadcast %broadcast_in_dim3A_422 : vector<256x1xi32> to vector<256x128xi32>
    %eq3A_425 = arith.cmpi eq, %iota3A, %eq3A_424 : vector<256x128xi32>
    %jit3A_426 = arith.constant 0xFF800000 : f32
    %broadcast_in_dim3A_427 = vector.broadcast %jit3A_426 : f32 to vector<256x128xf32>
    %select_n3A_428 = arith.select %eq3A_425, %broadcast_in_dim3A_427, %select_n3A_411 : vector<256x128xi1>, vector<256x128xf32>
    %reduce_max3A_429 = arith.constant dense<0xFF800000> : vector<256xf32>
    %reduce_max3A_430 = vector.multi_reduction <maximumf>, %select_n3A_428, %reduce_max3A_429 [1] : vector<256x128xf32> to vector<256xf32>
    %broadcast_in_dim3A_431 = vector.shape_cast %reduce_max3A_430 : vector<256xf32> to vector<256x1xf32>
    %eq3A_432 = vector.broadcast %broadcast_in_dim3A_431 : vector<256x1xf32> to vector<256x128xf32>
    %eq3A_433 = arith.cmpf oeq, %select_n3A_428, %eq3A_432 : vector<256x128xf32>
    %jit3A_434 = arith.constant 128 : i32
    %broadcast_in_dim3A_435 = vector.broadcast %jit3A_434 : i32 to vector<256x128xi32>
    %select_n3A_436 = arith.select %eq3A_433, %iota3A, %broadcast_in_dim3A_435 : vector<256x128xi1>, vector<256x128xi32>
    %reduce_min3A_437 = arith.constant dense<2147483647> : vector<256xi32>
    %reduce_min3A_438 = vector.multi_reduction <minsi>, %select_n3A_436, %reduce_min3A_437 [1] : vector<256x128xi32> to vector<256xi32>
    %broadcast_in_dim3A_439 = vector.shape_cast %reduce_min3A_438 : vector<256xi32> to vector<256x1xi32>
    %add3A_440 = arith.addi %mul3A_8, %broadcast_in_dim3A_439 : vector<256x1xi32>
    %eq3A_441 = vector.broadcast %broadcast_in_dim3A_439 : vector<256x1xi32> to vector<256x128xi32>
    %eq3A_442 = arith.cmpi eq, %iota3A, %eq3A_441 : vector<256x128xi32>
    %jit3A_443 = arith.constant 0xFF800000 : f32
    %broadcast_in_dim3A_444 = vector.broadcast %jit3A_443 : f32 to vector<256x128xf32>
    %select_n3A_445 = arith.select %eq3A_442, %broadcast_in_dim3A_444, %select_n3A_428 : vector<256x128xi1>, vector<256x128xf32>
    %reduce_max3A_446 = arith.constant dense<0xFF800000> : vector<256xf32>
    %reduce_max3A_447 = vector.multi_reduction <maximumf>, %select_n3A_445, %reduce_max3A_446 [1] : vector<256x128xf32> to vector<256xf32>
    %broadcast_in_dim3A_448 = vector.shape_cast %reduce_max3A_447 : vector<256xf32> to vector<256x1xf32>
    %eq3A_449 = vector.broadcast %broadcast_in_dim3A_448 : vector<256x1xf32> to vector<256x128xf32>
    %eq3A_450 = arith.cmpf oeq, %select_n3A_445, %eq3A_449 : vector<256x128xf32>
    %jit3A_451 = arith.constant 128 : i32
    %broadcast_in_dim3A_452 = vector.broadcast %jit3A_451 : i32 to vector<256x128xi32>
    %select_n3A_453 = arith.select %eq3A_450, %iota3A, %broadcast_in_dim3A_452 : vector<256x128xi1>, vector<256x128xi32>
    %reduce_min3A_454 = arith.constant dense<2147483647> : vector<256xi32>
    %reduce_min3A_455 = vector.multi_reduction <minsi>, %select_n3A_453, %reduce_min3A_454 [1] : vector<256x128xi32> to vector<256xi32>
    %broadcast_in_dim3A_456 = vector.shape_cast %reduce_min3A_455 : vector<256xi32> to vector<256x1xi32>
    %add3A_457 = arith.addi %mul3A_8, %broadcast_in_dim3A_456 : vector<256x1xi32>
    %eq3A_458 = vector.broadcast %broadcast_in_dim3A_456 : vector<256x1xi32> to vector<256x128xi32>
    %eq3A_459 = arith.cmpi eq, %iota3A, %eq3A_458 : vector<256x128xi32>
    %jit3A_460 = arith.constant 0xFF800000 : f32
    %broadcast_in_dim3A_461 = vector.broadcast %jit3A_460 : f32 to vector<256x128xf32>
    %select_n3A_462 = arith.select %eq3A_459, %broadcast_in_dim3A_461, %select_n3A_445 : vector<256x128xi1>, vector<256x128xf32>
    %reduce_max3A_463 = arith.constant dense<0xFF800000> : vector<256xf32>
    %reduce_max3A_464 = vector.multi_reduction <maximumf>, %select_n3A_462, %reduce_max3A_463 [1] : vector<256x128xf32> to vector<256xf32>
    %broadcast_in_dim3A_465 = vector.shape_cast %reduce_max3A_464 : vector<256xf32> to vector<256x1xf32>
    %eq3A_466 = vector.broadcast %broadcast_in_dim3A_465 : vector<256x1xf32> to vector<256x128xf32>
    %eq3A_467 = arith.cmpf oeq, %select_n3A_462, %eq3A_466 : vector<256x128xf32>
    %jit3A_468 = arith.constant 128 : i32
    %broadcast_in_dim3A_469 = vector.broadcast %jit3A_468 : i32 to vector<256x128xi32>
    %select_n3A_470 = arith.select %eq3A_467, %iota3A, %broadcast_in_dim3A_469 : vector<256x128xi1>, vector<256x128xi32>
    %reduce_min3A_471 = arith.constant dense<2147483647> : vector<256xi32>
    %reduce_min3A_472 = vector.multi_reduction <minsi>, %select_n3A_470, %reduce_min3A_471 [1] : vector<256x128xi32> to vector<256xi32>
    %broadcast_in_dim3A_473 = vector.shape_cast %reduce_min3A_472 : vector<256xi32> to vector<256x1xi32>
    %add3A_474 = arith.addi %mul3A_8, %broadcast_in_dim3A_473 : vector<256x1xi32>
    %eq3A_475 = vector.broadcast %broadcast_in_dim3A_473 : vector<256x1xi32> to vector<256x128xi32>
    %eq3A_476 = arith.cmpi eq, %iota3A, %eq3A_475 : vector<256x128xi32>
    %jit3A_477 = arith.constant 0xFF800000 : f32
    %broadcast_in_dim3A_478 = vector.broadcast %jit3A_477 : f32 to vector<256x128xf32>
    %select_n3A_479 = arith.select %eq3A_476, %broadcast_in_dim3A_478, %select_n3A_462 : vector<256x128xi1>, vector<256x128xf32>
    %reduce_max3A_480 = arith.constant dense<0xFF800000> : vector<256xf32>
    %reduce_max3A_481 = vector.multi_reduction <maximumf>, %select_n3A_479, %reduce_max3A_480 [1] : vector<256x128xf32> to vector<256xf32>
    %broadcast_in_dim3A_482 = vector.shape_cast %reduce_max3A_481 : vector<256xf32> to vector<256x1xf32>
    %eq3A_483 = vector.broadcast %broadcast_in_dim3A_482 : vector<256x1xf32> to vector<256x128xf32>
    %eq3A_484 = arith.cmpf oeq, %select_n3A_479, %eq3A_483 : vector<256x128xf32>
    %jit3A_485 = arith.constant 128 : i32
    %broadcast_in_dim3A_486 = vector.broadcast %jit3A_485 : i32 to vector<256x128xi32>
    %select_n3A_487 = arith.select %eq3A_484, %iota3A, %broadcast_in_dim3A_486 : vector<256x128xi1>, vector<256x128xi32>
    %reduce_min3A_488 = arith.constant dense<2147483647> : vector<256xi32>
    %reduce_min3A_489 = vector.multi_reduction <minsi>, %select_n3A_487, %reduce_min3A_488 [1] : vector<256x128xi32> to vector<256xi32>
    %broadcast_in_dim3A_490 = vector.shape_cast %reduce_min3A_489 : vector<256xi32> to vector<256x1xi32>
    %add3A_491 = arith.addi %mul3A_8, %broadcast_in_dim3A_490 : vector<256x1xi32>
    %eq3A_492 = vector.broadcast %broadcast_in_dim3A_490 : vector<256x1xi32> to vector<256x128xi32>
    %eq3A_493 = arith.cmpi eq, %iota3A, %eq3A_492 : vector<256x128xi32>
    %jit3A_494 = arith.constant 0xFF800000 : f32
    %broadcast_in_dim3A_495 = vector.broadcast %jit3A_494 : f32 to vector<256x128xf32>
    %select_n3A_496 = arith.select %eq3A_493, %broadcast_in_dim3A_495, %select_n3A_479 : vector<256x128xi1>, vector<256x128xf32>
    %reduce_max3A_497 = arith.constant dense<0xFF800000> : vector<256xf32>
    %reduce_max3A_498 = vector.multi_reduction <maximumf>, %select_n3A_496, %reduce_max3A_497 [1] : vector<256x128xf32> to vector<256xf32>
    %broadcast_in_dim3A_499 = vector.shape_cast %reduce_max3A_498 : vector<256xf32> to vector<256x1xf32>
    %eq3A_500 = vector.broadcast %broadcast_in_dim3A_499 : vector<256x1xf32> to vector<256x128xf32>
    %eq3A_501 = arith.cmpf oeq, %select_n3A_496, %eq3A_500 : vector<256x128xf32>
    %jit3A_502 = arith.constant 128 : i32
    %broadcast_in_dim3A_503 = vector.broadcast %jit3A_502 : i32 to vector<256x128xi32>
    %select_n3A_504 = arith.select %eq3A_501, %iota3A, %broadcast_in_dim3A_503 : vector<256x128xi1>, vector<256x128xi32>
    %reduce_min3A_505 = arith.constant dense<2147483647> : vector<256xi32>
    %reduce_min3A_506 = vector.multi_reduction <minsi>, %select_n3A_504, %reduce_min3A_505 [1] : vector<256x128xi32> to vector<256xi32>
    %broadcast_in_dim3A_507 = vector.shape_cast %reduce_min3A_506 : vector<256xi32> to vector<256x1xi32>
    %add3A_508 = arith.addi %mul3A_8, %broadcast_in_dim3A_507 : vector<256x1xi32>
    %eq3A_509 = vector.broadcast %broadcast_in_dim3A_507 : vector<256x1xi32> to vector<256x128xi32>
    %eq3A_510 = arith.cmpi eq, %iota3A, %eq3A_509 : vector<256x128xi32>
    %jit3A_511 = arith.constant 0xFF800000 : f32
    %broadcast_in_dim3A_512 = vector.broadcast %jit3A_511 : f32 to vector<256x128xf32>
    %select_n3A_513 = arith.select %eq3A_510, %broadcast_in_dim3A_512, %select_n3A_496 : vector<256x128xi1>, vector<256x128xf32>
    %reduce_max3A_514 = arith.constant dense<0xFF800000> : vector<256xf32>
    %reduce_max3A_515 = vector.multi_reduction <maximumf>, %select_n3A_513, %reduce_max3A_514 [1] : vector<256x128xf32> to vector<256xf32>
    %broadcast_in_dim3A_516 = vector.shape_cast %reduce_max3A_515 : vector<256xf32> to vector<256x1xf32>
    %eq3A_517 = vector.broadcast %broadcast_in_dim3A_516 : vector<256x1xf32> to vector<256x128xf32>
    %eq3A_518 = arith.cmpf oeq, %select_n3A_513, %eq3A_517 : vector<256x128xf32>
    %jit3A_519 = arith.constant 128 : i32
    %broadcast_in_dim3A_520 = vector.broadcast %jit3A_519 : i32 to vector<256x128xi32>
    %select_n3A_521 = arith.select %eq3A_518, %iota3A, %broadcast_in_dim3A_520 : vector<256x128xi1>, vector<256x128xi32>
    %reduce_min3A_522 = arith.constant dense<2147483647> : vector<256xi32>
    %reduce_min3A_523 = vector.multi_reduction <minsi>, %select_n3A_521, %reduce_min3A_522 [1] : vector<256x128xi32> to vector<256xi32>
    %broadcast_in_dim3A_524 = vector.shape_cast %reduce_min3A_523 : vector<256xi32> to vector<256x1xi32>
    %add3A_525 = arith.addi %mul3A_8, %broadcast_in_dim3A_524 : vector<256x1xi32>
    %eq3A_526 = vector.broadcast %broadcast_in_dim3A_524 : vector<256x1xi32> to vector<256x128xi32>
    %eq3A_527 = arith.cmpi eq, %iota3A, %eq3A_526 : vector<256x128xi32>
    %jit3A_528 = arith.constant 0xFF800000 : f32
    %broadcast_in_dim3A_529 = vector.broadcast %jit3A_528 : f32 to vector<256x128xf32>
    %select_n3A_530 = arith.select %eq3A_527, %broadcast_in_dim3A_529, %select_n3A_513 : vector<256x128xi1>, vector<256x128xf32>
    %reduce_max3A_531 = arith.constant dense<0xFF800000> : vector<256xf32>
    %reduce_max3A_532 = vector.multi_reduction <maximumf>, %select_n3A_530, %reduce_max3A_531 [1] : vector<256x128xf32> to vector<256xf32>
    %broadcast_in_dim3A_533 = vector.shape_cast %reduce_max3A_532 : vector<256xf32> to vector<256x1xf32>
    %eq3A_534 = vector.broadcast %broadcast_in_dim3A_533 : vector<256x1xf32> to vector<256x128xf32>
    %eq3A_535 = arith.cmpf oeq, %select_n3A_530, %eq3A_534 : vector<256x128xf32>
    %jit3A_536 = arith.constant 128 : i32
    %broadcast_in_dim3A_537 = vector.broadcast %jit3A_536 : i32 to vector<256x128xi32>
    %select_n3A_538 = arith.select %eq3A_535, %iota3A, %broadcast_in_dim3A_537 : vector<256x128xi1>, vector<256x128xi32>
    %reduce_min3A_539 = arith.constant dense<2147483647> : vector<256xi32>
    %reduce_min3A_540 = vector.multi_reduction <minsi>, %select_n3A_538, %reduce_min3A_539 [1] : vector<256x128xi32> to vector<256xi32>
    %broadcast_in_dim3A_541 = vector.shape_cast %reduce_min3A_540 : vector<256xi32> to vector<256x1xi32>
    %add3A_542 = arith.addi %mul3A_8, %broadcast_in_dim3A_541 : vector<256x1xi32>
    %concatenate3A = tpu.concatenate %add3A_15, %add3A_32, %add3A_49, %add3A_66, %add3A_83, %add3A_100, %add3A_117, %add3A_134, %add3A_151, %add3A_168, %add3A_185, %add3A_202, %add3A_219, %add3A_236, %add3A_253, %add3A_270, %add3A_287, %add3A_304, %add3A_321, %add3A_338, %add3A_355, %add3A_372, %add3A_389, %add3A_406, %add3A_423, %add3A_440, %add3A_457, %add3A_474, %add3A_491, %add3A_508, %add3A_525, %add3A_542 in 1 : vector<256x1xi32>, vector<256x1xi32>, vector<256x1xi32>, vector<256x1xi32>, vector<256x1xi32>, vector<256x1xi32>, vector<256x1xi32>, vector<256x1xi32>, vector<256x1xi32>, vector<256x1xi32>, vector<256x1xi32>, vector<256x1xi32>, vector<256x1xi32>, vector<256x1xi32>, vector<256x1xi32>, vector<256x1xi32>, vector<256x1xi32>, vector<256x1xi32>, vector<256x1xi32>, vector<256x1xi32>, vector<256x1xi32>, vector<256x1xi32>, vector<256x1xi32>, vector<256x1xi32>, vector<256x1xi32>, vector<256x1xi32>, vector<256x1xi32>, vector<256x1xi32>, vector<256x1xi32>, vector<256x1xi32>, vector<256x1xi32>, vector<256x1xi32> -> vector<256x32xi32>
    %swap3A = arith.constant 0 : index
    %swap3A_543 = arith.constant 0 : index
    %swap3A_544 = vector.load %arg2[%swap3A, %swap3A_543] : memref<256x32xi32, #tpu.memory_space<vmem>>, vector<256x32xi32>
    tpu.vector_store %arg2[%swap3A, %swap3A_543], %concatenate3A {strides = array<i32>} : memref<256x32xi32, #tpu.memory_space<vmem>>, vector<256x32xi32>,
    return
  }
  func.func @transform_0(%arg0: i32) -> (i32, i32) {
    %c0_i32 = arith.constant 0 : i32
    %c0_i32_0 = arith.constant 0 : i32
    return %arg0, %c0_i32 : i32, i32
  }
  func.func @transform_1(%arg0: i32) -> (i32, i32) {
    %c0_i32 = arith.constant 0 : i32
    %c0_i32_0 = arith.constant 0 : i32
    return %arg0, %c0_i32 : i32, i32
  }
}

module attributes {stable_mosaic.version = 14 : i64} {
  func.func @_stage3_kernel(%arg0: i32, %arg1: memref<256x4096xf32, #tpu.memory_space<vmem>>, %arg2: memref<256x1024xf32, #tpu.memory_space<vmem>>, %arg3: memref<256x4096xf32, #tpu.memory_space<vmem>>) attributes {dimension_semantics = [#tpu.dimension_semantics<arbitrary>], iteration_bounds = array<i64: 16>, scalar_prefetch = 0 : i64, scratch_operands = 0 : i64, tpu.core_type = #tpu.core_type<tc>, window_params = [{transform_indices = @transform_0, window_bounds = array<i64: 256, 4096>}, {transform_indices = @transform_1, window_bounds = array<i64: 256, 1024>}, {transform_indices = @transform_2, window_bounds = array<i64: 256, 4096>}]} {
    %get3A = arith.constant 0 : index
    %get3A_0 = arith.constant 0 : index
    %get3A_1 = vector.load %arg2[%get3A, %get3A_0] : memref<256x1024xf32, #tpu.memory_space<vmem>>, vector<256x1024xf32>
    %bitcast_convert_type3A = tpu.bitcast %get3A_1 : vector<256x1024xf32> -> vector<256x1024xi32>
    %shift_right_arithmetic3A = arith.constant 31 : i32
    %shift_right_arithmetic3A_2 = vector.broadcast %shift_right_arithmetic3A : i32 to vector<256x1024xi32>
    %shift_right_arithmetic3A_3 = arith.shrsi %bitcast_convert_type3A, %shift_right_arithmetic3A_2 : vector<256x1024xi32>
    %and3A = arith.constant 2147483647 : i32
    %and3A_4 = vector.broadcast %and3A : i32 to vector<256x1024xi32>
    %and3A_5 = arith.andi %shift_right_arithmetic3A_3, %and3A_4 : vector<256x1024xi32>
    %xor3A = arith.xori %bitcast_convert_type3A, %and3A_5 : vector<256x1024xi32>
    %broadcast_in_dim3A = arith.constant 0 : i32
    %broadcast_in_dim3A_6 = vector.broadcast %broadcast_in_dim3A : i32 to vector<256x1xi32>
    %scan3A = arith.constant -2147483648 : i32
    %scan3A_7 = arith.constant 0 : i32
    %scan3A_8 = arith.constant 32 : i32
    %scan3A_9 = arith.addi %scan3A_7, %scan3A_8 : i32
    %scan3A_10 = arith.constant 1 : i32
    %scan3A_11 = scf.for %scan3A_40 = %scan3A_7 to %scan3A_9 step %scan3A_10 iter_args(%scan3A_41 = %broadcast_in_dim3A_6) -> (vector<256x1xi32>)  : i32 {
      %sub3A_42 = arith.constant 31 : i32
      %sub3A_43 = arith.subi %sub3A_42, %scan3A_40 : i32
      %shift_left3A = arith.constant 1 : i32
      %shift_left3A_44 = arith.shli %shift_left3A, %sub3A_43 : i32
      %or3A = vector.broadcast %shift_left3A_44 : i32 to vector<256x1xi32>
      %or3A_45 = arith.ori %scan3A_41, %or3A : vector<256x1xi32>
      %xor3A_46 = vector.broadcast %scan3A : i32 to vector<256x1xi32>
      %xor3A_47 = arith.xori %or3A_45, %xor3A_46 : vector<256x1xi32>
      %ge3A_48 = vector.broadcast %xor3A_47 : vector<256x1xi32> to vector<256x1024xi32>
      %ge3A_49 = arith.cmpi sge, %xor3A, %ge3A_48 : vector<256x1024xi32>
      %convert_element_type3A = arith.extui %ge3A_49 : vector<256x1024xi1> to vector<256x1024xi32>
      %convert_element_type3A_50 = arith.sitofp %convert_element_type3A : vector<256x1024xi32> to vector<256x1024xf32>
      %reduce_sum3A_51 = arith.constant dense<0.000000e+00> : vector<256xf32>
      %reduce_sum3A_52 = vector.multi_reduction <add>, %convert_element_type3A_50, %reduce_sum3A_51 [1] : vector<256x1024xf32> to vector<256xf32>
      %broadcast_in_dim3A_53 = vector.shape_cast %reduce_sum3A_52 : vector<256xf32> to vector<256x1xf32>
      %ge3A_54 = arith.constant 3.000000e+01 : f32
      %ge3A_55 = vector.broadcast %ge3A_54 : f32 to vector<256x1xf32>
      %ge3A_56 = arith.cmpf oge, %broadcast_in_dim3A_53, %ge3A_55 : vector<256x1xf32>
      %select_n3A_57 = arith.select %ge3A_56, %or3A_45, %scan3A_41 : vector<256x1xi1>, vector<256x1xi32>
      scf.yield %select_n3A_57 : vector<256x1xi32>
    }
    %scan3A_12 = arith.constant 32 : i32
    %xor3A_13 = arith.constant -2147483648 : i32
    %xor3A_14 = vector.broadcast %xor3A_13 : i32 to vector<256x1xi32>
    %xor3A_15 = arith.xori %scan3A_11, %xor3A_14 : vector<256x1xi32>
    %get3A_16 = arith.constant 0 : index
    %get3A_17 = arith.constant 0 : index
    %get3A_18 = vector.load %arg1[%get3A_16, %get3A_17] : memref<256x4096xf32, #tpu.memory_space<vmem>>, vector<256x4096xf32>
    %bitcast_convert_type3A_19 = tpu.bitcast %get3A_18 : vector<256x4096xf32> -> vector<256x4096xi32>
    %shift_right_arithmetic3A_20 = arith.constant 31 : i32
    %shift_right_arithmetic3A_21 = vector.broadcast %shift_right_arithmetic3A_20 : i32 to vector<256x4096xi32>
    %shift_right_arithmetic3A_22 = arith.shrsi %bitcast_convert_type3A_19, %shift_right_arithmetic3A_21 : vector<256x4096xi32>
    %and3A_23 = arith.constant 2147483647 : i32
    %and3A_24 = vector.broadcast %and3A_23 : i32 to vector<256x4096xi32>
    %and3A_25 = arith.andi %shift_right_arithmetic3A_22, %and3A_24 : vector<256x4096xi32>
    %xor3A_26 = arith.xori %bitcast_convert_type3A_19, %and3A_25 : vector<256x4096xi32>
    %ge3A = vector.broadcast %xor3A_15 : vector<256x1xi32> to vector<256x4096xi32>
    %ge3A_27 = arith.cmpi sge, %xor3A_26, %ge3A : vector<256x4096xi32>
    %gt3A = arith.constant 0.000000e+00 : f32
    %gt3A_28 = vector.broadcast %gt3A : f32 to vector<256x4096xf32>
    %gt3A_29 = arith.cmpf ogt, %get3A_18, %gt3A_28 : vector<256x4096xf32>
    %and3A_30 = arith.andi %ge3A_27, %gt3A_29 : vector<256x4096xi1>
    %jit3A = arith.constant -9.99999986E+14 : f32
    %broadcast_in_dim3A_31 = vector.broadcast %jit3A : f32 to vector<256x4096xf32>
    %select_n3A = arith.select %and3A_30, %get3A_18, %broadcast_in_dim3A_31 : vector<256x4096xi1>, vector<256x4096xf32>
    %reduce_max3A = arith.constant dense<0xFF800000> : vector<256xf32>
    %reduce_max3A_32 = vector.multi_reduction <maximumf>, %select_n3A, %reduce_max3A [1] : vector<256x4096xf32> to vector<256xf32>
    %broadcast_in_dim3A_33 = vector.shape_cast %reduce_max3A_32 : vector<256xf32> to vector<256x1xf32>
    %sub3A = vector.broadcast %broadcast_in_dim3A_33 : vector<256x1xf32> to vector<256x4096xf32>
    %sub3A_34 = arith.subf %select_n3A, %sub3A : vector<256x4096xf32>
    %exp3A = math.exp %sub3A_34 : vector<256x4096xf32>
    %reduce_sum3A = arith.constant dense<0.000000e+00> : vector<256xf32>
    %reduce_sum3A_35 = vector.multi_reduction <add>, %exp3A, %reduce_sum3A [1] : vector<256x4096xf32> to vector<256xf32>
    %broadcast_in_dim3A_36 = vector.shape_cast %reduce_sum3A_35 : vector<256xf32> to vector<256x1xf32>
    %div3A = vector.broadcast %broadcast_in_dim3A_36 : vector<256x1xf32> to vector<256x4096xf32>
    %div3A_37 = arith.divf %exp3A, %div3A : vector<256x4096xf32>
    %swap3A = arith.constant 0 : index
    %swap3A_38 = arith.constant 0 : index
    %swap3A_39 = vector.load %arg3[%swap3A, %swap3A_38] : memref<256x4096xf32, #tpu.memory_space<vmem>>, vector<256x4096xf32>
    tpu.vector_store %arg3[%swap3A, %swap3A_38], %div3A_37 {strides = array<i32>} : memref<256x4096xf32, #tpu.memory_space<vmem>>, vector<256x4096xf32>,
    return
  }
  func.func @transform_0(%arg0: i32) -> (i32, i32) {
    %c0_i32 = arith.constant 0 : i32
    %c0_i32_0 = arith.constant 0 : i32
    return %arg0, %c0_i32 : i32, i32
  }
  func.func @transform_1(%arg0: i32) -> (i32, i32) {
    %c0_i32 = arith.constant 0 : i32
    %c0_i32_0 = arith.constant 0 : i32
    return %arg0, %c0_i32 : i32, i32
  }
  func.func @transform_2(%arg0: i32) -> (i32, i32) {
    %c0_i32 = arith.constant 0 : i32
    %c0_i32_0 = arith.constant 0 : i32
    return %arg0, %c0_i32 : i32, i32
  }
}

</mosaic_0001>

<sc_bundles>
// kernel: kernel.5.cloned.1.call-start
scs
__scs_entry_jumppad:
0x0: {  	(pc) =	sbr.rel $0x88, $3  }
0x1: {  	(tag) =	ssettag $0x0;
	lr =	simm.s32 $0x1  }
0x2: {  	[smem:$0x3FA0] =	sst lr;
	_ =	strace $0xD0000000  }
0x3: {  	_ = 	snop  }
0x4: {  	_ = 	snop  }
0x5: {  	_ = 	snop  }
0x6: {  	_ = 	snop  }
0x7: {  	_ = 	snop  }
__scs_overlays_trampoline_lowered:
0x8: {  	[smem:$0x3FAF] =	sst s0  }
0x9: {  	[smem:$0x3FB0] =	sst s1  }
0xa: {  	[smem:$0x3FB1] =	sst s2  }
0xb: {  	[smem:$0x3FB2] =	sst s3  }
0xc: {  	[smem:$0x3FB3] =	sst s4  }
0xd: {  	[smem:$0x3FB4] =	sst s5  }
0xe: {  	[smem:$0x3FB5] =	sst s6  }
0xf: {  	[smem:$0x3FB6] =	sst s7  }
0x10: {  	[smem:$0x3FB7] =	sst s8  }
0x11: {  	[smem:$0x3FB8] =	sst s9;
	s0 =	simm.s32 @!p0 $0x0  }
0x12: {  	s1 =	sld [smem:$0x3F9E];
	s0 =	simm.s32 @p0 $0x1  }
0x13: {  	[smem:$0x3FB9] =	sst s0;
	s0 =	simm.s32 @!p1 $0x0  }
0x14: {  	s2 =	sld [smem:$0x3F9D];
	s0 =	simm.s32 @p1 $0x1  }
0x15: {  	[smem:$0x3FBA] =	sst s0;
	s0 =	simm.s32 @!p2 $0x0  }
0x16: {  	s3 =	sld [smem:$0x3FDB];
	s0 =	simm.s32 @p2 $0x1  }
0x17: {  	s4 =	simm.s32 $0x1BF5;
	[smem:$0x3FBC] =	sst s0  }
0x18: {  	s0 =	sld [smem:$0x3F9F];
	_ =	swait.ge [sflag:s4], $0x0  }
0x19: {  	s7 =	sld [smem:$0x3FA0]  }
0x1a: {  	s8 =	sadd.s32 $0xFFFFE003, lr  }
0x1b: {  	s9 =	sadd.s32 $0xFFFFFEF7, lr;
	s5 =	simm.s32 $0xFFFFFFFF;
	p2 =	slt.u32 s8, $0xFFFFF086  }
0x1c: {  	p1 =	slt.u32 s9, $0xF7A;
	s5 =	simm.s32 @!p2 $0x0  }
0x1d: {  	s5 =	simm.s32 @p1 $0x1;
	p0 =	seq.s32 s7, s2  }
0x1e: {  	s7 =	smul.u32 @!p0 $0xF7A, s2;
	p2 =	seq.s32 @!p0 s5, $0x0  }
0x1f: {  	s9 =	smul.u32 $0xF7A, s1;
	s8 =	simm.s32 @!p0 $0x1BF5;
	p2 =	por !p2, p0  }
0x20: {  	[sflag:s8] =	ssyncset.s32 @!p0 $0xFFFFF086;
	s6 =	sadd.s32 @!p0 s3, s7;
	s7 =	simm.s32 @!p0 $0x108  }
0x21: {  	s3 =	sadd.s32 s3, s9;
	s6 =	sadd.s32 @!p0 $0x88, s6;
	s7 =	simm.s32 @p2 $0x1082  }
0x22: {  	[simem:s7], [sflag:s8] =	dma.local @!p0 [hbm:s6], $0xF7A  }
0x23: {  	s9 =	sor.u32 $0xD0000000, s2;
	s6 =	simm.s32 $0x108;
	_ =	swait.ge @!p0 [sflag:s8], $0x0  }
0x24: {  	s3 =	sadd.s32 $0x88, s3;
	s6 =	simm.s32 @!p1 $0x1082;
	[sflag:s4] =	ssyncset.s32 $0xFFFFF086  }
0x25: {  	[simem:s6], [sflag:s4] =	dma.local [hbm:s3], $0xF7A  }
0x26: {  	[smem:$0x3FA0] =	sst s1;
	(tag) =	ssettag s2;
	_ =	strace s9  }
0x27: {  	s1 =	sld [smem:$0x3FB0]  }
0x28: {  	s2 =	sld [smem:$0x3FB1]  }
0x29: {  	s4 =	sld [smem:$0x3FB3]  }
0x2a: {  	p0 =	seq.s32 s5, $0x0;
	s5 =	sld [smem:$0x3FB4]  }
0x2b: {  	s6 =	sld [smem:$0x3FB5]  }
0x2c: {  	s7 =	sld [smem:$0x3FB6]  }
0x2d: {  	s3 =	simm.s32 $0x108;
	s8 =	sld [smem:$0x3FB7]  }
0x2e: {  	s3 =	simm.s32 @!p0 $0x1082;
	s9 =	sld [smem:$0x3FB8]  }
0x2f: {  	lr =	sadd.s32 s0, s3;
	s0 =	sld [smem:$0x3FAF]  }
0x30: {  	s3 =	sld [smem:$0x3FB2]  }
0x31: {  	[smem:$0x3FBB] =	sst s10  }
0x32: {  	s10 =	sld [smem:$0x3FB9];
	_ =	sdelay $0x3  }
0x33: {  	p0 =	seq.s32 s10, $0x1;
	s10 =	sld [smem:$0x3FBB];
	_ =	sdelay $0x3  }
0x34: {  	[smem:$0x3FBB] =	sst s10  }
0x35: {  	s10 =	sld [smem:$0x3FBA];
	_ =	sdelay $0x3  }
0x36: {  	p1 =	seq.s32 s10, $0x1;
	s10 =	sld [smem:$0x3FBB];
	_ =	sdelay $0x3  }
0x37: {  	[smem:$0x3FBB] =	sst s10  }
0x38: {  	s10 =	sld [smem:$0x3FBC]  }
0x39: {  	_ = 	snop;
	(pc) =	sbr.ind lr, $3  }
0x3a: {  	_ = 	snop  }
0x3b: {  	_ = 	snop  }
0x3c: {  	p2 =	seq.s32 s10, $0x1;
	s10 =	sld [smem:$0x3FBB]  }
0x3d: {  	_ =	shalt  }
0x3e: {  	_ =	shalt  }
0x3f: {  	_ =	shalt  }
0x40: {  	_ =	shalt  }
0x41: {  	_ =	shalt  }
0x42: {  	_ =	shalt  }
0x43: {  	_ =	shalt  }
0x44: {  	_ =	shalt  }
0x45: {  	_ =	shalt  }
0x46: {  	_ =	shalt  }
0x47: {  	_ =	shalt  }
0x48: {  	_ =	shalt  }
0x49: {  	_ =	shalt  }
0x4a: {  	_ =	shalt  }
0x4b: {  	_ =	shalt  }
0x4c: {  	_ =	shalt  }
0x4d: {  	_ =	shalt  }
0x4e: {  	_ =	shalt  }
0x4f: {  	_ =	shalt  }
0x50: {  	_ =	shalt  }
0x51: {  	_ =	shalt  }
0x52: {  	_ =	shalt  }
0x53: {  	_ =	shalt  }
0x54: {  	_ =	shalt  }
0x55: {  	_ =	shalt  }
0x56: {  	_ =	shalt  }
0x57: {  	_ =	shalt  }
0x58: {  	_ =	shalt  }
0x59: {  	_ =	shalt  }
0x5a: {  	_ =	shalt  }
0x5b: {  	_ =	shalt  }
0x5c: {  	_ =	shalt  }
0x5d: {  	_ =	shalt  }
0x5e: {  	_ =	shalt  }
0x5f: {  	_ =	shalt  }
0x60: {  	_ =	shalt  }
0x61: {  	_ =	shalt  }
0x62: {  	_ =	shalt  }
0x63: {  	_ =	shalt  }
0x64: {  	_ =	shalt  }
0x65: {  	_ =	shalt  }
0x66: {  	_ =	shalt  }
0x67: {  	_ =	shalt  }
0x68: {  	_ =	shalt  }
0x69: {  	_ =	shalt  }
0x6a: {  	_ =	shalt  }
0x6b: {  	_ =	shalt  }
0x6c: {  	_ =	shalt  }
0x6d: {  	_ =	shalt  }
0x6e: {  	_ =	shalt  }
0x6f: {  	_ =	shalt  }
0x70: {  	_ =	shalt  }
0x71: {  	_ =	shalt  }
0x72: {  	_ =	shalt  }
0x73: {  	_ =	shalt  }
0x74: {  	_ =	shalt  }
0x75: {  	_ =	shalt  }
0x76: {  	_ =	shalt  }
0x77: {  	_ =	shalt  }
0x78: {  	_ =	shalt  }
0x79: {  	_ =	shalt  }
0x7a: {  	_ =	shalt  }
0x7b: {  	_ =	shalt  }
0x7c: {  	_ =	shalt  }
0x7d: {  	_ =	shalt  }
0x7e: {  	_ =	shalt  }
0x7f: {  	_ =	shalt  }
0x80: {  	_ =	shalt  }
0x81: {  	_ =	shalt  }
0x82: {  	_ =	shalt  }
0x83: {  	_ =	shalt  }
0x84: {  	_ =	shalt  }
0x85: {  	_ =	shalt  }
0x86: {  	_ =	shalt  }
0x87: {  	_ =	shalt  }
.Lfunc_end0:
.L_simem_size_0:
called_computation.1_lowered:
.L_overlay_start_0:
0x88: {  	s2 =	sld [smem:$0x3FD9]  }
0x89: {  	s3 =	sld [smem:$0x3FFE];
	_ =	sdelay $0x1  }
0x8a: {  	s1 =	srdreg.scid  }
0x8b: {  	s0 =	sand.u32 $0x1, s1  }
0x8c: {  	s17 =	sshll.u32 s0, $0xA;
	s2 =	sadd.s32 s3, s2  }
0x8d: {  	s2 =	sadd.s32 s2, s17  }
0x8e: {  	[smem:$0x3FC7] =	sst s2  }
0x8f: {  	_ = 	snop  }
0x90: {  	s2 =	sld [smem:$0x3FD0];
	(tm) =	ssettm $0x1  }
0x91: {  	s18 =	sld [smem:$0x3FFB];
	_ =	sdelay $0x3  }
0x92: {  	_ =	strace s18  }
0x93: {  	s3 =	sld [smem:$0x3FFC];
	_ =	sdelay $0x3  }
0x94: {  	_ =	strace s3  }
0x95: {  	s3 =	sld [smem:$0x3FFD];
	_ =	sdelay $0x3  }
0x96: {  	_ =	strace s3  }
0x97: {  	_ =	strace $0x8FFFFFFF  }
0x98: {  	s19 =	sld [smem:$0x3FDB];
	_ =	sdelay $0x1  }
0x99: {  	s4 =	simm.s32 $_scs_section_size  }
0x9a: {  	s5 =	simm.s32 $_size__tile_overlayer_lowered;
	s6 =	simm.s32 $_tile_overlayer_lowered  }
0x9b: {  	s22 =	simm.s32 $0x1BFF;
	s21 =	sshll.u32 s6, $0x1;
	s3 =	sadd.s32 s4, s19  }
0x9c: {  	s7 =	simm.s32 $0x0;
	s20 =	sshll.u32 s5, $0x1;
	s5 =	sadd.s32 s21, s3  }
0x9d: {  	[timem:s7], [sflag:s22] =	dma.local [hbm:s5], s20  }
0x9e: {  	_ =	swait.ge [sflag:s22], s20  }
0x9f: {  	s4 =	ssub.s32 $0x0, s20;
	[sflag:s22] =	ssyncset.done $0x0  }
0xa0: {  	[sflag:s22] =	ssyncadd.s32 s4;
	_ =	sdelay $0x1  }
0xa1: {  	s23 =	simm.s32 $0x1B8B  }
0xa2: {  	_ =	swait.ge [sflag:s23], $0x1  }
0xa3: {  	[sflag:s23] =	ssyncset.done $0x0  }
0xa4: {  	s25 =	simm.s32 $0x1B8E;
	s24 =	sld [smem:$0x3FFE];
	[sflag:s23] =	ssyncadd.s32 $0xFFFFFFFF  }
0xa5: {  	s26 =	simm.s32 $execute0_lowered;
	[smem:$0x3FD2] =	sst s25  }
0xa6: {  	s5 =	sshll.u32 s26, $0x1;
	_ =	strace $0x80000049;
	[dreg:$0x1] =	wrdreg $0xFFFFFFFF  }
0xa7: {  	s28 =	simm.s32 $_size_execute0_lowered;
	s3 =	sadd.s32 s3, s5;
	[dreg:$0x0] =	wrdreg $0x0  }
0xa8: {  	s5 =	sshll.u32 s28, $0x1;
	[dreg:$0x2] =	wrdreg s3  }
0xa9: {  	[dreg:$0x3] =	wrdreg s5  }
0xaa: {  	[dreg:$0x4] =	wrdreg $0xC0  }
0xab: {  	_ =	task [dreg:s7], $0x5FFFF  }
0xac: {  	[dreg:$0x1] =	wrdreg $0xFFFFFFFF  }
0xad: {  	[dreg:$0x0] =	wrdreg $0x60  }
0xae: {  	[dreg:$0x2] =	wrdreg s2  }
0xaf: {  	[dreg:$0x3] =	wrdreg s24  }
0xb0: {  	[dreg:$0x4] =	wrdreg $0x9  }
0xb1: {  	_ =	task.clear_ibuf [dreg:s7], $0x5FFFF;
	_ =	strace $0x90000049  }
0xb2: {  	s29 =	simm.s32 $0x9;
	_ =	strace $0x8000004B  }
0xb3: {  	_ =	swait.ge [sflag:s29], $0x1  }
0xb4: {  	[sflag:s29] =	ssyncadd.s32 $0xFFFFFFFF  }
0xb5: {  	_ =	strace $0x9000004B  }
0xb6: {  	_ =	sfence  }
0xb7: {  	s30 =	sld [smem:$0x0];
	_ =	sdelay $0x2  }
0xb8: {  	s31 =	sshll.u32 s1, $0xD;
	s1 =	sshrl.u32 s1, $0x2  }
0xb9: {  	s3 =	sand.u32 $0x4000, s31;
	s1 =	sadd.s32 s1, s30  }
0xba: {  	s0 =	sor.u32 s3, s0;
	s1 =	sshll.u32 s1, $0x11  }
0xbb: {  	s0 =	sor.u32 s1, s0  }
0xbc: {  	s0 =	sadd.s32 $0x8F2B, s0  }
0xbd: {  	[sflag:s0] =	ssyncadd.remote.s32 $0x1  }
0xbe: {  	_ =	sfence.sel $0xFFFF  }
0xbf: {  	[dreg:$0x0] =	wrdreg $0xFFFFFFFF;
	(pc) =	sbr.abs _section_cstart, $3  }
0xc0: {  	[dreg:$0x1] =	wrdreg $0xFFFFFFFF  }
0xc1: {  	_ =	task.clear_ibuf [dreg:s7], $0x2FFFF;
	_ =	strace $0x9FFFFFFF  }
0xc2: {  	(tm) =	ssettm $0x7FFFFFFF  }
0xc3: {  	_ =	shalt  }
tec
execute0_lowered:
.L_overlay_start_1:
0x0: {  	(tag) =	ssettag $0x1  }
0x1: {  	s0 =	srdreg.scid;
	s5 =	rddreg [dreg:$0x0]  }
0x2: {  	s1 =	stileid.u32;
	s3 =	rddreg [dreg:$0x1]  }
0x3: {  	s7 =	simm.s32 $0x200;
	s8 =	simm.s32 $0x280;
	s9 =	simm.s32 $0x300  }
0x4: {  	s10 =	simm.s32 $0x380;
	s11 =	simm.s32 $0x400;
	s12 =	simm.s32 $0x480  }
0x5: {  	s13 =	simm.s32 $0x500;
	s14 =	simm.s32 $0x580;
	s0 =	sand.u32 $0x1, s0  }
0x6: {  	s15 =	simm.s32 $0x600;
	s1 =	sshll.u32 s1, $0xD;
	s2 =	sshll.u32 s0, $0xC  }
0x7: {  	s16 =	simm.s32 $0x680;
	s1 =	sor.u32 s2, s1;
	s2 =	simm.s32 $0x0  }
0x8: {  	s17 =	simm.s32 $0x700;
	s18 =	simm.s32 $0x780;
	[smem:$0x7FF] =	sst s2  }
0x9: {  	s19 =	simm.s32 $0x800;
	_ =	strace $0x8000004A;
	[dreg:$0x8] =	wrdreg s7  }
0xa: {  	s20 =	simm.s32 $0x880;
	s21 =	simm.s32 $0x900;
	[dreg:$0x9] =	wrdreg s8  }
0xb: {  	s22 =	simm.s32 $0x980;
	s23 =	simm.s32 $0xA00;
	[dreg:$0xa] =	wrdreg s9  }
0xc: {  	s24 =	simm.s32 $0xA80;
	p0 =	por $0x0, $0x0;
	[dreg:$0xb] =	wrdreg s10  }
0xd: {  	s28 =	simm.s32 $0xD80;
	s29 =	simm.s32 $0xE00;
	[dreg:$0xc] =	wrdreg s11  }
0xe: {  	s30 =	simm.s32 $0xE80;
	s0 =	ssub.s32 $0x2, s0;
	[dreg:$0xd] =	wrdreg s12  }
0xf: {  	s31 =	simm.s32 $0xF00;
	s6 =	sshrl.u32 s0, $0x1;
	[dreg:$0xe] =	wrdreg s13  }
0x10: {  	s4 =	sshrl.u32 s1, $0x3;
	s1 =	sshll.u32 s1, $0x2;
	[dreg:$0xf] =	wrdreg s14  }
0x11: {  	s0 =	ssub.s32 s0, s6;
	s6 =	simm.s32 $0x80;
	[dreg:$0x10] =	wrdreg s15  }
0x12: {  	s4 =	sadd.s32 s4, s3;
	s1 =	sadd.s32 s1, s3;
	[dreg:$0x11] =	wrdreg s16  }
0x13: {  	s3 =	simm.s32 $0x100;
	s0 =	smax.u32 s0, $0x1;
	[dreg:$0x12] =	wrdreg s17  }
0x14: {  	s8 =	simm.s32 $0x2000;
	s9 =	simm.s32 $0x3000;
	[dreg:$0x13] =	wrdreg s18  }
0x15: {  	s10 =	simm.s32 $0x4000;
	s11 =	simm.s32 $0x5000;
	[dreg:$0x14] =	wrdreg s19  }
0x16: {  	s12 =	simm.s32 $0x6000;
	s13 =	simm.s32 $0x7000;
	[dreg:$0x15] =	wrdreg s20  }
0x17: {  	s14 =	simm.s32 $0x8000;
	s15 =	simm.s32 $0x9000;
	[dreg:$0x16] =	wrdreg s21  }
0x18: {  	s16 =	simm.s32 $0xA000;
	s17 =	simm.s32 $0xB000;
	[dreg:$0x17] =	wrdreg s22  }
0x19: {  	s18 =	simm.s32 $0xC000;
	s19 =	simm.s32 $0xD000;
	[dreg:$0x18] =	wrdreg s23  }
0x1a: {  	s20 =	simm.s32 $0xE000;
	[dreg:$0x19] =	wrdreg s24;
	s21 =	simm.s32 $0xF000  }
0x1b: {  	s22 =	simm.s32 $0x10000;
	s25 =	sadd.s32 $0x800, s4;
	[dreg:$0x6] =	wrdreg s3  }
0x1c: {  	s7 =	simm.s32 $0x1;
	s26 =	sadd.s32 $0x4800, s1;
	[dreg:$0x3] =	wrdreg s25  }
0x1d: {  	s1 =	sadd.s32 $0x6800, s1;
	p1 =	sne.s32 s0, $0x1;
	[dreg:$0x4] =	wrdreg s26  }
.Ltmp0:
0x1e: {  	s4 =	simm.s32 $0x180;
	[dreg:$0x5] =	wrdreg s1;
	(pc) =	sbr.rel @!p1 .LBB2_1-.Ltmp0, $4  }
0x1f: {  	s24 =	simm.s32 $0xF80;
	[dreg:$0x7] =	wrdreg s4;
	s25 =	simm.s32 $0xB00  }
0x20: {  	s3 =	simm.s32 $0x2;
	s26 =	simm.s32 $0xB80;
	[dreg:$0x1a] =	wrdreg s25  }
0x21: {  	s23 =	sadd.s32 $0xFFFFFFFF, s0;
	s4 =	simm.s32 $0x1000;
	[dreg:$0x1b] =	wrdreg s26  }
0x22: {  	s25 =	simm.s32 $0xC80;
	s26 =	simm.s32 $0xD00;
	s0 =	rddreg [dreg:$0x3]  }
0x23: {  	[tilespmem:s2], [sflag:$0x2] =	stream.linear.gather [hbm4b:s0+s2], $0x1000, $0x38;
	[tilespmem:$0x11000] =	vst v63  }
0x24: {  	_ =	swait.ge [sflag:s3], $0x1000  }
0x25: {  	[sflag:s3] =	ssyncset.done $0x0  }
0x26: {  	[sflag:s3] =	ssyncadd.s32 $0xFFFFF000  }
0x27: {  	[tilespmem:s4], [sflag:$0x1] =	stream.indirect.gather [hbm4b:s5+s6], $0x20, s2, s6, $0xb8;
	[tilespmem:$0x11000] =	vst v63  }
0x28: {  	_ = 	snop  }
0x29: {  	[tilespmem:s8], [sflag:$0x1] =	stream.indirect.gather [hbm4b:s5+s6], $0x20, s6, s6, $0xb8;
	[tilespmem:$0x11000] =	vst v63  }
0x2a: {  	s0 =	rddreg [dreg:$0x6]  }
0x2b: {  	[tilespmem:s9], [sflag:$0x1] =	stream.indirect.gather [hbm4b:s5+s6], $0x20, s0, s6, $0xb8;
	[tilespmem:$0x11000] =	vst v63  }
0x2c: {  	s1 =	rddreg [dreg:$0x7]  }
0x2d: {  	[tilespmem:s10], [sflag:$0x1] =	stream.indirect.gather [hbm4b:s5+s6], $0x20, s1, s6, $0xb8;
	[tilespmem:$0x11000] =	vst v63  }
0x2e: {  	s0 =	rddreg [dreg:$0x8]  }
0x2f: {  	[tilespmem:s11], [sflag:$0x1] =	stream.indirect.gather [hbm4b:s5+s6], $0x20, s0, s6, $0xb8;
	[tilespmem:$0x11000] =	vst v63  }
0x30: {  	s1 =	rddreg [dreg:$0x9]  }
0x31: {  	[tilespmem:s12], [sflag:$0x1] =	stream.indirect.gather [hbm4b:s5+s6], $0x20, s1, s6, $0xb8;
	[tilespmem:$0x11000] =	vst v63  }
0x32: {  	s0 =	rddreg [dreg:$0xa]  }
0x33: {  	[tilespmem:s13], [sflag:$0x1] =	stream.indirect.gather [hbm4b:s5+s6], $0x20, s0, s6, $0xb8;
	[tilespmem:$0x11000] =	vst v63  }
0x34: {  	s1 =	rddreg [dreg:$0xb]  }
0x35: {  	[tilespmem:s14], [sflag:$0x1] =	stream.indirect.gather [hbm4b:s5+s6], $0x20, s1, s6, $0xb8;
	[tilespmem:$0x11000] =	vst v63  }
0x36: {  	s0 =	rddreg [dreg:$0xc]  }
0x37: {  	[tilespmem:s15], [sflag:$0x1] =	stream.indirect.gather [hbm4b:s5+s6], $0x20, s0, s6, $0xb8;
	[tilespmem:$0x11000] =	vst v63  }
0x38: {  	s1 =	rddreg [dreg:$0xd]  }
0x39: {  	[tilespmem:s16], [sflag:$0x1] =	stream.indirect.gather [hbm4b:s5+s6], $0x20, s1, s6, $0xb8;
	[tilespmem:$0x11000] =	vst v63  }
0x3a: {  	s0 =	rddreg [dreg:$0xe]  }
0x3b: {  	[tilespmem:s17], [sflag:$0x1] =	stream.indirect.gather [hbm4b:s5+s6], $0x20, s0, s6, $0xb8;
	[tilespmem:$0x11000] =	vst v63  }
0x3c: {  	s1 =	rddreg [dreg:$0xf]  }
0x3d: {  	[tilespmem:s18], [sflag:$0x1] =	stream.indirect.gather [hbm4b:s5+s6], $0x20, s1, s6, $0xb8;
	[tilespmem:$0x11000] =	vst v63  }
0x3e: {  	s0 =	rddreg [dreg:$0x10]  }
0x3f: {  	[tilespmem:s19], [sflag:$0x1] =	stream.indirect.gather [hbm4b:s5+s6], $0x20, s0, s6, $0xb8;
	[tilespmem:$0x11000] =	vst v63  }
0x40: {  	s1 =	rddreg [dreg:$0x11]  }
0x41: {  	[tilespmem:s20], [sflag:$0x1] =	stream.indirect.gather [hbm4b:s5+s6], $0x20, s1, s6, $0xb8;
	[tilespmem:$0x11000] =	vst v63  }
0x42: {  	s0 =	rddreg [dreg:$0x12]  }
0x43: {  	[tilespmem:s21], [sflag:$0x1] =	stream.indirect.gather [hbm4b:s5+s6], $0x20, s0, s6, $0xb8;
	[tilespmem:$0x11000] =	vst v63  }
0x44: {  	s1 =	rddreg [dreg:$0x13]  }
0x45: {  	[tilespmem:s22], [sflag:$0x1] =	stream.indirect.gather [hbm4b:s5+s6], $0x20, s1, s6, $0xb8;
	[tilespmem:$0x11000] =	vst v63  }
0x46: {  	_ =	swait.ge [sflag:s7], $0x1000  }
0x47: {  	[sflag:s7] =	ssyncset.done $0x0  }
0x48: {  	[sflag:s7] =	ssyncadd.s32 $0xFFFFF000  }
0x49: {  	_ =	swait.ge [sflag:s7], $0x1000  }
0x4a: {  	[sflag:s7] =	ssyncset.done $0x0  }
0x4b: {  	[sflag:s7] =	ssyncadd.s32 $0xFFFFF000  }
0x4c: {  	_ =	swait.ge [sflag:s7], $0x1000  }
0x4d: {  	[sflag:s7] =	ssyncset.done $0x0  }
0x4e: {  	[sflag:s7] =	ssyncadd.s32 $0xFFFFF000  }
0x4f: {  	_ =	swait.ge [sflag:s7], $0x1000  }
0x50: {  	[sflag:s7] =	ssyncset.done $0x0  }
0x51: {  	[sflag:s7] =	ssyncadd.s32 $0xFFFFF000  }
0x52: {  	_ =	swait.ge [sflag:s7], $0x1000  }
0x53: {  	[sflag:s7] =	ssyncset.done $0x0  }
0x54: {  	[sflag:s7] =	ssyncadd.s32 $0xFFFFF000  }
0x55: {  	_ =	swait.ge [sflag:s7], $0x1000  }
0x56: {  	[sflag:s7] =	ssyncset.done $0x0  }
0x57: {  	[sflag:s7] =	ssyncadd.s32 $0xFFFFF000  }
0x58: {  	_ =	swait.ge [sflag:s7], $0x1000  }
0x59: {  	[sflag:s7] =	ssyncset.done $0x0  }
0x5a: {  	[sflag:s7] =	ssyncadd.s32 $0xFFFFF000  }
0x5b: {  	_ =	swait.ge [sflag:s7], $0x1000  }
0x5c: {  	[sflag:s7] =	ssyncset.done $0x0  }
0x5d: {  	[sflag:s7] =	ssyncadd.s32 $0xFFFFF000  }
0x5e: {  	_ =	swait.ge [sflag:s7], $0x1000  }
0x5f: {  	[sflag:s7] =	ssyncset.done $0x0  }
0x60: {  	[sflag:s7] =	ssyncadd.s32 $0xFFFFF000  }
0x61: {  	_ =	swait.ge [sflag:s7], $0x1000  }
0x62: {  	[sflag:s7] =	ssyncset.done $0x0  }
0x63: {  	[sflag:s7] =	ssyncadd.s32 $0xFFFFF000  }
0x64: {  	_ =	swait.ge [sflag:s7], $0x1000  }
0x65: {  	[sflag:s7] =	ssyncset.done $0x0  }
0x66: {  	[sflag:s7] =	ssyncadd.s32 $0xFFFFF000  }
0x67: {  	_ =	swait.ge [sflag:s7], $0x1000  }
0x68: {  	[sflag:s7] =	ssyncset.done $0x0  }
0x69: {  	[sflag:s7] =	ssyncadd.s32 $0xFFFFF000  }
0x6a: {  	_ =	swait.ge [sflag:s7], $0x1000  }
0x6b: {  	[sflag:s7] =	ssyncset.done $0x0  }
0x6c: {  	[sflag:s7] =	ssyncadd.s32 $0xFFFFF000  }
0x6d: {  	_ =	swait.ge [sflag:s7], $0x1000  }
0x6e: {  	[sflag:s7] =	ssyncset.done $0x0  }
0x6f: {  	[sflag:s7] =	ssyncadd.s32 $0xFFFFF000  }
0x70: {  	_ =	swait.ge [sflag:s7], $0x1000  }
0x71: {  	[sflag:s7] =	ssyncset.done $0x0  }
0x72: {  	[sflag:s7] =	ssyncadd.s32 $0xFFFFF000  }
0x73: {  	_ =	swait.ge [sflag:s7], $0x1000  }
0x74: {  	[sflag:s7] =	ssyncset.done $0x0  }
0x75: {  	s1 =	rddreg [dreg:$0x4];
	[sflag:s7] =	ssyncadd.s32 $0xFFFFF000  }
0x76: {  	[hbm4b:s1+s2] =	stream.linear.scatter [tilespmem:s4], [sflag:$0x2], $0x10000, $0x38;
	[tilespmem:$0x11000] =	vst v63  }
0x77: {  	_ =	swait.ge [sflag:s3], $0x10000  }
0x78: {  	[sflag:s3] =	ssyncset.done $0x0  }
0x79: {  	s0 =	rddreg [dreg:$0x14];
	[sflag:s3] =	ssyncadd.s32 $0xFFFF0000  }
0x7a: {  	[tilespmem:s4], [sflag:$0x1] =	stream.indirect.gather [hbm4b:s5+s6], $0x20, s0, s6, $0xb8;
	[tilespmem:$0x11000] =	vst v63  }
0x7b: {  	s1 =	rddreg [dreg:$0x15]  }
0x7c: {  	[tilespmem:s8], [sflag:$0x1] =	stream.indirect.gather [hbm4b:s5+s6], $0x20, s1, s6, $0xb8;
	[tilespmem:$0x11000] =	vst v63  }
0x7d: {  	s0 =	rddreg [dreg:$0x16]  }
0x7e: {  	[tilespmem:s9], [sflag:$0x1] =	stream.indirect.gather [hbm4b:s5+s6], $0x20, s0, s6, $0xb8;
	[tilespmem:$0x11000] =	vst v63  }
0x7f: {  	s1 =	rddreg [dreg:$0x17]  }
0x80: {  	[tilespmem:s10], [sflag:$0x1] =	stream.indirect.gather [hbm4b:s5+s6], $0x20, s1, s6, $0xb8;
	[tilespmem:$0x11000] =	vst v63  }
0x81: {  	s0 =	rddreg [dreg:$0x18]  }
0x82: {  	[tilespmem:s11], [sflag:$0x1] =	stream.indirect.gather [hbm4b:s5+s6], $0x20, s0, s6, $0xb8;
	[tilespmem:$0x11000] =	vst v63  }
0x83: {  	s1 =	rddreg [dreg:$0x19]  }
0x84: {  	[tilespmem:s12], [sflag:$0x1] =	stream.indirect.gather [hbm4b:s5+s6], $0x20, s1, s6, $0xb8;
	[tilespmem:$0x11000] =	vst v63  }
0x85: {  	s0 =	rddreg [dreg:$0x1a]  }
0x86: {  	[tilespmem:s13], [sflag:$0x1] =	stream.indirect.gather [hbm4b:s5+s6], $0x20, s0, s6, $0xb8;
	[tilespmem:$0x11000] =	vst v63  }
0x87: {  	s1 =	rddreg [dreg:$0x1b]  }
0x88: {  	[tilespmem:s14], [sflag:$0x1] =	stream.indirect.gather [hbm4b:s5+s6], $0x20, s1, s6, $0xb8;
	[tilespmem:$0x11000] =	vst v63  }
0x89: {  	s1 =	simm.s32 $0xC00  }
0x8a: {  	[tilespmem:s15], [sflag:$0x1] =	stream.indirect.gather [hbm4b:s5+s6], $0x20, s1, s6, $0xb8;
	[tilespmem:$0x11000] =	vst v63  }
0x8b: {  	_ = 	snop  }
0x8c: {  	[tilespmem:s16], [sflag:$0x1] =	stream.indirect.gather [hbm4b:s5+s6], $0x20, s25, s6, $0xb8;
	[tilespmem:$0x11000] =	vst v63  }
0x8d: {  	_ = 	snop  }
0x8e: {  	[tilespmem:s17], [sflag:$0x1] =	stream.indirect.gather [hbm4b:s5+s6], $0x20, s26, s6, $0xb8;
	[tilespmem:$0x11000] =	vst v63  }
0x8f: {  	_ = 	snop  }
0x90: {  	[tilespmem:s18], [sflag:$0x1] =	stream.indirect.gather [hbm4b:s5+s6], $0x20, s28, s6, $0xb8;
	[tilespmem:$0x11000] =	vst v63  }
0x91: {  	_ = 	snop  }
0x92: {  	[tilespmem:s19], [sflag:$0x1] =	stream.indirect.gather [hbm4b:s5+s6], $0x20, s29, s6, $0xb8;
	[tilespmem:$0x11000] =	vst v63  }
0x93: {  	_ = 	snop  }
0x94: {  	[tilespmem:s20], [sflag:$0x1] =	stream.indirect.gather [hbm4b:s5+s6], $0x20, s30, s6, $0xb8;
	[tilespmem:$0x11000] =	vst v63  }
0x95: {  	_ = 	snop  }
0x96: {  	[tilespmem:s21], [sflag:$0x1] =	stream.indirect.gather [hbm4b:s5+s6], $0x20, s31, s6, $0xb8;
	[tilespmem:$0x11000] =	vst v63  }
0x97: {  	_ = 	snop  }
0x98: {  	[tilespmem:s22], [sflag:$0x1] =	stream.indirect.gather [hbm4b:s5+s6], $0x20, s24, s6, $0xb8;
	[tilespmem:$0x11000] =	vst v63  }
0x99: {  	_ =	swait.ge [sflag:s7], $0x1000  }
0x9a: {  	[sflag:s7] =	ssyncset.done $0x0  }
0x9b: {  	[sflag:s7] =	ssyncadd.s32 $0xFFFFF000  }
0x9c: {  	_ =	swait.ge [sflag:s7], $0x1000  }
0x9d: {  	[sflag:s7] =	ssyncset.done $0x0  }
0x9e: {  	[sflag:s7] =	ssyncadd.s32 $0xFFFFF000  }
0x9f: {  	_ =	swait.ge [sflag:s7], $0x1000  }
0xa0: {  	[sflag:s7] =	ssyncset.done $0x0  }
0xa1: {  	[sflag:s7] =	ssyncadd.s32 $0xFFFFF000  }
0xa2: {  	_ =	swait.ge [sflag:s7], $0x1000  }
0xa3: {  	[sflag:s7] =	ssyncset.done $0x0  }
0xa4: {  	[sflag:s7] =	ssyncadd.s32 $0xFFFFF000  }
0xa5: {  	_ =	swait.ge [sflag:s7], $0x1000  }
0xa6: {  	[sflag:s7] =	ssyncset.done $0x0  }
0xa7: {  	[sflag:s7] =	ssyncadd.s32 $0xFFFFF000  }
0xa8: {  	_ =	swait.ge [sflag:s7], $0x1000  }
0xa9: {  	[sflag:s7] =	ssyncset.done $0x0  }
0xaa: {  	[sflag:s7] =	ssyncadd.s32 $0xFFFFF000  }
0xab: {  	_ =	swait.ge [sflag:s7], $0x1000  }
0xac: {  	[sflag:s7] =	ssyncset.done $0x0  }
0xad: {  	[sflag:s7] =	ssyncadd.s32 $0xFFFFF000  }
0xae: {  	_ =	swait.ge [sflag:s7], $0x1000  }
0xaf: {  	[sflag:s7] =	ssyncset.done $0x0  }
0xb0: {  	[sflag:s7] =	ssyncadd.s32 $0xFFFFF000  }
0xb1: {  	_ =	swait.ge [sflag:s7], $0x1000  }
0xb2: {  	[sflag:s7] =	ssyncset.done $0x0  }
0xb3: {  	[sflag:s7] =	ssyncadd.s32 $0xFFFFF000  }
0xb4: {  	_ =	swait.ge [sflag:s7], $0x1000  }
0xb5: {  	[sflag:s7] =	ssyncset.done $0x0  }
0xb6: {  	[sflag:s7] =	ssyncadd.s32 $0xFFFFF000  }
0xb7: {  	_ =	swait.ge [sflag:s7], $0x1000  }
0xb8: {  	[sflag:s7] =	ssyncset.done $0x0  }
0xb9: {  	[sflag:s7] =	ssyncadd.s32 $0xFFFFF000  }
0xba: {  	_ =	swait.ge [sflag:s7], $0x1000  }
0xbb: {  	[sflag:s7] =	ssyncset.done $0x0  }
0xbc: {  	[sflag:s7] =	ssyncadd.s32 $0xFFFFF000  }
0xbd: {  	_ =	swait.ge [sflag:s7], $0x1000  }
0xbe: {  	[sflag:s7] =	ssyncset.done $0x0  }
0xbf: {  	[sflag:s7] =	ssyncadd.s32 $0xFFFFF000  }
0xc0: {  	_ =	swait.ge [sflag:s7], $0x1000  }
0xc1: {  	[sflag:s7] =	ssyncset.done $0x0  }
0xc2: {  	[sflag:s7] =	ssyncadd.s32 $0xFFFFF000  }
0xc3: {  	_ =	swait.ge [sflag:s7], $0x1000  }
0xc4: {  	[sflag:s7] =	ssyncset.done $0x0  }
0xc5: {  	[sflag:s7] =	ssyncadd.s32 $0xFFFFF000  }
0xc6: {  	p1 =	sne.s32 s23, $0x1;
	_ =	swait.ge [sflag:s7], $0x1000  }
.Ltmp1:
0xc7: {  	[sflag:s7] =	ssyncset.done $0x0;
	(pc) =	sbr.rel @!p1 .LBB2_3-.Ltmp1, $4  }
0xc8: {  	s1 =	rddreg [dreg:$0x5];
	[sflag:s7] =	ssyncadd.s32 $0xFFFFF000  }
0xc9: {  	[hbm4b:s1+s2] =	stream.linear.scatter [tilespmem:s4], [sflag:$0x2], $0x10000, $0x38;
	[tilespmem:$0x11000] =	vst v63  }
0xca: {  	p0 =	por $0x1, $0x1;
	_ =	swait.ge [sflag:s3], $0x10000  }
0xcb: {  	s1 =	sadd.s32 $0xFFFFFFFF, s23;
	s0 =	rddreg [dreg:$0x3];
	[sflag:s3] =	ssyncset.done $0x0  }
.LBB2_4:
0xcc: {  	[sflag:s3] =	ssyncadd.s32 $0xFFFF0000  }
0xcd: {  	[tilespmem:s2], [sflag:$0x2] =	stream.linear.gather [hbm4b:s0+s2], $0x1000, $0x38;
	[tilespmem:$0x11000] =	vst v63  }
0xce: {  	_ =	swait.ge [sflag:s3], $0x1000  }
0xcf: {  	[sflag:s3] =	ssyncset.done $0x0  }
0xd0: {  	[sflag:s3] =	ssyncadd.s32 $0xFFFFF000  }
0xd1: {  	[tilespmem:s4], [sflag:$0x1] =	stream.indirect.gather [hbm4b:s5+s6], $0x20, s2, s6, $0xb8;
	[tilespmem:$0x11000] =	vst v63  }
0xd2: {  	_ = 	snop  }
0xd3: {  	[tilespmem:s8], [sflag:$0x1] =	stream.indirect.gather [hbm4b:s5+s6], $0x20, s6, s6, $0xb8;
	[tilespmem:$0x11000] =	vst v63  }
0xd4: {  	s0 =	rddreg [dreg:$0x6]  }
0xd5: {  	[tilespmem:s9], [sflag:$0x1] =	stream.indirect.gather [hbm4b:s5+s6], $0x20, s0, s6, $0xb8;
	[tilespmem:$0x11000] =	vst v63  }
0xd6: {  	s23 =	rddreg [dreg:$0x7]  }
0xd7: {  	[tilespmem:s10], [sflag:$0x1] =	stream.indirect.gather [hbm4b:s5+s6], $0x20, s23, s6, $0xb8;
	[tilespmem:$0x11000] =	vst v63  }
0xd8: {  	s0 =	rddreg [dreg:$0x8]  }
0xd9: {  	[tilespmem:s11], [sflag:$0x1] =	stream.indirect.gather [hbm4b:s5+s6], $0x20, s0, s6, $0xb8;
	[tilespmem:$0x11000] =	vst v63  }
0xda: {  	s23 =	rddreg [dreg:$0x9]  }
0xdb: {  	[tilespmem:s12], [sflag:$0x1] =	stream.indirect.gather [hbm4b:s5+s6], $0x20, s23, s6, $0xb8;
	[tilespmem:$0x11000] =	vst v63  }
0xdc: {  	s0 =	rddreg [dreg:$0xa]  }
0xdd: {  	[tilespmem:s13], [sflag:$0x1] =	stream.indirect.gather [hbm4b:s5+s6], $0x20, s0, s6, $0xb8;
	[tilespmem:$0x11000] =	vst v63  }
0xde: {  	s23 =	rddreg [dreg:$0xb]  }
0xdf: {  	[tilespmem:s14], [sflag:$0x1] =	stream.indirect.gather [hbm4b:s5+s6], $0x20, s23, s6, $0xb8;
	[tilespmem:$0x11000] =	vst v63  }
0xe0: {  	s0 =	rddreg [dreg:$0xc]  }
0xe1: {  	[tilespmem:s15], [sflag:$0x1] =	stream.indirect.gather [hbm4b:s5+s6], $0x20, s0, s6, $0xb8;
	[tilespmem:$0x11000] =	vst v63  }
0xe2: {  	s23 =	rddreg [dreg:$0xd]  }
0xe3: {  	[tilespmem:s16], [sflag:$0x1] =	stream.indirect.gather [hbm4b:s5+s6], $0x20, s23, s6, $0xb8;
	[tilespmem:$0x11000] =	vst v63  }
0xe4: {  	s0 =	rddreg [dreg:$0xe]  }
0xe5: {  	[tilespmem:s17], [sflag:$0x1] =	stream.indirect.gather [hbm4b:s5+s6], $0x20, s0, s6, $0xb8;
	[tilespmem:$0x11000] =	vst v63  }
0xe6: {  	s23 =	rddreg [dreg:$0xf]  }
0xe7: {  	[tilespmem:s18], [sflag:$0x1] =	stream.indirect.gather [hbm4b:s5+s6], $0x20, s23, s6, $0xb8;
	[tilespmem:$0x11000] =	vst v63  }
0xe8: {  	s0 =	rddreg [dreg:$0x10]  }
0xe9: {  	[tilespmem:s19], [sflag:$0x1] =	stream.indirect.gather [hbm4b:s5+s6], $0x20, s0, s6, $0xb8;
	[tilespmem:$0x11000] =	vst v63  }
0xea: {  	s23 =	rddreg [dreg:$0x11]  }
0xeb: {  	[tilespmem:s20], [sflag:$0x1] =	stream.indirect.gather [hbm4b:s5+s6], $0x20, s23, s6, $0xb8;
	[tilespmem:$0x11000] =	vst v63  }
0xec: {  	s0 =	rddreg [dreg:$0x12]  }
0xed: {  	[tilespmem:s21], [sflag:$0x1] =	stream.indirect.gather [hbm4b:s5+s6], $0x20, s0, s6, $0xb8;
	[tilespmem:$0x11000] =	vst v63  }
0xee: {  	s23 =	rddreg [dreg:$0x13]  }
0xef: {  	[tilespmem:s22], [sflag:$0x1] =	stream.indirect.gather [hbm4b:s5+s6], $0x20, s23, s6, $0xb8;
	[tilespmem:$0x11000] =	vst v63  }
0xf0: {  	_ =	swait.ge [sflag:s7], $0x1000  }
0xf1: {  	[sflag:s7] =	ssyncset.done $0x0  }
0xf2: {  	[sflag:s7] =	ssyncadd.s32 $0xFFFFF000  }
0xf3: {  	_ =	swait.ge [sflag:s7], $0x1000  }
0xf4: {  	[sflag:s7] =	ssyncset.done $0x0  }
0xf5: {  	[sflag:s7] =	ssyncadd.s32 $0xFFFFF000  }
0xf6: {  	_ =	swait.ge [sflag:s7], $0x1000  }
0xf7: {  	[sflag:s7] =	ssyncset.done $0x0  }
0xf8: {  	[sflag:s7] =	ssyncadd.s32 $0xFFFFF000  }
0xf9: {  	_ =	swait.ge [sflag:s7], $0x1000  }
0xfa: {  	[sflag:s7] =	ssyncset.done $0x0  }
0xfb: {  	[sflag:s7] =	ssyncadd.s32 $0xFFFFF000  }
0xfc: {  	_ =	swait.ge [sflag:s7], $0x1000  }
0xfd: {  	[sflag:s7] =	ssyncset.done $0x0  }
0xfe: {  	[sflag:s7] =	ssyncadd.s32 $0xFFFFF000  }
0xff: {  	_ =	swait.ge [sflag:s7], $0x1000  }
0x100: {  	[sflag:s7] =	ssyncset.done $0x0  }
0x101: {  	[sflag:s7] =	ssyncadd.s32 $0xFFFFF000  }
0x102: {  	_ =	swait.ge [sflag:s7], $0x1000  }
0x103: {  	[sflag:s7] =	ssyncset.done $0x0  }
0x104: {  	[sflag:s7] =	ssyncadd.s32 $0xFFFFF000  }
0x105: {  	_ =	swait.ge [sflag:s7], $0x1000  }
0x106: {  	[sflag:s7] =	ssyncset.done $0x0  }
0x107: {  	[sflag:s7] =	ssyncadd.s32 $0xFFFFF000  }
0x108: {  	_ =	swait.ge [sflag:s7], $0x1000  }
0x109: {  	[sflag:s7] =	ssyncset.done $0x0  }
0x10a: {  	[sflag:s7] =	ssyncadd.s32 $0xFFFFF000  }
0x10b: {  	_ =	swait.ge [sflag:s7], $0x1000  }
0x10c: {  	[sflag:s7] =	ssyncset.done $0x0  }
0x10d: {  	[sflag:s7] =	ssyncadd.s32 $0xFFFFF000  }
0x10e: {  	_ =	swait.ge [sflag:s7], $0x1000  }
0x10f: {  	[sflag:s7] =	ssyncset.done $0x0  }
0x110: {  	[sflag:s7] =	ssyncadd.s32 $0xFFFFF000  }
0x111: {  	_ =	swait.ge [sflag:s7], $0x1000  }
0x112: {  	[sflag:s7] =	ssyncset.done $0x0  }
0x113: {  	[sflag:s7] =	ssyncadd.s32 $0xFFFFF000  }
0x114: {  	_ =	swait.ge [sflag:s7], $0x1000  }
0x115: {  	[sflag:s7] =	ssyncset.done $0x0  }
0x116: {  	[sflag:s7] =	ssyncadd.s32 $0xFFFFF000  }
0x117: {  	_ =	swait.ge [sflag:s7], $0x1000  }
0x118: {  	[sflag:s7] =	ssyncset.done $0x0  }
0x119: {  	[sflag:s7] =	ssyncadd.s32 $0xFFFFF000  }
0x11a: {  	_ =	swait.ge [sflag:s7], $0x1000  }
0x11b: {  	[sflag:s7] =	ssyncset.done $0x0  }
0x11c: {  	[sflag:s7] =	ssyncadd.s32 $0xFFFFF000  }
0x11d: {  	_ =	swait.ge [sflag:s7], $0x1000  }
0x11e: {  	[sflag:s7] =	ssyncset.done $0x0  }
0x11f: {  	s23 =	rddreg [dreg:$0x4];
	[sflag:s7] =	ssyncadd.s32 $0xFFFFF000  }
0x120: {  	[hbm4b:s23+s2] =	stream.linear.scatter [tilespmem:s4], [sflag:$0x2], $0x10000, $0x38;
	[tilespmem:$0x11000] =	vst v63  }
0x121: {  	_ =	swait.ge [sflag:s3], $0x10000  }
0x122: {  	[sflag:s3] =	ssyncset.done $0x0  }
0x123: {  	s0 =	rddreg [dreg:$0x14];
	[sflag:s3] =	ssyncadd.s32 $0xFFFF0000  }
0x124: {  	[tilespmem:s4], [sflag:$0x1] =	stream.indirect.gather [hbm4b:s5+s6], $0x20, s0, s6, $0xb8;
	[tilespmem:$0x11000] =	vst v63  }
0x125: {  	s23 =	rddreg [dreg:$0x15]  }
0x126: {  	[tilespmem:s8], [sflag:$0x1] =	stream.indirect.gather [hbm4b:s5+s6], $0x20, s23, s6, $0xb8;
	[tilespmem:$0x11000] =	vst v63  }
0x127: {  	s0 =	rddreg [dreg:$0x16]  }
0x128: {  	[tilespmem:s9], [sflag:$0x1] =	stream.indirect.gather [hbm4b:s5+s6], $0x20, s0, s6, $0xb8;
	[tilespmem:$0x11000] =	vst v63  }
0x129: {  	s23 =	rddreg [dreg:$0x17]  }
0x12a: {  	[tilespmem:s10], [sflag:$0x1] =	stream.indirect.gather [hbm4b:s5+s6], $0x20, s23, s6, $0xb8;
	[tilespmem:$0x11000] =	vst v63  }
0x12b: {  	s0 =	rddreg [dreg:$0x18]  }
0x12c: {  	[tilespmem:s11], [sflag:$0x1] =	stream.indirect.gather [hbm4b:s5+s6], $0x20, s0, s6, $0xb8;
	[tilespmem:$0x11000] =	vst v63  }
0x12d: {  	s23 =	rddreg [dreg:$0x19]  }
0x12e: {  	[tilespmem:s12], [sflag:$0x1] =	stream.indirect.gather [hbm4b:s5+s6], $0x20, s23, s6, $0xb8;
	[tilespmem:$0x11000] =	vst v63  }
0x12f: {  	s0 =	rddreg [dreg:$0x1a]  }
0x130: {  	[tilespmem:s13], [sflag:$0x1] =	stream.indirect.gather [hbm4b:s5+s6], $0x20, s0, s6, $0xb8;
	[tilespmem:$0x11000] =	vst v63  }
0x131: {  	s23 =	rddreg [dreg:$0x1b]  }
0x132: {  	[tilespmem:s14], [sflag:$0x1] =	stream.indirect.gather [hbm4b:s5+s6], $0x20, s23, s6, $0xb8;
	[tilespmem:$0x11000] =	vst v63  }
0x133: {  	s23 =	simm.s32 $0xC00  }
0x134: {  	[tilespmem:s15], [sflag:$0x1] =	stream.indirect.gather [hbm4b:s5+s6], $0x20, s23, s6, $0xb8;
	[tilespmem:$0x11000] =	vst v63  }
0x135: {  	_ = 	snop  }
0x136: {  	[tilespmem:s16], [sflag:$0x1] =	stream.indirect.gather [hbm4b:s5+s6], $0x20, s25, s6, $0xb8;
	[tilespmem:$0x11000] =	vst v63  }
0x137: {  	_ = 	snop  }
0x138: {  	[tilespmem:s17], [sflag:$0x1] =	stream.indirect.gather [hbm4b:s5+s6], $0x20, s26, s6, $0xb8;
	[tilespmem:$0x11000] =	vst v63  }
0x139: {  	_ = 	snop  }
0x13a: {  	[tilespmem:s18], [sflag:$0x1] =	stream.indirect.gather [hbm4b:s5+s6], $0x20, s28, s6, $0xb8;
	[tilespmem:$0x11000] =	vst v63  }
0x13b: {  	_ = 	snop  }
0x13c: {  	[tilespmem:s19], [sflag:$0x1] =	stream.indirect.gather [hbm4b:s5+s6], $0x20, s29, s6, $0xb8;
	[tilespmem:$0x11000] =	vst v63  }
0x13d: {  	_ = 	snop  }
0x13e: {  	[tilespmem:s20], [sflag:$0x1] =	stream.indirect.gather [hbm4b:s5+s6], $0x20, s30, s6, $0xb8;
	[tilespmem:$0x11000] =	vst v63  }
0x13f: {  	_ = 	snop  }
0x140: {  	[tilespmem:s21], [sflag:$0x1] =	stream.indirect.gather [hbm4b:s5+s6], $0x20, s31, s6, $0xb8;
	[tilespmem:$0x11000] =	vst v63  }
0x141: {  	_ = 	snop  }
0x142: {  	[tilespmem:s22], [sflag:$0x1] =	stream.indirect.gather [hbm4b:s5+s6], $0x20, s24, s6, $0xb8;
	[tilespmem:$0x11000] =	vst v63  }
0x143: {  	_ =	swait.ge [sflag:s7], $0x1000  }
0x144: {  	[sflag:s7] =	ssyncset.done $0x0  }
0x145: {  	[sflag:s7] =	ssyncadd.s32 $0xFFFFF000  }
0x146: {  	_ =	swait.ge [sflag:s7], $0x1000  }
0x147: {  	[sflag:s7] =	ssyncset.done $0x0  }
0x148: {  	[sflag:s7] =	ssyncadd.s32 $0xFFFFF000  }
0x149: {  	_ =	swait.ge [sflag:s7], $0x1000  }
0x14a: {  	[sflag:s7] =	ssyncset.done $0x0  }
0x14b: {  	[sflag:s7] =	ssyncadd.s32 $0xFFFFF000  }
0x14c: {  	_ =	swait.ge [sflag:s7], $0x1000  }
0x14d: {  	[sflag:s7] =	ssyncset.done $0x0  }
0x14e: {  	[sflag:s7] =	ssyncadd.s32 $0xFFFFF000  }
0x14f: {  	_ =	swait.ge [sflag:s7], $0x1000  }
0x150: {  	[sflag:s7] =	ssyncset.done $0x0  }
0x151: {  	[sflag:s7] =	ssyncadd.s32 $0xFFFFF000  }
0x152: {  	_ =	swait.ge [sflag:s7], $0x1000  }
0x153: {  	[sflag:s7] =	ssyncset.done $0x0  }
0x154: {  	[sflag:s7] =	ssyncadd.s32 $0xFFFFF000  }
0x155: {  	_ =	swait.ge [sflag:s7], $0x1000  }
0x156: {  	[sflag:s7] =	ssyncset.done $0x0  }
0x157: {  	[sflag:s7] =	ssyncadd.s32 $0xFFFFF000  }
0x158: {  	_ =	swait.ge [sflag:s7], $0x1000  }
0x159: {  	[sflag:s7] =	ssyncset.done $0x0  }
0x15a: {  	[sflag:s7] =	ssyncadd.s32 $0xFFFFF000  }
0x15b: {  	_ =	swait.ge [sflag:s7], $0x1000  }
0x15c: {  	[sflag:s7] =	ssyncset.done $0x0  }
0x15d: {  	[sflag:s7] =	ssyncadd.s32 $0xFFFFF000  }
0x15e: {  	_ =	swait.ge [sflag:s7], $0x1000  }
0x15f: {  	[sflag:s7] =	ssyncset.done $0x0  }
0x160: {  	[sflag:s7] =	ssyncadd.s32 $0xFFFFF000  }
0x161: {  	_ =	swait.ge [sflag:s7], $0x1000  }
0x162: {  	[sflag:s7] =	ssyncset.done $0x0  }
0x163: {  	[sflag:s7] =	ssyncadd.s32 $0xFFFFF000  }
0x164: {  	_ =	swait.ge [sflag:s7], $0x1000  }
0x165: {  	[sflag:s7] =	ssyncset.done $0x0  }
0x166: {  	[sflag:s7] =	ssyncadd.s32 $0xFFFFF000  }
0x167: {  	_ =	swait.ge [sflag:s7], $0x1000  }
0x168: {  	[sflag:s7] =	ssyncset.done $0x0  }
0x169: {  	[sflag:s7] =	ssyncadd.s32 $0xFFFFF000  }
0x16a: {  	_ =	swait.ge [sflag:s7], $0x1000  }
0x16b: {  	[sflag:s7] =	ssyncset.done $0x0  }
0x16c: {  	[sflag:s7] =	ssyncadd.s32 $0xFFFFF000  }
0x16d: {  	_ =	swait.ge [sflag:s7], $0x1000  }
0x16e: {  	[sflag:s7] =	ssyncset.done $0x0  }
0x16f: {  	[sflag:s7] =	ssyncadd.s32 $0xFFFFF000  }
0x170: {  	p1 =	sne.s32 s1, $0x1;
	_ =	swait.ge [sflag:s7], $0x1000  }
.Ltmp2:
0x171: {  	[sflag:s7] =	ssyncset.done $0x0;
	(pc) =	sbr.rel @p1 .LBB2_4-.Ltmp2, $4  }
0x172: {  	s23 =	rddreg [dreg:$0x5];
	[sflag:s7] =	ssyncadd.s32 $0xFFFFF000  }
0x173: {  	[hbm4b:s23+s2] =	stream.linear.scatter [tilespmem:s4], [sflag:$0x2], $0x10000, $0x38;
	[tilespmem:$0x11000] =	vst v63  }
0x174: {  	_ =	swait.ge [sflag:s3], $0x10000  }
0x175: {  	s1 =	sadd.s32 $0xFFFFFFFF, s1;
	s0 =	rddreg [dreg:$0x3];
	[sflag:s3] =	ssyncset.done $0x0  }
0x176: {  	s23 =	simm.s32 $0xF80;
	s31 =	simm.s32 $0xF00  }
0x177: {  	s30 =	simm.s32 $0xE80;
	s29 =	simm.s32 $0xE00;
	s28 =	simm.s32 $0xD80  }
0x178: {  	s26 =	simm.s32 $0xD00;
	s25 =	simm.s32 $0xC80;
	s24 =	simm.s32 $0xC00  }
.LBB2_6:
0x179: {  	[sflag:s3] =	ssyncadd.s32 @p0 $0xFFFF0000  }
0x17a: {  	[tilespmem:s2], [sflag:$0x2] =	stream.linear.gather [hbm4b:s0+s2], $0x1000, $0x38;
	[tilespmem:$0x11000] =	vst v63  }
0x17b: {  	_ =	swait.ge [sflag:s3], $0x1000  }
0x17c: {  	[sflag:s3] =	ssyncset.done $0x0  }
0x17d: {  	[sflag:s3] =	ssyncadd.s32 $0xFFFFF000  }
0x17e: {  	[tilespmem:s4], [sflag:$0x1] =	stream.indirect.gather [hbm4b:s5+s6], $0x20, s2, s6, $0xb8;
	[tilespmem:$0x11000] =	vst v63  }
0x17f: {  	_ = 	snop  }
0x180: {  	[tilespmem:s8], [sflag:$0x1] =	stream.indirect.gather [hbm4b:s5+s6], $0x20, s6, s6, $0xb8;
	[tilespmem:$0x11000] =	vst v63  }
0x181: {  	s0 =	rddreg [dreg:$0x6]  }
0x182: {  	[tilespmem:s9], [sflag:$0x1] =	stream.indirect.gather [hbm4b:s5+s6], $0x20, s0, s6, $0xb8;
	[tilespmem:$0x11000] =	vst v63  }
0x183: {  	s1 =	rddreg [dreg:$0x7]  }
0x184: {  	[tilespmem:s10], [sflag:$0x1] =	stream.indirect.gather [hbm4b:s5+s6], $0x20, s1, s6, $0xb8;
	[tilespmem:$0x11000] =	vst v63  }
0x185: {  	s0 =	rddreg [dreg:$0x8]  }
0x186: {  	[tilespmem:s11], [sflag:$0x1] =	stream.indirect.gather [hbm4b:s5+s6], $0x20, s0, s6, $0xb8;
	[tilespmem:$0x11000] =	vst v63  }
0x187: {  	s1 =	rddreg [dreg:$0x9]  }
0x188: {  	[tilespmem:s12], [sflag:$0x1] =	stream.indirect.gather [hbm4b:s5+s6], $0x20, s1, s6, $0xb8;
	[tilespmem:$0x11000] =	vst v63  }
0x189: {  	s0 =	rddreg [dreg:$0xa]  }
0x18a: {  	[tilespmem:s13], [sflag:$0x1] =	stream.indirect.gather [hbm4b:s5+s6], $0x20, s0, s6, $0xb8;
	[tilespmem:$0x11000] =	vst v63  }
0x18b: {  	s1 =	rddreg [dreg:$0xb]  }
0x18c: {  	[tilespmem:s14], [sflag:$0x1] =	stream.indirect.gather [hbm4b:s5+s6], $0x20, s1, s6, $0xb8;
	[tilespmem:$0x11000] =	vst v63  }
0x18d: {  	s0 =	rddreg [dreg:$0xc]  }
0x18e: {  	[tilespmem:s15], [sflag:$0x1] =	stream.indirect.gather [hbm4b:s5+s6], $0x20, s0, s6, $0xb8;
	[tilespmem:$0x11000] =	vst v63  }
0x18f: {  	s1 =	rddreg [dreg:$0xd]  }
0x190: {  	[tilespmem:s16], [sflag:$0x1] =	stream.indirect.gather [hbm4b:s5+s6], $0x20, s1, s6, $0xb8;
	[tilespmem:$0x11000] =	vst v63  }
0x191: {  	s0 =	rddreg [dreg:$0xe]  }
0x192: {  	[tilespmem:s17], [sflag:$0x1] =	stream.indirect.gather [hbm4b:s5+s6], $0x20, s0, s6, $0xb8;
	[tilespmem:$0x11000] =	vst v63  }
0x193: {  	s1 =	rddreg [dreg:$0xf]  }
0x194: {  	[tilespmem:s18], [sflag:$0x1] =	stream.indirect.gather [hbm4b:s5+s6], $0x20, s1, s6, $0xb8;
	[tilespmem:$0x11000] =	vst v63  }
0x195: {  	s0 =	rddreg [dreg:$0x10]  }
0x196: {  	[tilespmem:s19], [sflag:$0x1] =	stream.indirect.gather [hbm4b:s5+s6], $0x20, s0, s6, $0xb8;
	[tilespmem:$0x11000] =	vst v63  }
0x197: {  	s1 =	rddreg [dreg:$0x11]  }
0x198: {  	[tilespmem:s20], [sflag:$0x1] =	stream.indirect.gather [hbm4b:s5+s6], $0x20, s1, s6, $0xb8;
	[tilespmem:$0x11000] =	vst v63  }
0x199: {  	s0 =	rddreg [dreg:$0x12]  }
0x19a: {  	[tilespmem:s21], [sflag:$0x1] =	stream.indirect.gather [hbm4b:s5+s6], $0x20, s0, s6, $0xb8;
	[tilespmem:$0x11000] =	vst v63  }
0x19b: {  	s1 =	rddreg [dreg:$0x13]  }
0x19c: {  	[tilespmem:s22], [sflag:$0x1] =	stream.indirect.gather [hbm4b:s5+s6], $0x20, s1, s6, $0xb8;
	[tilespmem:$0x11000] =	vst v63  }
0x19d: {  	_ =	swait.ge [sflag:s7], $0x1000  }
0x19e: {  	[sflag:s7] =	ssyncset.done $0x0  }
0x19f: {  	[sflag:s7] =	ssyncadd.s32 $0xFFFFF000  }
0x1a0: {  	_ =	swait.ge [sflag:s7], $0x1000  }
0x1a1: {  	[sflag:s7] =	ssyncset.done $0x0  }
0x1a2: {  	[sflag:s7] =	ssyncadd.s32 $0xFFFFF000  }
0x1a3: {  	_ =	swait.ge [sflag:s7], $0x1000  }
0x1a4: {  	[sflag:s7] =	ssyncset.done $0x0  }
0x1a5: {  	[sflag:s7] =	ssyncadd.s32 $0xFFFFF000  }
0x1a6: {  	_ =	swait.ge [sflag:s7], $0x1000  }
0x1a7: {  	[sflag:s7] =	ssyncset.done $0x0  }
0x1a8: {  	[sflag:s7] =	ssyncadd.s32 $0xFFFFF000  }
0x1a9: {  	_ =	swait.ge [sflag:s7], $0x1000  }
0x1aa: {  	[sflag:s7] =	ssyncset.done $0x0  }
0x1ab: {  	[sflag:s7] =	ssyncadd.s32 $0xFFFFF000  }
0x1ac: {  	_ =	swait.ge [sflag:s7], $0x1000  }
0x1ad: {  	[sflag:s7] =	ssyncset.done $0x0  }
0x1ae: {  	[sflag:s7] =	ssyncadd.s32 $0xFFFFF000  }
0x1af: {  	_ =	swait.ge [sflag:s7], $0x1000  }
0x1b0: {  	[sflag:s7] =	ssyncset.done $0x0  }
0x1b1: {  	[sflag:s7] =	ssyncadd.s32 $0xFFFFF000  }
0x1b2: {  	_ =	swait.ge [sflag:s7], $0x1000  }
0x1b3: {  	[sflag:s7] =	ssyncset.done $0x0  }
0x1b4: {  	[sflag:s7] =	ssyncadd.s32 $0xFFFFF000  }
0x1b5: {  	_ =	swait.ge [sflag:s7], $0x1000  }
0x1b6: {  	[sflag:s7] =	ssyncset.done $0x0  }
0x1b7: {  	[sflag:s7] =	ssyncadd.s32 $0xFFFFF000  }
0x1b8: {  	_ =	swait.ge [sflag:s7], $0x1000  }
0x1b9: {  	[sflag:s7] =	ssyncset.done $0x0  }
0x1ba: {  	[sflag:s7] =	ssyncadd.s32 $0xFFFFF000  }
0x1bb: {  	_ =	swait.ge [sflag:s7], $0x1000  }
0x1bc: {  	[sflag:s7] =	ssyncset.done $0x0  }
0x1bd: {  	[sflag:s7] =	ssyncadd.s32 $0xFFFFF000  }
0x1be: {  	_ =	swait.ge [sflag:s7], $0x1000  }
0x1bf: {  	[sflag:s7] =	ssyncset.done $0x0  }
0x1c0: {  	[sflag:s7] =	ssyncadd.s32 $0xFFFFF000  }
0x1c1: {  	_ =	swait.ge [sflag:s7], $0x1000  }
0x1c2: {  	[sflag:s7] =	ssyncset.done $0x0  }
0x1c3: {  	[sflag:s7] =	ssyncadd.s32 $0xFFFFF000  }
0x1c4: {  	_ =	swait.ge [sflag:s7], $0x1000  }
0x1c5: {  	[sflag:s7] =	ssyncset.done $0x0  }
0x1c6: {  	[sflag:s7] =	ssyncadd.s32 $0xFFFFF000  }
0x1c7: {  	_ =	swait.ge [sflag:s7], $0x1000  }
0x1c8: {  	[sflag:s7] =	ssyncset.done $0x0  }
0x1c9: {  	[sflag:s7] =	ssyncadd.s32 $0xFFFFF000  }
0x1ca: {  	_ =	swait.ge [sflag:s7], $0x1000  }
0x1cb: {  	[sflag:s7] =	ssyncset.done $0x0  }
0x1cc: {  	s1 =	rddreg [dreg:$0x4];
	[sflag:s7] =	ssyncadd.s32 $0xFFFFF000  }
0x1cd: {  	[hbm4b:s1+s2] =	stream.linear.scatter [tilespmem:s4], [sflag:$0x2], $0x10000, $0x38;
	[tilespmem:$0x11000] =	vst v63  }
0x1ce: {  	_ =	swait.ge [sflag:s3], $0x10000  }
0x1cf: {  	[sflag:s3] =	ssyncset.done $0x0  }
0x1d0: {  	s0 =	rddreg [dreg:$0x14];
	[sflag:s3] =	ssyncadd.s32 $0xFFFF0000  }
0x1d1: {  	[tilespmem:s4], [sflag:$0x1] =	stream.indirect.gather [hbm4b:s5+s6], $0x20, s0, s6, $0xb8;
	[tilespmem:$0x11000] =	vst v63  }
0x1d2: {  	s1 =	rddreg [dreg:$0x15]  }
0x1d3: {  	[tilespmem:s8], [sflag:$0x1] =	stream.indirect.gather [hbm4b:s5+s6], $0x20, s1, s6, $0xb8;
	[tilespmem:$0x11000] =	vst v63  }
0x1d4: {  	s0 =	rddreg [dreg:$0x16]  }
0x1d5: {  	[tilespmem:s9], [sflag:$0x1] =	stream.indirect.gather [hbm4b:s5+s6], $0x20, s0, s6, $0xb8;
	[tilespmem:$0x11000] =	vst v63  }
0x1d6: {  	s8 =	rddreg [dreg:$0x17]  }
0x1d7: {  	[tilespmem:s10], [sflag:$0x1] =	stream.indirect.gather [hbm4b:s5+s6], $0x20, s8, s6, $0xb8;
	[tilespmem:$0x11000] =	vst v63  }
0x1d8: {  	s9 =	rddreg [dreg:$0x18]  }
0x1d9: {  	[tilespmem:s11], [sflag:$0x1] =	stream.indirect.gather [hbm4b:s5+s6], $0x20, s9, s6, $0xb8;
	[tilespmem:$0x11000] =	vst v63  }
0x1da: {  	s10 =	rddreg [dreg:$0x19]  }
0x1db: {  	[tilespmem:s12], [sflag:$0x1] =	stream.indirect.gather [hbm4b:s5+s6], $0x20, s10, s6, $0xb8;
	[tilespmem:$0x11000] =	vst v63  }
0x1dc: {  	s11 =	rddreg [dreg:$0x1a]  }
0x1dd: {  	[tilespmem:s13], [sflag:$0x1] =	stream.indirect.gather [hbm4b:s5+s6], $0x20, s11, s6, $0xb8;
	[tilespmem:$0x11000] =	vst v63  }
0x1de: {  	s12 =	rddreg [dreg:$0x1b]  }
0x1df: {  	[tilespmem:s14], [sflag:$0x1] =	stream.indirect.gather [hbm4b:s5+s6], $0x20, s12, s6, $0xb8;
	[tilespmem:$0x11000] =	vst v63  }
0x1e0: {  	_ = 	snop  }
0x1e1: {  	[tilespmem:s15], [sflag:$0x1] =	stream.indirect.gather [hbm4b:s5+s6], $0x20, s24, s6, $0xb8;
	[tilespmem:$0x11000] =	vst v63  }
0x1e2: {  	_ = 	snop  }
0x1e3: {  	[tilespmem:s16], [sflag:$0x1] =	stream.indirect.gather [hbm4b:s5+s6], $0x20, s25, s6, $0xb8;
	[tilespmem:$0x11000] =	vst v63  }
0x1e4: {  	_ = 	snop  }
0x1e5: {  	[tilespmem:s17], [sflag:$0x1] =	stream.indirect.gather [hbm4b:s5+s6], $0x20, s26, s6, $0xb8;
	[tilespmem:$0x11000] =	vst v63  }
0x1e6: {  	_ = 	snop  }
0x1e7: {  	[tilespmem:s18], [sflag:$0x1] =	stream.indirect.gather [hbm4b:s5+s6], $0x20, s28, s6, $0xb8;
	[tilespmem:$0x11000] =	vst v63  }
0x1e8: {  	_ = 	snop  }
0x1e9: {  	[tilespmem:s19], [sflag:$0x1] =	stream.indirect.gather [hbm4b:s5+s6], $0x20, s29, s6, $0xb8;
	[tilespmem:$0x11000] =	vst v63  }
0x1ea: {  	_ = 	snop  }
0x1eb: {  	[tilespmem:s20], [sflag:$0x1] =	stream.indirect.gather [hbm4b:s5+s6], $0x20, s30, s6, $0xb8;
	[tilespmem:$0x11000] =	vst v63  }
0x1ec: {  	_ = 	snop  }
0x1ed: {  	[tilespmem:s21], [sflag:$0x1] =	stream.indirect.gather [hbm4b:s5+s6], $0x20, s31, s6, $0xb8;
	[tilespmem:$0x11000] =	vst v63  }
0x1ee: {  	_ = 	snop  }
0x1ef: {  	[tilespmem:s22], [sflag:$0x1] =	stream.indirect.gather [hbm4b:s5+s6], $0x20, s23, s6, $0xb8;
	[tilespmem:$0x11000] =	vst v63  }
0x1f0: {  	_ =	swait.ge [sflag:s7], $0x1000  }
0x1f1: {  	[sflag:s7] =	ssyncset.done $0x0  }
0x1f2: {  	[sflag:s7] =	ssyncadd.s32 $0xFFFFF000  }
0x1f3: {  	_ =	swait.ge [sflag:s7], $0x1000  }
0x1f4: {  	[sflag:s7] =	ssyncset.done $0x0  }
0x1f5: {  	[sflag:s7] =	ssyncadd.s32 $0xFFFFF000  }
0x1f6: {  	_ =	swait.ge [sflag:s7], $0x1000  }
0x1f7: {  	[sflag:s7] =	ssyncset.done $0x0  }
0x1f8: {  	[sflag:s7] =	ssyncadd.s32 $0xFFFFF000  }
0x1f9: {  	_ =	swait.ge [sflag:s7], $0x1000  }
0x1fa: {  	[sflag:s7] =	ssyncset.done $0x0  }
0x1fb: {  	[sflag:s7] =	ssyncadd.s32 $0xFFFFF000  }
0x1fc: {  	_ =	swait.ge [sflag:s7], $0x1000  }
0x1fd: {  	[sflag:s7] =	ssyncset.done $0x0  }
0x1fe: {  	[sflag:s7] =	ssyncadd.s32 $0xFFFFF000  }
0x1ff: {  	_ =	swait.ge [sflag:s7], $0x1000  }
0x200: {  	[sflag:s7] =	ssyncset.done $0x0  }
0x201: {  	[sflag:s7] =	ssyncadd.s32 $0xFFFFF000  }
0x202: {  	_ =	swait.ge [sflag:s7], $0x1000  }
0x203: {  	[sflag:s7] =	ssyncset.done $0x0  }
0x204: {  	[sflag:s7] =	ssyncadd.s32 $0xFFFFF000  }
0x205: {  	_ =	swait.ge [sflag:s7], $0x1000  }
0x206: {  	[sflag:s7] =	ssyncset.done $0x0  }
0x207: {  	[sflag:s7] =	ssyncadd.s32 $0xFFFFF000  }
0x208: {  	_ =	swait.ge [sflag:s7], $0x1000  }
0x209: {  	[sflag:s7] =	ssyncset.done $0x0  }
0x20a: {  	[sflag:s7] =	ssyncadd.s32 $0xFFFFF000  }
0x20b: {  	_ =	swait.ge [sflag:s7], $0x1000  }
0x20c: {  	[sflag:s7] =	ssyncset.done $0x0  }
0x20d: {  	[sflag:s7] =	ssyncadd.s32 $0xFFFFF000  }
0x20e: {  	_ =	swait.ge [sflag:s7], $0x1000  }
0x20f: {  	[sflag:s7] =	ssyncset.done $0x0  }
0x210: {  	[sflag:s7] =	ssyncadd.s32 $0xFFFFF000  }
0x211: {  	_ =	swait.ge [sflag:s7], $0x1000  }
0x212: {  	[sflag:s7] =	ssyncset.done $0x0  }
0x213: {  	[sflag:s7] =	ssyncadd.s32 $0xFFFFF000  }
0x214: {  	_ =	swait.ge [sflag:s7], $0x1000  }
0x215: {  	[sflag:s7] =	ssyncset.done $0x0  }
0x216: {  	[sflag:s7] =	ssyncadd.s32 $0xFFFFF000  }
0x217: {  	_ =	swait.ge [sflag:s7], $0x1000  }
0x218: {  	[sflag:s7] =	ssyncset.done $0x0  }
0x219: {  	[sflag:s7] =	ssyncadd.s32 $0xFFFFF000  }
0x21a: {  	_ =	swait.ge [sflag:s7], $0x1000  }
0x21b: {  	[sflag:s7] =	ssyncset.done $0x0  }
0x21c: {  	[sflag:s7] =	ssyncadd.s32 $0xFFFFF000  }
0x21d: {  	_ =	swait.ge [sflag:s7], $0x1000  }
0x21e: {  	[sflag:s7] =	ssyncset.done $0x0  }
0x21f: {  	s30 =	rddreg [dreg:$0x5];
	[sflag:s7] =	ssyncadd.s32 $0xFFFFF000  }
0x220: {  	[hbm4b:s30+s2] =	stream.linear.scatter [tilespmem:s4], [sflag:$0x2], $0x10000, $0x38;
	[tilespmem:$0x11000] =	vst v63  }
0x221: {  	_ =	swait.ge [sflag:s3], $0x10000  }
0x222: {  	[sflag:s3] =	ssyncset.done $0x0  }
0x223: {  	[sflag:s3] =	ssyncadd.s32 $0xFFFF0000  }
0x224: {  	_ =	sfence.sel $0x180000  }
0x225: {  	[bflag:$0x0] =	sbarrier.arrive $0xFFFF  }
0x226: {  	_ =	strace $0x9000004A  }
0x227: {  	s31 =	stileid.u32;
	[bflag:$0x2] =	sbarrier.arrive $0xFFFF  }
0x228: {  	p0 =	sne.s32 s31, $0x0;
	s0 =	rddreg [dreg:$0x2]  }
0x229: {  	s0 =	sadd.s32 @!p0 $0x100000, s0  }
0x22a: {  	[sflag:s0] =	ssyncadd.tile.s32 @!p0 $0x1;
	_ =	shalt  }
.LBB2_1:
.Ltmp3:
0x22b: {  	(pc) =	sbr.rel .LBB2_6-.Ltmp3, $4  }
0x22c: {  	_ = 	snop  }
0x22d: {  	s23 =	simm.s32 $0xF80;
	s31 =	simm.s32 $0xF00  }
0x22e: {  	s30 =	simm.s32 $0xE80;
	s29 =	simm.s32 $0xE00;
	s28 =	simm.s32 $0xD80  }
0x22f: {  	s26 =	simm.s32 $0xD00;
	s25 =	simm.s32 $0xC80;
	s24 =	simm.s32 $0xC00  }
.LBB2_3:
.Ltmp4:
0x230: {  	(pc) =	sbr.rel .LBB2_6-.Ltmp4, $4  }
0x231: {  	_ = 	snop  }
0x232: {  	s23 =	simm.s32 $0xF80;
	s31 =	simm.s32 $0xF00  }
0x233: {  	s30 =	simm.s32 $0xE80;
	s29 =	simm.s32 $0xE00;
	s28 =	simm.s32 $0xD80  }
0x234: {  	s26 =	simm.s32 $0xD00;
	s25 =	simm.s32 $0xC80;
	s24 =	simm.s32 $0xC00  }
.Lfunc_end2:
_tile_overlayer_lowered:
.L_overlay_start_2:
0x235: {  	(tag) =	ssettag $0x2  }
0x236: {  	s0 =	rddreg [dreg:$0x0];
	s2 =	stileid.u32  }
0x237: {  	s1 =	rddreg [dreg:$0x1];
	p0 =	sne.s32 s2, $0x0  }
0x238: {  	s3 =	rddreg [dreg:$0x2];
	[bflag:$0x3] =	sbarrier.arrive $0xFFFF;
	s2 =	simm.s32 @!p0 $0x1C02  }
0x239: {  	[timem:s3], [sflag:s2] =	dma.local @!p0 [hbm:s0], s1  }
0x23a: {  	s0 =	simm.s32 @!p0 $0x2  }
0x23b: {  	_ =	swait.ge @!p0 [sflag:s0], s1  }
0x23c: {  	s1 =	ssub.s32 @!p0 $0x0, s1;
	[sflag:s0] =	ssyncset.done @!p0 $0x0  }
0x23d: {  	[sflag:s0] =	ssyncadd.s32 @!p0 s1  }
0x23e: {  	[bflag:$0x3] =	sbarrier.arrive $0xFFFF  }
0x23f: {  	_ =	shalt  }

// kernel: sparse-core-data-format-call.cloned.1.call-start
scs
called_computation_lowered:
.L_overlay_start_0:
0x0: {  	s2 =	sld [smem:$0x3FD9]  }
0x1: {  	s3 =	sld [smem:$0x3FFE];
	_ =	sdelay $0x1  }
0x2: {  	s1 =	srdreg.scid  }
0x3: {  	s0 =	sand.u32 $0x1, s1  }
0x4: {  	s19 =	sshll.u32 s0, $0xA;
	s2 =	sadd.s32 s3, s2  }
0x5: {  	s2 =	sadd.s32 s2, s19  }
0x6: {  	[smem:$0x3FC7] =	sst s2  }
0x7: {  	_ = 	snop  }
0x8: {  	s2 =	sld [smem:$0x3FC9]  }
0x9: {  	s20 =	sld [smem:$0x3FD0];
	(tm) =	ssettm $0x1  }
0xa: {  	s4 =	sld [smem:$0x3FFB];
	_ =	sdelay $0x3  }
0xb: {  	_ =	strace s4  }
0xc: {  	s4 =	sld [smem:$0x3FFC];
	_ =	sdelay $0x3  }
0xd: {  	_ =	strace s4  }
0xe: {  	s4 =	sld [smem:$0x3FFD];
	_ =	sdelay $0x3  }
0xf: {  	_ =	strace s4  }
0x10: {  	_ =	strace $0x8FFFFFFF  }
0x11: {  	s21 =	sld [smem:$0x3FDB];
	_ =	sdelay $0x1  }
0x12: {  	s5 =	simm.s32 $_scs_section_size  }
0x13: {  	s6 =	simm.s32 $_size__tile_overlayer_lowered;
	s7 =	simm.s32 $_tile_overlayer_lowered  }
0x14: {  	s24 =	simm.s32 $0x1BFF;
	s23 =	sshll.u32 s7, $0x1;
	s4 =	sadd.s32 s5, s21  }
0x15: {  	s8 =	simm.s32 $0x0;
	s22 =	sshll.u32 s6, $0x1;
	s6 =	sadd.s32 s23, s4  }
0x16: {  	[timem:s8], [sflag:s24] =	dma.local [hbm:s6], s22  }
0x17: {  	_ =	swait.ge [sflag:s24], s22  }
0x18: {  	s5 =	ssub.s32 $0x0, s22;
	[sflag:s24] =	ssyncset.done $0x0  }
0x19: {  	[sflag:s24] =	ssyncadd.s32 s5;
	_ =	sdelay $0x1  }
0x1a: {  	s25 =	simm.s32 $0x1B8B  }
0x1b: {  	_ =	swait.ge [sflag:s25], $0x1  }
0x1c: {  	[sflag:s25] =	ssyncset.done $0x0  }
0x1d: {  	s26 =	simm.s32 $0x1B8E;
	[sflag:s25] =	ssyncadd.s32 $0xFFFFFFFF  }
0x1e: {  	s27 =	simm.s32 $execute0_lowered;
	[smem:$0x3FD2] =	sst s26  }
0x1f: {  	s5 =	sshll.u32 s27, $0x1;
	_ =	strace $0x80000046;
	[dreg:$0x1] =	wrdreg $0xFFFFFFFF  }
0x20: {  	s28 =	simm.s32 $_size_execute0_lowered;
	s4 =	sadd.s32 s4, s5;
	[dreg:$0x0] =	wrdreg $0x0  }
0x21: {  	s5 =	sshll.u32 s28, $0x1;
	[dreg:$0x2] =	wrdreg s4  }
0x22: {  	[dreg:$0x3] =	wrdreg s5  }
0x23: {  	[dreg:$0x4] =	wrdreg $0xC0  }
0x24: {  	_ =	task [dreg:s8], $0x5FFFF  }
0x25: {  	[dreg:$0x1] =	wrdreg $0xFFFFFFFF  }
0x26: {  	[dreg:$0x0] =	wrdreg $0x60  }
0x27: {  	[dreg:$0x2] =	wrdreg s2  }
0x28: {  	[dreg:$0x3] =	wrdreg s20  }
0x29: {  	[dreg:$0x4] =	wrdreg $0x9  }
0x2a: {  	_ =	task.clear_ibuf [dreg:s8], $0x5FFFF;
	_ =	strace $0x90000046  }
0x2b: {  	s29 =	simm.s32 $0x9;
	_ =	strace $0x80000048  }
0x2c: {  	_ =	swait.ge [sflag:s29], $0x1  }
0x2d: {  	[sflag:s29] =	ssyncadd.s32 $0xFFFFFFFF  }
0x2e: {  	_ =	strace $0x90000048  }
0x2f: {  	_ =	sfence  }
0x30: {  	s30 =	sld [smem:$0x0];
	_ =	sdelay $0x2  }
0x31: {  	s31 =	sshll.u32 s1, $0xD;
	s1 =	sshrl.u32 s1, $0x2  }
0x32: {  	s3 =	sand.u32 $0x4000, s31;
	s1 =	sadd.s32 s1, s30  }
0x33: {  	s0 =	sor.u32 s3, s0;
	s1 =	sshll.u32 s1, $0x11  }
0x34: {  	s0 =	sor.u32 s1, s0  }
0x35: {  	s0 =	sadd.s32 $0x8F2B, s0  }
0x36: {  	[sflag:s0] =	ssyncadd.remote.s32 $0x1  }
0x37: {  	_ =	sfence.sel $0xFFFF  }
0x38: {  	[dreg:$0x0] =	wrdreg $0xFFFFFFFF;
	(pc) =	sbr.abs _section_cstart, $3  }
0x39: {  	[dreg:$0x1] =	wrdreg $0xFFFFFFFF  }
0x3a: {  	_ =	task.clear_ibuf [dreg:s8], $0x2FFFF;
	_ =	strace $0x9FFFFFFF  }
0x3b: {  	(tm) =	ssettm $0x7FFFFFFF  }
tec
execute0_lowered:
.L_overlay_start_1:
0x0: {  	(tag) =	ssettag $0x1  }
0x1: {  	s2 =	rddreg [dreg:$0x0]  }
0x2: {  	s3 =	rddreg [dreg:$0x1]  }
0x3: {  	s0 =	rddreg [dreg:$0x2];
	_ =	strace $0x80000047  }
0x4: {  	s4 =	srdreg.scid;
	s1 =	stileid.u32;
	s6 =	simm.s32 $0x2  }
.Ltmp0:
0x5: {  	s11 =	simm.s32 $0x0;
	p0 =	por $0x0, $0x0;
	(pc) =	sbr.rel .LBB1_1-.Ltmp0, $4  }
0x6: {  	s7 =	simm.s32 $0x1000;
	s12 =	simm.s32 $0x0;
	s5 =	sshll.u32 s4, $0x4  }
0x7: {  	s9 =	simm.s32 $0x0;
	s4 =	simm.s32 $0x1;
	s5 =	sand.u32 $0x10, s5  }
0x8: {  	s8 =	simm.s32 $0x0;
	[sflag:s4] =	ssyncpa.u1 $0x0;
	s5 =	sor.u32 s1, s5  }
0x9: {  	[sflag:s6] =	ssyncpa.u1 $0x0;
	s6 =	simm.s32 $0x800;
	s10 =	smov.u32 s5  }
.LBB1_7:
0xa: {  	s13 =	sadd.s32 $0x10, s9  }
0xb: {  	s11 =	sadd.s32 $0x20, s10;
	s15 =	smov.u32 s10;
	p2 =	sgt.s32 s13, $0x1F  }
0xc: {  	p1 =	slt.u32 s8, $0x2;
	s15 =	smov.u32 @p2 s11  }
0xd: {  	s8 =	sadd.s32 $0x1, s8;
	s13 =	simm.s32 @p2 $0x0;
	p2 =	sgt.s32 s15, $0x1FF  }
0xe: {  	s15 =	smov.u32 @p2 s5;
	p2 =	sne.s32 s8, $0x22  }
.Ltmp1:
0xf: {  	_ = 	snop;
	(pc) =	sbr.rel @!p2 .LBB1_8-.Ltmp1, $4  }
0x10: {  	s14 =	simm.s32 @!p1 $0x2  }
0x11: {  	s12 =	smov.u32 s10;
	_ =	swait.ge @!p1 [sflag:s14], $0x4000  }
0x12: {  	p0 =	por !p0, !p0;
	s11 =	smov.u32 s9;
	[sflag:s14] =	ssyncset.done @!p1 $0x0  }
0x13: {  	s9 =	smov.u32 s13;
	[sflag:s14] =	ssyncadd.s32 @!p1 $0xFFFFC000;
	s10 =	smov.u32 s15  }
.LBB1_1:
0x14: {  	p1 =	sgt.u32 s8, $0x1F  }
0x15: {  	s13 =	sxor.u32 @!p1 $0xFFFFFFFF, s8;
	s14 =	sshll.u32 @!p1 s10, $0xC  }
0x16: {  	s15 =	sshll.u32 @!p1 s9, $0x7;
	s13 =	sshll.u32 @!p1 s13, $0xE;
	s14 =	sadd.s32 @!p1 s2, s14  }
0x17: {  	s13 =	sand.u32 @!p1 $0x4000, s13;
	s14 =	sadd.s32 @!p1 s15, s14;
	s15 =	simm.s32 @!p1 $0x0  }
0x18: {  	[tilespmem:s13], [sflag:$0x1] =	stream.linear.gather @!p1 [hbm4b:s14+s15], $0x4000, $0x38;
	[tilespmem:$0x10000] =	vst v63  }
0x19: {  	p1 =	seq.s32 s8, $0x0  }
0x1a: {  	p2 =	seq.s32 @!p1 s8, $0x21  }
0x1b: {  	p1 =	por p1, p2  }
.Ltmp2:
0x1c: {  	_ = 	snop;
	(pc) =	sbr.rel @p1 .LBB1_7-.Ltmp2, $1  }
0x1d: {  	_ =	sdelay $0x3  }
0x1e: {  	s13 =	simm.s32 $0x1;
	_ =	swait.ge [sflag:s4], $0x4000;
	s16 =	sshll.u32 s8, $0xE  }
0x1f: {  	s13 =	simm.s32 @!p0 $0x0;
	[sflag:s4] =	ssyncset.done $0x0;
	s31 =	sand.u32 $0x4000, s16  }
0x20: {  	s16 =	simm.s32 $0x0;
	s14 =	sshll.u32 s13, $0xE;
	[sflag:s4] =	ssyncadd.s32 $0xFFFFC000  }
0x21: {  	s13 =	sor.u32 $0x8040, s14;
	s15 =	sor.u32 $0x40, s14;
	s14 =	sor.u32 $0x8000, s31  }
.LBB1_3:
0x22: {  	v0 =	vmov s15;
	_ =	sdelay $0x3  }
0x23: {  	s18 =	simm.s32 $0x0  }
0x24: {  	v6 =	vld.idx.msk [tilespmem:v0+s18+$0x30 ss:$0x1], $0xffff  }
0x25: {  	v7 =	vld.idx.msk [tilespmem:v0+s18+$0xFFFFFFC0 ss:$0x1], $0xffff  }
0x26: {  	v5 =	vld.idx.msk [tilespmem:v0+s18+$0xFFFFFFD0 ss:$0x1], $0xffff  }
0x27: {  	v4 =	vld.idx.msk [tilespmem:v0+s18+$0xFFFFFFE0 ss:$0x1], $0xffff  }
0x28: {  	v3 =	vld.idx.msk [tilespmem:v0+s18+$0xFFFFFFF0 ss:$0x1], $0xffff  }
0x29: {  	v1 =	vld.idx.msk [tilespmem:v0+s18+$0x0 ss:$0x1], $0xffff  }
0x2a: {  	v2 =	vld.idx.msk [tilespmem:v0+s18+$0x10 ss:$0x1], $0xffff;
	[tilespmem:s13+$0x30] =	vst v6  }
0x2b: {  	s17 =	simm.s32 $0x80;
	s19 =	simm.s32 $0x400;
	[tilespmem:s13+$0xFFFFFFC0] =	vst v7;
	v6 =	vld.idx.msk [tilespmem:v0+s18+$0x20 ss:$0x1], $0xffff;
	s18 =	smov.u32 s13  }
.LBB1_4:
0x2c: {  	p1 =	sne.s32 s19, $0xE00;
	v7 =	vld.idx.msk [tilespmem:v0+s17+$0x30 ss:$0x1], $0xffff;
	[tilespmem:s18+$0xFFFFFFD0] =	vst v5  }
0x2d: {  	v8 =	vld.idx.msk [tilespmem:v0+s17+$0xFFFFFFC0 ss:$0x1], $0xffff;
	[tilespmem:s18+$0xFFFFFFE0] =	vst v4  }
0x2e: {  	v5 =	vld.idx.msk [tilespmem:v0+s17+$0xFFFFFFD0 ss:$0x1], $0xffff;
	[tilespmem:s18+$0xFFFFFFF0] =	vst v3  }
.Ltmp3:
0x2f: {  	v4 =	vld.idx.msk [tilespmem:v0+s17+$0xFFFFFFE0 ss:$0x1], $0xffff;
	[tilespmem:s18+$0x0] =	vst v1;
	(pc) =	sbr.rel @p1 .LBB1_4-.Ltmp3, $4  }
0x30: {  	v3 =	vld.idx.msk [tilespmem:v0+s17+$0xFFFFFFF0 ss:$0x1], $0xffff;
	[tilespmem:s18+$0x10] =	vst v2  }
0x31: {  	v1 =	vld.idx.msk [tilespmem:v0+s17+$0x0 ss:$0x1], $0xffff;
	[tilespmem:s18+$0x20] =	vst v6;
	s18 =	sadd.s32 $0x800, s18  }
0x32: {  	v2 =	vld.idx.msk [tilespmem:v0+s17+$0x10 ss:$0x1], $0xffff;
	[tilespmem:s18+$0x30] =	vst v7  }
0x33: {  	[tilespmem:s18+$0xFFFFFFC0] =	vst v8;
	v6 =	vld.idx.msk [tilespmem:v0+s17+$0x20 ss:$0x1], $0xffff;
	s17 =	sshra.s32 s19, $0x2;
	s19 =	sadd.s32 $0x200, s19  }
0x34: {  	_ =	sdelay $0x2  }
0x35: {  	[tilespmem:s18+$0xFFFFFFD0] =	vst v5  }
0x36: {  	v56 =	vld.idx.msk [tilespmem:v0+s17+$0x30 ss:$0x1], $0xffff;
	[tilespmem:s18+$0xFFFFFFE0] =	vst v4  }
0x37: {  	v57 =	vld.idx.msk [tilespmem:v0+s17+$0xFFFFFFC0 ss:$0x1], $0xffff;
	[tilespmem:s18+$0xFFFFFFF0] =	vst v3  }
0x38: {  	v58 =	vld.idx.msk [tilespmem:v0+s17+$0xFFFFFFD0 ss:$0x1], $0xffff;
	[tilespmem:s18+$0x0] =	vst v1  }
0x39: {  	v59 =	vld.idx.msk [tilespmem:v0+s17+$0xFFFFFFE0 ss:$0x1], $0xffff;
	[tilespmem:s18+$0x10] =	vst v2  }
0x3a: {  	v60 =	vld.idx.msk [tilespmem:v0+s17+$0xFFFFFFF0 ss:$0x1], $0xffff;
	s31 =	sadd.s32 $0x800, s18;
	[tilespmem:s18+$0x20] =	vst v6  }
0x3b: {  	v61 =	vld.idx.msk [tilespmem:v0+s17+$0x0 ss:$0x1], $0xffff;
	[tilespmem:s31+$0x30] =	vst v56  }
0x3c: {  	v62 =	vld.idx.msk [tilespmem:v0+s17+$0x10 ss:$0x1], $0xffff;
	s16 =	sadd.s32 $0x1, s16;
	[tilespmem:s31+$0xFFFFFFC0] =	vst v57  }
0x3d: {  	v63 =	vld.idx.msk [tilespmem:v0+s17+$0x20 ss:$0x1], $0xffff;
	p1 =	sne.s32 s16, $0x10;
	[tilespmem:s31+$0xFFFFFFD0] =	vst v58  }
.Ltmp4:
0x3e: {  	[tilespmem:s31+$0xFFFFFFE0] =	vst v59;
	(pc) =	sbr.rel @p1 .LBB1_3-.Ltmp4, $4  }
0x3f: {  	[tilespmem:s31+$0xFFFFFFF0] =	vst v60  }
0x40: {  	[tilespmem:s31+$0x0] =	vst v61  }
0x41: {  	[tilespmem:s31+$0x10] =	vst v62  }
0x42: {  	s13 =	sadd.s32 $0x80, s13;
	s15 =	sadd.s32 $0x400, s15;
	[tilespmem:s31+$0x20] =	vst v63  }
.Ltmp5:
0x43: {  	(pc) =	sbr.rel .LBB1_7-.Ltmp5, $4  }
0x44: {  	s12 =	sshll.u32 s12, $0xC;
	s11 =	sshll.u32 s11, $0x4  }
0x45: {  	s11 =	sand.u32 $0x1F0, s11;
	s12 =	sadd.s32 s3, s12  }
0x46: {  	s11 =	sadd.s32 s11, s12  }
0x47: {  	[hbm4b:s11+s6] =	stream.strided.scatter [tilespmem:s14], [sflag:$0x2], $0x4000, s7, s6, $0x38;
	[tilespmem:$0x10000] =	vst v63  }
.LBB1_8:
0x48: {  	_ =	sfence.sel $0x180000  }
0x49: {  	s2 =	simm.s32 $0x1;
	[bflag:$0x0] =	sbarrier.arrive $0xFFFF  }
0x4a: {  	s31 =	simm.s32 $0x2;
	[sflag:s2] =	ssyncpa.u1 $0x1  }
0x4b: {  	[sflag:s31] =	ssyncpa.u1 $0x1  }
0x4c: {  	p0 =	sne.s32 s1, $0x0;
	_ =	strace $0x90000047  }
0x4d: {  	s0 =	sadd.s32 @!p0 $0x100000, s0;
	[bflag:$0x2] =	sbarrier.arrive $0xFFFF  }
0x4e: {  	[sflag:s0] =	ssyncadd.tile.s32 @!p0 $0x1;
	_ =	shalt  }
.Lfunc_end1:
_tile_overlayer_lowered:
.L_overlay_start_2:
0x4f: {  	(tag) =	ssettag $0x2  }
0x50: {  	s0 =	rddreg [dreg:$0x0];
	s2 =	stileid.u32  }
0x51: {  	s1 =	rddreg [dreg:$0x1];
	p0 =	sne.s32 s2, $0x0  }
0x52: {  	s3 =	rddreg [dreg:$0x2];
	[bflag:$0x3] =	sbarrier.arrive $0xFFFF;
	s2 =	simm.s32 @!p0 $0x1C01  }
0x53: {  	[timem:s3], [sflag:s2] =	dma.local @!p0 [hbm:s0], s1  }
0x54: {  	s0 =	simm.s32 @!p0 $0x1  }
0x55: {  	_ =	swait.ge @!p0 [sflag:s0], s1  }
0x56: {  	s1 =	ssub.s32 @!p0 $0x0, s1;
	[sflag:s0] =	ssyncset.done @!p0 $0x0  }
0x57: {  	[sflag:s0] =	ssyncadd.s32 @!p0 s1  }
0x58: {  	[bflag:$0x3] =	sbarrier.arrive $0xFFFF  }
0x59: {  	_ =	shalt  }

</sc_bundles>
